<compile_context>
chip_gen: v7x
topology: tpu7x:2x2x1
jax: 0.10.2.dev20260603
libtpu: 0.0.44.dev20260713+nightly
codegen_flags: <defaults>
</compile_context>

<pallas_src>
import functools

import jax
import jax.numpy as jnp
from jax import lax
from jax.experimental import pallas as pl
from jax.experimental.pallas import tpu as pltpu
from jax.experimental.pallas import tpu_sc as plsc

VOCAB = 60000
EMBED_DIM = 128
SEQ = 50
NSENT = 16384
SEQ_PAD = 64
NBUF = 4

_info = plsc.get_sparse_core_info()
_NC, _NS = _info.num_cores, _info.num_subcores
_NW = _NC * _NS

_PER_W = NSENT // _NW
_CH = 4
_STEPS = _PER_W // _CH

_mesh = plsc.VectorSubcoreMesh(core_axis_name="c", subcore_axis_name="s")


@functools.partial(
    pl.kernel,
    mesh=_mesh,
    out_type=jax.ShapeDtypeStruct((NSENT, SEQ, EMBED_DIM), jnp.float32),
    scratch_types=[
        pltpu.VMEM((NBUF, _CH, SEQ_PAD), jnp.int32),
        pltpu.VMEM((NBUF, _CH, SEQ, EMBED_DIM), jnp.float32),
        [pltpu.SemaphoreType.DMA] * NBUF,
        [pltpu.SemaphoreType.DMA] * NBUF,
        [pltpu.SemaphoreType.DMA] * NBUF,
    ],
)
def _gather_kernel(idx_hbm, table_hbm, out_hbm, idx_v, rows_v, sg, so, si):
    wid = lax.axis_index("s") * _NC + lax.axis_index("c")
    base_sent = wid * _PER_W

    def fetch_idx(c, b):
        pltpu.async_copy(
            idx_hbm.at[pl.ds(base_sent + c * _CH, _CH)], idx_v.at[b], si[b]
        )

    def fire_gathers(c, b):
        pltpu.make_async_copy(
            idx_hbm.at[pl.ds(base_sent, _CH)], idx_v.at[b], si[b]
        ).wait()
        for j in range(_CH):
            pltpu.async_copy(
                table_hbm.at[idx_v.at[b, j, pl.ds(0, SEQ)]],
                rows_v.at[b, j],
                sg[b],
            )

    def retire_chunk(c, b, last):
        for _ in range(_CH):
            pltpu.make_async_copy(
                table_hbm.at[idx_v.at[b, 0, pl.ds(0, SEQ)]],
                rows_v.at[b, 0],
                sg[b],
            ).wait()
        if not last:
            @pl.when(c + NBUF < _STEPS)
            def _():
                fetch_idx(c + NBUF, b)

        pltpu.async_copy(
            rows_v.at[b], out_hbm.at[pl.ds(base_sent + c * _CH, _CH)], so[b]
        )

    def wait_write(b):
        pltpu.make_async_copy(
            rows_v.at[b], out_hbm.at[pl.ds(base_sent, _CH)], so[b]
        ).wait()

    for b in range(NBUF):
        fetch_idx(b, b)
    fire_gathers(0, 0)

    def step(c, b, first):
        bp = (b - 1) % NBUF
        if not first:
            wait_write(b)
        fire_gathers(c, b)
        retire_chunk(c - 1, bp, last=False)

    for b in range(1, NBUF):
        step(b, b, True)

    def body(g, _):
        for b in range(NBUF):
            step(g * NBUF + b, b, False)
        return _

    lax.fori_loop(1, _STEPS // NBUF, body, None)

    retire_chunk(_STEPS - 1, (NBUF - 1) % NBUF, last=True)
    for b in range(NBUF):
        wait_write(b)


def kernel(x, table):
    idx = jnp.pad(x.astype(jnp.int32), ((0, 0), (0, SEQ_PAD - SEQ)))
    return _gather_kernel(idx, table)

# --- scband reference (transcript-rebuilt; emitter-appended) ---
"""Pipeline reference for scband-test-model-13451837571265 (READ-ONLY COPY).

The authoritative reference and input builder live on the scoring server;
editing this copy changes nothing except your own understanding.
"""

import jax, jax.numpy as jnp
import numpy as np

VOCAB = 60000
EMBED_DIM = 128

def setup_inputs(seed: int = 0) -> dict:
    key = jax.random.key(seed)
    k1, k2 = jax.random.split(key)
    x = jax.random.randint(k1, (16384, 50), 0, VOCAB, dtype=jnp.int64 if jax.config.jax_enable_x64 else jnp.int32)
    table = jax.random.normal(k2, (VOCAB, EMBED_DIM), dtype=jnp.float32)
    return {"x": x, "table": table}

def reference(x, table):
    # nn.Embedding forward: gather rows of the table by index
    return jnp.take(table, x, axis=0)

if __name__ == "__main__":
    import jax
    _d = setup_inputs()
    print(jax.jit(kernel)(*tuple(_d.values())))

</pallas_src>

<mosaic_0001>
#map = affine_map<(d0, d1) -> (0, 0)>
#map1 = affine_map<(d0, d1) -> (0, 0, 0)>
module attributes {stable_mosaic.version = 14 : i64} {
  func.func @_gather_kernel(%arg0: i32, %arg1: i32, %arg2: memref<16384x64xi32, #tpu.memory_space<hbm>>, %arg3: memref<60000x128xf32, #tpu.memory_space<hbm>>, %arg4: memref<16384x50x128xf32, #tpu.memory_space<hbm>>, %arg5: memref<4x4x64xi32, #tpu.memory_space<vmem>>, %arg6: memref<4x4x50x128xf32, #tpu.memory_space<vmem>>, %arg7: memref<!tpu.dma_semaphore, #tpu.memory_space<semaphore_mem>>, %arg8: memref<!tpu.dma_semaphore, #tpu.memory_space<semaphore_mem>>, %arg9: memref<!tpu.dma_semaphore, #tpu.memory_space<semaphore_mem>>, %arg10: memref<!tpu.dma_semaphore, #tpu.memory_space<semaphore_mem>>, %arg11: memref<!tpu.dma_semaphore, #tpu.memory_space<semaphore_mem>>, %arg12: memref<!tpu.dma_semaphore, #tpu.memory_space<semaphore_mem>>, %arg13: memref<!tpu.dma_semaphore, #tpu.memory_space<semaphore_mem>>, %arg14: memref<!tpu.dma_semaphore, #tpu.memory_space<semaphore_mem>>, %arg15: memref<!tpu.dma_semaphore, #tpu.memory_space<semaphore_mem>>, %arg16: memref<!tpu.dma_semaphore, #tpu.memory_space<semaphore_mem>>, %arg17: memref<!tpu.dma_semaphore, #tpu.memory_space<semaphore_mem>>, %arg18: memref<!tpu.dma_semaphore, #tpu.memory_space<semaphore_mem>>) attributes {dimension_semantics = [#tpu.dimension_semantics<core_parallel>, #tpu.dimension_semantics<subcore_parallel>], iteration_bounds = array<i64: 2, 16>, scalar_prefetch = 0 : i64, scratch_operands = 14 : i64, tpu.core_type = #tpu.core_type<sc_vector_subcore>, window_params = [{transform_indices = #map}, {transform_indices = #map}, {transform_indices = #map1}]} {
    %mul3A = arith.constant 2 : i32
    %mul3A_0 = arith.muli %arg1, %mul3A : i32
    %add3A = arith.addi %mul3A_0, %arg0 : i32
    %mul3A_1 = arith.constant 512 : i32
    %mul3A_2 = arith.muli %add3A, %mul3A_1 : i32
    %add3A_3 = arith.constant 0 : i32
    %add3A_4 = arith.addi %mul3A_2, %add3A_3 : i32
    %dma_start3A = arith.constant 0 : i32
    %dma_start3A_5 = arith.constant 0 : i32
    %dma_start3A_6 = arith.constant 0 : i32
    %dma_start3A_7 = tpu.memref_slice %arg5[%dma_start3A, %dma_start3A_5, %dma_start3A_6] : memref<4x4x64xi32, #tpu.memory_space<vmem>> -> memref<1x4x64xi32, #tpu.memory_space<vmem>>
    %dma_start3A_8 = tpu.memref_squeeze %dma_start3A_7 : memref<1x4x64xi32, #tpu.memory_space<vmem>> -> memref<4x64xi32, #tpu.memory_space<vmem>>
    %dma_start3A_9 = arith.constant 0 : i32
    %dma_start3A_10 = tpu.memref_slice %arg2[%add3A_4, %dma_start3A_9] : memref<16384x64xi32, #tpu.memory_space<hbm>> -> memref<4x64xi32, #tpu.memory_space<hbm>>
    %dma_start3A_11 = arith.constant 0 : i32
    %dma_start3A_12 = arith.constant 0 : i32
    %dma_start3A_13 = tpu.memref_slice %arg5[%dma_start3A, %dma_start3A_11, %dma_start3A_12] : memref<4x4x64xi32, #tpu.memory_space<vmem>> -> memref<1x4x64xi32, #tpu.memory_space<vmem>>
    %dma_start3A_14 = tpu.memref_squeeze %dma_start3A_13 : memref<1x4x64xi32, #tpu.memory_space<vmem>> -> memref<4x64xi32, #tpu.memory_space<vmem>>
    %dma_start3A_15 = arith.constant 0 : i32
    %dma_start3A_16 = tpu.memref_slice %arg2[%add3A_4, %dma_start3A_15] : memref<16384x64xi32, #tpu.memory_space<hbm>> -> memref<4x64xi32, #tpu.memory_space<hbm>>
    tpu.enqueue_dma source(%dma_start3A_16 : memref<4x64xi32, #tpu.memory_space<hbm>>) target(%dma_start3A_14 : memref<4x64xi32, #tpu.memory_space<vmem>>) target_semaphore(%arg15 : memref<!tpu.dma_semaphore, #tpu.memory_space<semaphore_mem>>)
    %add3A_17 = arith.constant 4 : i32
    %add3A_18 = arith.addi %mul3A_2, %add3A_17 : i32
    %dma_start3A_19 = arith.constant 1 : i32
    %dma_start3A_20 = arith.constant 0 : i32
    %dma_start3A_21 = arith.constant 0 : i32
    %dma_start3A_22 = tpu.memref_slice %arg5[%dma_start3A_19, %dma_start3A_20, %dma_start3A_21] : memref<4x4x64xi32, #tpu.memory_space<vmem>> -> memref<1x4x64xi32, #tpu.memory_space<vmem>>
    %dma_start3A_23 = tpu.memref_squeeze %dma_start3A_22 : memref<1x4x64xi32, #tpu.memory_space<vmem>> -> memref<4x64xi32, #tpu.memory_space<vmem>>
    %dma_start3A_24 = arith.constant 0 : i32
    %dma_start3A_25 = tpu.memref_slice %arg2[%add3A_18, %dma_start3A_24] : memref<16384x64xi32, #tpu.memory_space<hbm>> -> memref<4x64xi32, #tpu.memory_space<hbm>>
    %dma_start3A_26 = arith.constant 0 : i32
    %dma_start3A_27 = arith.constant 0 : i32
    %dma_start3A_28 = tpu.memref_slice %arg5[%dma_start3A_19, %dma_start3A_26, %dma_start3A_27] : memref<4x4x64xi32, #tpu.memory_space<vmem>> -> memref<1x4x64xi32, #tpu.memory_space<vmem>>
    %dma_start3A_29 = tpu.memref_squeeze %dma_start3A_28 : memref<1x4x64xi32, #tpu.memory_space<vmem>> -> memref<4x64xi32, #tpu.memory_space<vmem>>
    %dma_start3A_30 = arith.constant 0 : i32
    %dma_start3A_31 = tpu.memref_slice %arg2[%add3A_18, %dma_start3A_30] : memref<16384x64xi32, #tpu.memory_space<hbm>> -> memref<4x64xi32, #tpu.memory_space<hbm>>
    tpu.enqueue_dma source(%dma_start3A_31 : memref<4x64xi32, #tpu.memory_space<hbm>>) target(%dma_start3A_29 : memref<4x64xi32, #tpu.memory_space<vmem>>) target_semaphore(%arg16 : memref<!tpu.dma_semaphore, #tpu.memory_space<semaphore_mem>>)
    %add3A_32 = arith.constant 8 : i32
    %add3A_33 = arith.addi %mul3A_2, %add3A_32 : i32
    %dma_start3A_34 = arith.constant 2 : i32
    %dma_start3A_35 = arith.constant 0 : i32
    %dma_start3A_36 = arith.constant 0 : i32
    %dma_start3A_37 = tpu.memref_slice %arg5[%dma_start3A_34, %dma_start3A_35, %dma_start3A_36] : memref<4x4x64xi32, #tpu.memory_space<vmem>> -> memref<1x4x64xi32, #tpu.memory_space<vmem>>
    %dma_start3A_38 = tpu.memref_squeeze %dma_start3A_37 : memref<1x4x64xi32, #tpu.memory_space<vmem>> -> memref<4x64xi32, #tpu.memory_space<vmem>>
    %dma_start3A_39 = arith.constant 0 : i32
    %dma_start3A_40 = tpu.memref_slice %arg2[%add3A_33, %dma_start3A_39] : memref<16384x64xi32, #tpu.memory_space<hbm>> -> memref<4x64xi32, #tpu.memory_space<hbm>>
    %dma_start3A_41 = arith.constant 0 : i32
    %dma_start3A_42 = arith.constant 0 : i32
    %dma_start3A_43 = tpu.memref_slice %arg5[%dma_start3A_34, %dma_start3A_41, %dma_start3A_42] : memref<4x4x64xi32, #tpu.memory_space<vmem>> -> memref<1x4x64xi32, #tpu.memory_space<vmem>>
    %dma_start3A_44 = tpu.memref_squeeze %dma_start3A_43 : memref<1x4x64xi32, #tpu.memory_space<vmem>> -> memref<4x64xi32, #tpu.memory_space<vmem>>
    %dma_start3A_45 = arith.constant 0 : i32
    %dma_start3A_46 = tpu.memref_slice %arg2[%add3A_33, %dma_start3A_45] : memref<16384x64xi32, #tpu.memory_space<hbm>> -> memref<4x64xi32, #tpu.memory_space<hbm>>
    tpu.enqueue_dma source(%dma_start3A_46 : memref<4x64xi32, #tpu.memory_space<hbm>>) target(%dma_start3A_44 : memref<4x64xi32, #tpu.memory_space<vmem>>) target_semaphore(%arg17 : memref<!tpu.dma_semaphore, #tpu.memory_space<semaphore_mem>>)
    %add3A_47 = arith.constant 12 : i32
    %add3A_48 = arith.addi %mul3A_2, %add3A_47 : i32
    %dma_start3A_49 = arith.constant 3 : i32
    %dma_start3A_50 = arith.constant 0 : i32
    %dma_start3A_51 = arith.constant 0 : i32
    %dma_start3A_52 = tpu.memref_slice %arg5[%dma_start3A_49, %dma_start3A_50, %dma_start3A_51] : memref<4x4x64xi32, #tpu.memory_space<vmem>> -> memref<1x4x64xi32, #tpu.memory_space<vmem>>
    %dma_start3A_53 = tpu.memref_squeeze %dma_start3A_52 : memref<1x4x64xi32, #tpu.memory_space<vmem>> -> memref<4x64xi32, #tpu.memory_space<vmem>>
    %dma_start3A_54 = arith.constant 0 : i32
    %dma_start3A_55 = tpu.memref_slice %arg2[%add3A_48, %dma_start3A_54] : memref<16384x64xi32, #tpu.memory_space<hbm>> -> memref<4x64xi32, #tpu.memory_space<hbm>>
    %dma_start3A_56 = arith.constant 0 : i32
    %dma_start3A_57 = arith.constant 0 : i32
    %dma_start3A_58 = tpu.memref_slice %arg5[%dma_start3A_49, %dma_start3A_56, %dma_start3A_57] : memref<4x4x64xi32, #tpu.memory_space<vmem>> -> memref<1x4x64xi32, #tpu.memory_space<vmem>>
    %dma_start3A_59 = tpu.memref_squeeze %dma_start3A_58 : memref<1x4x64xi32, #tpu.memory_space<vmem>> -> memref<4x64xi32, #tpu.memory_space<vmem>>
    %dma_start3A_60 = arith.constant 0 : i32
    %dma_start3A_61 = tpu.memref_slice %arg2[%add3A_48, %dma_start3A_60] : memref<16384x64xi32, #tpu.memory_space<hbm>> -> memref<4x64xi32, #tpu.memory_space<hbm>>
    tpu.enqueue_dma source(%dma_start3A_61 : memref<4x64xi32, #tpu.memory_space<hbm>>) target(%dma_start3A_59 : memref<4x64xi32, #tpu.memory_space<vmem>>) target_semaphore(%arg18 : memref<!tpu.dma_semaphore, #tpu.memory_space<semaphore_mem>>)
    %dma_wait3A = arith.constant 0 : i32
    %dma_wait3A_62 = arith.constant 0 : i32
    %dma_wait3A_63 = arith.constant 0 : i32
    %dma_wait3A_64 = tpu.memref_slice %arg5[%dma_wait3A, %dma_wait3A_62, %dma_wait3A_63] : memref<4x4x64xi32, #tpu.memory_space<vmem>> -> memref<1x4x64xi32, #tpu.memory_space<vmem>>
    %dma_wait3A_65 = tpu.memref_squeeze %dma_wait3A_64 : memref<1x4x64xi32, #tpu.memory_space<vmem>> -> memref<4x64xi32, #tpu.memory_space<vmem>>
    %dma_wait3A_66 = arith.constant 0 : i32
    %dma_wait3A_67 = tpu.memref_slice %arg2[%mul3A_2, %dma_wait3A_66] : memref<16384x64xi32, #tpu.memory_space<hbm>> -> memref<4x64xi32, #tpu.memory_space<hbm>>
    %dma_wait3A_68 = arith.constant 0 : i32
    %dma_wait3A_69 = arith.constant 0 : i32
    %dma_wait3A_70 = tpu.memref_slice %arg5[%dma_wait3A, %dma_wait3A_68, %dma_wait3A_69] : memref<4x4x64xi32, #tpu.memory_space<vmem>> -> memref<1x4x64xi32, #tpu.memory_space<vmem>>
    %dma_wait3A_71 = tpu.memref_squeeze %dma_wait3A_70 : memref<1x4x64xi32, #tpu.memory_space<vmem>> -> memref<4x64xi32, #tpu.memory_space<vmem>>
    %dma_wait3A_72 = arith.constant 0 : i32
    %dma_wait3A_73 = tpu.memref_slice %arg2[%mul3A_2, %dma_wait3A_72] : memref<16384x64xi32, #tpu.memory_space<hbm>> -> memref<4x64xi32, #tpu.memory_space<hbm>>
    tpu.wait_dma2 semaphore(%arg15 : memref<!tpu.dma_semaphore, #tpu.memory_space<semaphore_mem>>) src(%dma_wait3A_73 : memref<4x64xi32, #tpu.memory_space<hbm>>) dst(%dma_wait3A_71 : memref<4x64xi32, #tpu.memory_space<vmem>>)
    %dma_start3A_74 = arith.constant 0 : i32
    %dma_start3A_75 = arith.constant 0 : i32
    %dma_start3A_76 = arith.constant 0 : i32
    %dma_start3A_77 = arith.constant 0 : i32
    %dma_start3A_78 = arith.constant 0 : i32
    %dma_start3A_79 = arith.constant 0 : i32
    %dma_start3A_80 = tpu.memref_slice %arg6[%dma_start3A_76, %dma_start3A_77, %dma_start3A_78, %dma_start3A_79] : memref<4x4x50x128xf32, #tpu.memory_space<vmem>> -> memref<1x1x50x128xf32, #tpu.memory_space<vmem>>
    %dma_start3A_81 = tpu.memref_squeeze %dma_start3A_80 : memref<1x1x50x128xf32, #tpu.memory_space<vmem>> -> memref<50x128xf32, #tpu.memory_space<vmem>>
    %dma_start3A_82 = arith.constant 0 : i32
    %dma_start3A_83 = tpu.memref_slice %arg5[%dma_start3A_74, %dma_start3A_75, %dma_start3A_82] : memref<4x4x64xi32, #tpu.memory_space<vmem>> -> memref<1x1x50xi32, #tpu.memory_space<vmem>>
    %dma_start3A_84 = tpu.memref_squeeze %dma_start3A_83 : memref<1x1x50xi32, #tpu.memory_space<vmem>> -> memref<50xi32, #tpu.memory_space<vmem>>
    %dma_start3A_85 = arith.constant 0 : i32
    %dma_start3A_86 = arith.constant 0 : i32
    %dma_start3A_87 = tpu.memref_slice %arg3[%dma_start3A_85, %dma_start3A_86] : memref<60000x128xf32, #tpu.memory_space<hbm>> -> memref<60000x128xf32, #tpu.memory_space<hbm>>
    tpu.enqueue_indirect_dma source(%dma_start3A_87 : memref<60000x128xf32, #tpu.memory_space<hbm>>) target(%dma_start3A_81 : memref<50x128xf32, #tpu.memory_space<vmem>>) offsets(%dma_start3A_84 : memref<50xi32, #tpu.memory_space<vmem>>) semaphore(%arg7 : memref<!tpu.dma_semaphore, #tpu.memory_space<semaphore_mem>>)
    %dma_start3A_88 = arith.constant 0 : i32
    %dma_start3A_89 = arith.constant 1 : i32
    %dma_start3A_90 = arith.constant 0 : i32
    %dma_start3A_91 = arith.constant 1 : i32
    %dma_start3A_92 = arith.constant 0 : i32
    %dma_start3A_93 = arith.constant 0 : i32
    %dma_start3A_94 = tpu.memref_slice %arg6[%dma_start3A_90, %dma_start3A_91, %dma_start3A_92, %dma_start3A_93] : memref<4x4x50x128xf32, #tpu.memory_space<vmem>> -> memref<1x1x50x128xf32, #tpu.memory_space<vmem>>
    %dma_start3A_95 = tpu.memref_squeeze %dma_start3A_94 : memref<1x1x50x128xf32, #tpu.memory_space<vmem>> -> memref<50x128xf32, #tpu.memory_space<vmem>>
    %dma_start3A_96 = arith.constant 0 : i32
    %dma_start3A_97 = tpu.memref_slice %arg5[%dma_start3A_88, %dma_start3A_89, %dma_start3A_96] : memref<4x4x64xi32, #tpu.memory_space<vmem>> -> memref<1x1x50xi32, #tpu.memory_space<vmem>>
    %dma_start3A_98 = tpu.memref_squeeze %dma_start3A_97 : memref<1x1x50xi32, #tpu.memory_space<vmem>> -> memref<50xi32, #tpu.memory_space<vmem>>
    %dma_start3A_99 = arith.constant 0 : i32
    %dma_start3A_100 = arith.constant 0 : i32
    %dma_start3A_101 = tpu.memref_slice %arg3[%dma_start3A_99, %dma_start3A_100] : memref<60000x128xf32, #tpu.memory_space<hbm>> -> memref<60000x128xf32, #tpu.memory_space<hbm>>
    tpu.enqueue_indirect_dma source(%dma_start3A_101 : memref<60000x128xf32, #tpu.memory_space<hbm>>) target(%dma_start3A_95 : memref<50x128xf32, #tpu.memory_space<vmem>>) offsets(%dma_start3A_98 : memref<50xi32, #tpu.memory_space<vmem>>) semaphore(%arg7 : memref<!tpu.dma_semaphore, #tpu.memory_space<semaphore_mem>>)
    %dma_start3A_102 = arith.constant 0 : i32
    %dma_start3A_103 = arith.constant 2 : i32
    %dma_start3A_104 = arith.constant 0 : i32
    %dma_start3A_105 = arith.constant 2 : i32
    %dma_start3A_106 = arith.constant 0 : i32
    %dma_start3A_107 = arith.constant 0 : i32
    %dma_start3A_108 = tpu.memref_slice %arg6[%dma_start3A_104, %dma_start3A_105, %dma_start3A_106, %dma_start3A_107] : memref<4x4x50x128xf32, #tpu.memory_space<vmem>> -> memref<1x1x50x128xf32, #tpu.memory_space<vmem>>
    %dma_start3A_109 = tpu.memref_squeeze %dma_start3A_108 : memref<1x1x50x128xf32, #tpu.memory_space<vmem>> -> memref<50x128xf32, #tpu.memory_space<vmem>>
    %dma_start3A_110 = arith.constant 0 : i32
    %dma_start3A_111 = tpu.memref_slice %arg5[%dma_start3A_102, %dma_start3A_103, %dma_start3A_110] : memref<4x4x64xi32, #tpu.memory_space<vmem>> -> memref<1x1x50xi32, #tpu.memory_space<vmem>>
    %dma_start3A_112 = tpu.memref_squeeze %dma_start3A_111 : memref<1x1x50xi32, #tpu.memory_space<vmem>> -> memref<50xi32, #tpu.memory_space<vmem>>
    %dma_start3A_113 = arith.constant 0 : i32
    %dma_start3A_114 = arith.constant 0 : i32
    %dma_start3A_115 = tpu.memref_slice %arg3[%dma_start3A_113, %dma_start3A_114] : memref<60000x128xf32, #tpu.memory_space<hbm>> -> memref<60000x128xf32, #tpu.memory_space<hbm>>
    tpu.enqueue_indirect_dma source(%dma_start3A_115 : memref<60000x128xf32, #tpu.memory_space<hbm>>) target(%dma_start3A_109 : memref<50x128xf32, #tpu.memory_space<vmem>>) offsets(%dma_start3A_112 : memref<50xi32, #tpu.memory_space<vmem>>) semaphore(%arg7 : memref<!tpu.dma_semaphore, #tpu.memory_space<semaphore_mem>>)
    %dma_start3A_116 = arith.constant 0 : i32
    %dma_start3A_117 = arith.constant 3 : i32
    %dma_start3A_118 = arith.constant 0 : i32
    %dma_start3A_119 = arith.constant 3 : i32
    %dma_start3A_120 = arith.constant 0 : i32
    %dma_start3A_121 = arith.constant 0 : i32
    %dma_start3A_122 = tpu.memref_slice %arg6[%dma_start3A_118, %dma_start3A_119, %dma_start3A_120, %dma_start3A_121] : memref<4x4x50x128xf32, #tpu.memory_space<vmem>> -> memref<1x1x50x128xf32, #tpu.memory_space<vmem>>
    %dma_start3A_123 = tpu.memref_squeeze %dma_start3A_122 : memref<1x1x50x128xf32, #tpu.memory_space<vmem>> -> memref<50x128xf32, #tpu.memory_space<vmem>>
    %dma_start3A_124 = arith.constant 0 : i32
    %dma_start3A_125 = tpu.memref_slice %arg5[%dma_start3A_116, %dma_start3A_117, %dma_start3A_124] : memref<4x4x64xi32, #tpu.memory_space<vmem>> -> memref<1x1x50xi32, #tpu.memory_space<vmem>>
    %dma_start3A_126 = tpu.memref_squeeze %dma_start3A_125 : memref<1x1x50xi32, #tpu.memory_space<vmem>> -> memref<50xi32, #tpu.memory_space<vmem>>
    %dma_start3A_127 = arith.constant 0 : i32
    %dma_start3A_128 = arith.constant 0 : i32
    %dma_start3A_129 = tpu.memref_slice %arg3[%dma_start3A_127, %dma_start3A_128] : memref<60000x128xf32, #tpu.memory_space<hbm>> -> memref<60000x128xf32, #tpu.memory_space<hbm>>
    tpu.enqueue_indirect_dma source(%dma_start3A_129 : memref<60000x128xf32, #tpu.memory_space<hbm>>) target(%dma_start3A_123 : memref<50x128xf32, #tpu.memory_space<vmem>>) offsets(%dma_start3A_126 : memref<50xi32, #tpu.memory_space<vmem>>) semaphore(%arg7 : memref<!tpu.dma_semaphore, #tpu.memory_space<semaphore_mem>>)
    %dma_wait3A_130 = arith.constant 1 : i32
    %dma_wait3A_131 = arith.constant 0 : i32
    %dma_wait3A_132 = arith.constant 0 : i32
    %dma_wait3A_133 = tpu.memref_slice %arg5[%dma_wait3A_130, %dma_wait3A_131, %dma_wait3A_132] : memref<4x4x64xi32, #tpu.memory_space<vmem>> -> memref<1x4x64xi32, #tpu.memory_space<vmem>>
    %dma_wait3A_134 = tpu.memref_squeeze %dma_wait3A_133 : memref<1x4x64xi32, #tpu.memory_space<vmem>> -> memref<4x64xi32, #tpu.memory_space<vmem>>
    %dma_wait3A_135 = arith.constant 0 : i32
    %dma_wait3A_136 = tpu.memref_slice %arg2[%mul3A_2, %dma_wait3A_135] : memref<16384x64xi32, #tpu.memory_space<hbm>> -> memref<4x64xi32, #tpu.memory_space<hbm>>
    %dma_wait3A_137 = arith.constant 0 : i32
    %dma_wait3A_138 = arith.constant 0 : i32
    %dma_wait3A_139 = tpu.memref_slice %arg5[%dma_wait3A_130, %dma_wait3A_137, %dma_wait3A_138] : memref<4x4x64xi32, #tpu.memory_space<vmem>> -> memref<1x4x64xi32, #tpu.memory_space<vmem>>
    %dma_wait3A_140 = tpu.memref_squeeze %dma_wait3A_139 : memref<1x4x64xi32, #tpu.memory_space<vmem>> -> memref<4x64xi32, #tpu.memory_space<vmem>>
    %dma_wait3A_141 = arith.constant 0 : i32
    %dma_wait3A_142 = tpu.memref_slice %arg2[%mul3A_2, %dma_wait3A_141] : memref<16384x64xi32, #tpu.memory_space<hbm>> -> memref<4x64xi32, #tpu.memory_space<hbm>>
    tpu.wait_dma2 semaphore(%arg16 : memref<!tpu.dma_semaphore, #tpu.memory_space<semaphore_mem>>) src(%dma_wait3A_142 : memref<4x64xi32, #tpu.memory_space<hbm>>) dst(%dma_wait3A_140 : memref<4x64xi32, #tpu.memory_space<vmem>>)
    %dma_start3A_143 = arith.constant 1 : i32
    %dma_start3A_144 = arith.constant 0 : i32
    %dma_start3A_145 = arith.constant 1 : i32
    %dma_start3A_146 = arith.constant 0 : i32
    %dma_start3A_147 = arith.constant 0 : i32
    %dma_start3A_148 = arith.constant 0 : i32
    %dma_start3A_149 = tpu.memref_slice %arg6[%dma_start3A_145, %dma_start3A_146, %dma_start3A_147, %dma_start3A_148] : memref<4x4x50x128xf32, #tpu.memory_space<vmem>> -> memref<1x1x50x128xf32, #tpu.memory_space<vmem>>
    %dma_start3A_150 = tpu.memref_squeeze %dma_start3A_149 : memref<1x1x50x128xf32, #tpu.memory_space<vmem>> -> memref<50x128xf32, #tpu.memory_space<vmem>>
    %dma_start3A_151 = arith.constant 0 : i32
    %dma_start3A_152 = tpu.memref_slice %arg5[%dma_start3A_143, %dma_start3A_144, %dma_start3A_151] : memref<4x4x64xi32, #tpu.memory_space<vmem>> -> memref<1x1x50xi32, #tpu.memory_space<vmem>>
    %dma_start3A_153 = tpu.memref_squeeze %dma_start3A_152 : memref<1x1x50xi32, #tpu.memory_space<vmem>> -> memref<50xi32, #tpu.memory_space<vmem>>
    %dma_start3A_154 = arith.constant 0 : i32
    %dma_start3A_155 = arith.constant 0 : i32
    %dma_start3A_156 = tpu.memref_slice %arg3[%dma_start3A_154, %dma_start3A_155] : memref<60000x128xf32, #tpu.memory_space<hbm>> -> memref<60000x128xf32, #tpu.memory_space<hbm>>
    tpu.enqueue_indirect_dma source(%dma_start3A_156 : memref<60000x128xf32, #tpu.memory_space<hbm>>) target(%dma_start3A_150 : memref<50x128xf32, #tpu.memory_space<vmem>>) offsets(%dma_start3A_153 : memref<50xi32, #tpu.memory_space<vmem>>) semaphore(%arg8 : memref<!tpu.dma_semaphore, #tpu.memory_space<semaphore_mem>>)
    %dma_start3A_157 = arith.constant 1 : i32
    %dma_start3A_158 = arith.constant 1 : i32
    %dma_start3A_159 = arith.constant 1 : i32
    %dma_start3A_160 = arith.constant 1 : i32
    %dma_start3A_161 = arith.constant 0 : i32
    %dma_start3A_162 = arith.constant 0 : i32
    %dma_start3A_163 = tpu.memref_slice %arg6[%dma_start3A_159, %dma_start3A_160, %dma_start3A_161, %dma_start3A_162] : memref<4x4x50x128xf32, #tpu.memory_space<vmem>> -> memref<1x1x50x128xf32, #tpu.memory_space<vmem>>
    %dma_start3A_164 = tpu.memref_squeeze %dma_start3A_163 : memref<1x1x50x128xf32, #tpu.memory_space<vmem>> -> memref<50x128xf32, #tpu.memory_space<vmem>>
    %dma_start3A_165 = arith.constant 0 : i32
    %dma_start3A_166 = tpu.memref_slice %arg5[%dma_start3A_157, %dma_start3A_158, %dma_start3A_165] : memref<4x4x64xi32, #tpu.memory_space<vmem>> -> memref<1x1x50xi32, #tpu.memory_space<vmem>>
    %dma_start3A_167 = tpu.memref_squeeze %dma_start3A_166 : memref<1x1x50xi32, #tpu.memory_space<vmem>> -> memref<50xi32, #tpu.memory_space<vmem>>
    %dma_start3A_168 = arith.constant 0 : i32
    %dma_start3A_169 = arith.constant 0 : i32
    %dma_start3A_170 = tpu.memref_slice %arg3[%dma_start3A_168, %dma_start3A_169] : memref<60000x128xf32, #tpu.memory_space<hbm>> -> memref<60000x128xf32, #tpu.memory_space<hbm>>
    tpu.enqueue_indirect_dma source(%dma_start3A_170 : memref<60000x128xf32, #tpu.memory_space<hbm>>) target(%dma_start3A_164 : memref<50x128xf32, #tpu.memory_space<vmem>>) offsets(%dma_start3A_167 : memref<50xi32, #tpu.memory_space<vmem>>) semaphore(%arg8 : memref<!tpu.dma_semaphore, #tpu.memory_space<semaphore_mem>>)
    %dma_start3A_171 = arith.constant 1 : i32
    %dma_start3A_172 = arith.constant 2 : i32
    %dma_start3A_173 = arith.constant 1 : i32
    %dma_start3A_174 = arith.constant 2 : i32
    %dma_start3A_175 = arith.constant 0 : i32
    %dma_start3A_176 = arith.constant 0 : i32
    %dma_start3A_177 = tpu.memref_slice %arg6[%dma_start3A_173, %dma_start3A_174, %dma_start3A_175, %dma_start3A_176] : memref<4x4x50x128xf32, #tpu.memory_space<vmem>> -> memref<1x1x50x128xf32, #tpu.memory_space<vmem>>
    %dma_start3A_178 = tpu.memref_squeeze %dma_start3A_177 : memref<1x1x50x128xf32, #tpu.memory_space<vmem>> -> memref<50x128xf32, #tpu.memory_space<vmem>>
    %dma_start3A_179 = arith.constant 0 : i32
    %dma_start3A_180 = tpu.memref_slice %arg5[%dma_start3A_171, %dma_start3A_172, %dma_start3A_179] : memref<4x4x64xi32, #tpu.memory_space<vmem>> -> memref<1x1x50xi32, #tpu.memory_space<vmem>>
    %dma_start3A_181 = tpu.memref_squeeze %dma_start3A_180 : memref<1x1x50xi32, #tpu.memory_space<vmem>> -> memref<50xi32, #tpu.memory_space<vmem>>
    %dma_start3A_182 = arith.constant 0 : i32
    %dma_start3A_183 = arith.constant 0 : i32
    %dma_start3A_184 = tpu.memref_slice %arg3[%dma_start3A_182, %dma_start3A_183] : memref<60000x128xf32, #tpu.memory_space<hbm>> -> memref<60000x128xf32, #tpu.memory_space<hbm>>
    tpu.enqueue_indirect_dma source(%dma_start3A_184 : memref<60000x128xf32, #tpu.memory_space<hbm>>) target(%dma_start3A_178 : memref<50x128xf32, #tpu.memory_space<vmem>>) offsets(%dma_start3A_181 : memref<50xi32, #tpu.memory_space<vmem>>) semaphore(%arg8 : memref<!tpu.dma_semaphore, #tpu.memory_space<semaphore_mem>>)
    %dma_start3A_185 = arith.constant 1 : i32
    %dma_start3A_186 = arith.constant 3 : i32
    %dma_start3A_187 = arith.constant 1 : i32
    %dma_start3A_188 = arith.constant 3 : i32
    %dma_start3A_189 = arith.constant 0 : i32
    %dma_start3A_190 = arith.constant 0 : i32
    %dma_start3A_191 = tpu.memref_slice %arg6[%dma_start3A_187, %dma_start3A_188, %dma_start3A_189, %dma_start3A_190] : memref<4x4x50x128xf32, #tpu.memory_space<vmem>> -> memref<1x1x50x128xf32, #tpu.memory_space<vmem>>
    %dma_start3A_192 = tpu.memref_squeeze %dma_start3A_191 : memref<1x1x50x128xf32, #tpu.memory_space<vmem>> -> memref<50x128xf32, #tpu.memory_space<vmem>>
    %dma_start3A_193 = arith.constant 0 : i32
    %dma_start3A_194 = tpu.memref_slice %arg5[%dma_start3A_185, %dma_start3A_186, %dma_start3A_193] : memref<4x4x64xi32, #tpu.memory_space<vmem>> -> memref<1x1x50xi32, #tpu.memory_space<vmem>>
    %dma_start3A_195 = tpu.memref_squeeze %dma_start3A_194 : memref<1x1x50xi32, #tpu.memory_space<vmem>> -> memref<50xi32, #tpu.memory_space<vmem>>
    %dma_start3A_196 = arith.constant 0 : i32
    %dma_start3A_197 = arith.constant 0 : i32
    %dma_start3A_198 = tpu.memref_slice %arg3[%dma_start3A_196, %dma_start3A_197] : memref<60000x128xf32, #tpu.memory_space<hbm>> -> memref<60000x128xf32, #tpu.memory_space<hbm>>
    tpu.enqueue_indirect_dma source(%dma_start3A_198 : memref<60000x128xf32, #tpu.memory_space<hbm>>) target(%dma_start3A_192 : memref<50x128xf32, #tpu.memory_space<vmem>>) offsets(%dma_start3A_195 : memref<50xi32, #tpu.memory_space<vmem>>) semaphore(%arg8 : memref<!tpu.dma_semaphore, #tpu.memory_space<semaphore_mem>>)
    %dma_wait3A_199 = arith.constant 0 : i32
    %dma_wait3A_200 = arith.constant 0 : i32
    %dma_wait3A_201 = arith.constant 0 : i32
    %dma_wait3A_202 = arith.constant 0 : i32
    %dma_wait3A_203 = arith.constant 0 : i32
    %dma_wait3A_204 = arith.constant 0 : i32
    %dma_wait3A_205 = tpu.memref_slice %arg6[%dma_wait3A_201, %dma_wait3A_202, %dma_wait3A_203, %dma_wait3A_204] : memref<4x4x50x128xf32, #tpu.memory_space<vmem>> -> memref<1x1x50x128xf32, #tpu.memory_space<vmem>>
    %dma_wait3A_206 = tpu.memref_squeeze %dma_wait3A_205 : memref<1x1x50x128xf32, #tpu.memory_space<vmem>> -> memref<50x128xf32, #tpu.memory_space<vmem>>
    %dma_wait3A_207 = arith.constant 0 : i32
    %dma_wait3A_208 = tpu.memref_slice %arg5[%dma_wait3A_199, %dma_wait3A_200, %dma_wait3A_207] : memref<4x4x64xi32, #tpu.memory_space<vmem>> -> memref<1x1x50xi32, #tpu.memory_space<vmem>>
    %dma_wait3A_209 = tpu.memref_squeeze %dma_wait3A_208 : memref<1x1x50xi32, #tpu.memory_space<vmem>> -> memref<50xi32, #tpu.memory_space<vmem>>
    %dma_wait3A_210 = arith.constant 0 : i32
    %dma_wait3A_211 = arith.constant 0 : i32
    %dma_wait3A_212 = tpu.memref_slice %arg3[%dma_wait3A_210, %dma_wait3A_211] : memref<60000x128xf32, #tpu.memory_space<hbm>> -> memref<60000x128xf32, #tpu.memory_space<hbm>>
    tpu.wait_indirect_dma semaphore(%arg7 : memref<!tpu.dma_semaphore, #tpu.memory_space<semaphore_mem>>) src(%dma_wait3A_212 : memref<60000x128xf32, #tpu.memory_space<hbm>>) dst(%dma_wait3A_206 : memref<50x128xf32, #tpu.memory_space<vmem>>)
    %dma_wait3A_213 = arith.constant 0 : i32
    %dma_wait3A_214 = arith.constant 0 : i32
    %dma_wait3A_215 = arith.constant 0 : i32
    %dma_wait3A_216 = arith.constant 0 : i32
    %dma_wait3A_217 = arith.constant 0 : i32
    %dma_wait3A_218 = arith.constant 0 : i32
    %dma_wait3A_219 = tpu.memref_slice %arg6[%dma_wait3A_215, %dma_wait3A_216, %dma_wait3A_217, %dma_wait3A_218] : memref<4x4x50x128xf32, #tpu.memory_space<vmem>> -> memref<1x1x50x128xf32, #tpu.memory_space<vmem>>
    %dma_wait3A_220 = tpu.memref_squeeze %dma_wait3A_219 : memref<1x1x50x128xf32, #tpu.memory_space<vmem>> -> memref<50x128xf32, #tpu.memory_space<vmem>>
    %dma_wait3A_221 = arith.constant 0 : i32
    %dma_wait3A_222 = tpu.memref_slice %arg5[%dma_wait3A_213, %dma_wait3A_214, %dma_wait3A_221] : memref<4x4x64xi32, #tpu.memory_space<vmem>> -> memref<1x1x50xi32, #tpu.memory_space<vmem>>
    %dma_wait3A_223 = tpu.memref_squeeze %dma_wait3A_222 : memref<1x1x50xi32, #tpu.memory_space<vmem>> -> memref<50xi32, #tpu.memory_space<vmem>>
    %dma_wait3A_224 = arith.constant 0 : i32
    %dma_wait3A_225 = arith.constant 0 : i32
    %dma_wait3A_226 = tpu.memref_slice %arg3[%dma_wait3A_224, %dma_wait3A_225] : memref<60000x128xf32, #tpu.memory_space<hbm>> -> memref<60000x128xf32, #tpu.memory_space<hbm>>
    tpu.wait_indirect_dma semaphore(%arg7 : memref<!tpu.dma_semaphore, #tpu.memory_space<semaphore_mem>>) src(%dma_wait3A_226 : memref<60000x128xf32, #tpu.memory_space<hbm>>) dst(%dma_wait3A_220 : memref<50x128xf32, #tpu.memory_space<vmem>>)
    %dma_wait3A_227 = arith.constant 0 : i32
    %dma_wait3A_228 = arith.constant 0 : i32
    %dma_wait3A_229 = arith.constant 0 : i32
    %dma_wait3A_230 = arith.constant 0 : i32
    %dma_wait3A_231 = arith.constant 0 : i32
    %dma_wait3A_232 = arith.constant 0 : i32
    %dma_wait3A_233 = tpu.memref_slice %arg6[%dma_wait3A_229, %dma_wait3A_230, %dma_wait3A_231, %dma_wait3A_232] : memref<4x4x50x128xf32, #tpu.memory_space<vmem>> -> memref<1x1x50x128xf32, #tpu.memory_space<vmem>>
    %dma_wait3A_234 = tpu.memref_squeeze %dma_wait3A_233 : memref<1x1x50x128xf32, #tpu.memory_space<vmem>> -> memref<50x128xf32, #tpu.memory_space<vmem>>
    %dma_wait3A_235 = arith.constant 0 : i32
    %dma_wait3A_236 = tpu.memref_slice %arg5[%dma_wait3A_227, %dma_wait3A_228, %dma_wait3A_235] : memref<4x4x64xi32, #tpu.memory_space<vmem>> -> memref<1x1x50xi32, #tpu.memory_space<vmem>>
    %dma_wait3A_237 = tpu.memref_squeeze %dma_wait3A_236 : memref<1x1x50xi32, #tpu.memory_space<vmem>> -> memref<50xi32, #tpu.memory_space<vmem>>
    %dma_wait3A_238 = arith.constant 0 : i32
    %dma_wait3A_239 = arith.constant 0 : i32
    %dma_wait3A_240 = tpu.memref_slice %arg3[%dma_wait3A_238, %dma_wait3A_239] : memref<60000x128xf32, #tpu.memory_space<hbm>> -> memref<60000x128xf32, #tpu.memory_space<hbm>>
    tpu.wait_indirect_dma semaphore(%arg7 : memref<!tpu.dma_semaphore, #tpu.memory_space<semaphore_mem>>) src(%dma_wait3A_240 : memref<60000x128xf32, #tpu.memory_space<hbm>>) dst(%dma_wait3A_234 : memref<50x128xf32, #tpu.memory_space<vmem>>)
    %dma_wait3A_241 = arith.constant 0 : i32
    %dma_wait3A_242 = arith.constant 0 : i32
    %dma_wait3A_243 = arith.constant 0 : i32
    %dma_wait3A_244 = arith.constant 0 : i32
    %dma_wait3A_245 = arith.constant 0 : i32
    %dma_wait3A_246 = arith.constant 0 : i32
    %dma_wait3A_247 = tpu.memref_slice %arg6[%dma_wait3A_243, %dma_wait3A_244, %dma_wait3A_245, %dma_wait3A_246] : memref<4x4x50x128xf32, #tpu.memory_space<vmem>> -> memref<1x1x50x128xf32, #tpu.memory_space<vmem>>
    %dma_wait3A_248 = tpu.memref_squeeze %dma_wait3A_247 : memref<1x1x50x128xf32, #tpu.memory_space<vmem>> -> memref<50x128xf32, #tpu.memory_space<vmem>>
    %dma_wait3A_249 = arith.constant 0 : i32
    %dma_wait3A_250 = tpu.memref_slice %arg5[%dma_wait3A_241, %dma_wait3A_242, %dma_wait3A_249] : memref<4x4x64xi32, #tpu.memory_space<vmem>> -> memref<1x1x50xi32, #tpu.memory_space<vmem>>
    %dma_wait3A_251 = tpu.memref_squeeze %dma_wait3A_250 : memref<1x1x50xi32, #tpu.memory_space<vmem>> -> memref<50xi32, #tpu.memory_space<vmem>>
    %dma_wait3A_252 = arith.constant 0 : i32
    %dma_wait3A_253 = arith.constant 0 : i32
    %dma_wait3A_254 = tpu.memref_slice %arg3[%dma_wait3A_252, %dma_wait3A_253] : memref<60000x128xf32, #tpu.memory_space<hbm>> -> memref<60000x128xf32, #tpu.memory_space<hbm>>
    tpu.wait_indirect_dma semaphore(%arg7 : memref<!tpu.dma_semaphore, #tpu.memory_space<semaphore_mem>>) src(%dma_wait3A_254 : memref<60000x128xf32, #tpu.memory_space<hbm>>) dst(%dma_wait3A_248 : memref<50x128xf32, #tpu.memory_space<vmem>>)
    %add3A_255 = arith.constant 16 : i32
    %add3A_256 = arith.addi %mul3A_2, %add3A_255 : i32
    %dma_start3A_257 = arith.constant 0 : i32
    %dma_start3A_258 = arith.constant 0 : i32
    %dma_start3A_259 = arith.constant 0 : i32
    %dma_start3A_260 = tpu.memref_slice %arg5[%dma_start3A_257, %dma_start3A_258, %dma_start3A_259] : memref<4x4x64xi32, #tpu.memory_space<vmem>> -> memref<1x4x64xi32, #tpu.memory_space<vmem>>
    %dma_start3A_261 = tpu.memref_squeeze %dma_start3A_260 : memref<1x4x64xi32, #tpu.memory_space<vmem>> -> memref<4x64xi32, #tpu.memory_space<vmem>>
    %dma_start3A_262 = arith.constant 0 : i32
    %dma_start3A_263 = tpu.memref_slice %arg2[%add3A_256, %dma_start3A_262] : memref<16384x64xi32, #tpu.memory_space<hbm>> -> memref<4x64xi32, #tpu.memory_space<hbm>>
    %dma_start3A_264 = arith.constant 0 : i32
    %dma_start3A_265 = arith.constant 0 : i32
    %dma_start3A_266 = tpu.memref_slice %arg5[%dma_start3A_257, %dma_start3A_264, %dma_start3A_265] : memref<4x4x64xi32, #tpu.memory_space<vmem>> -> memref<1x4x64xi32, #tpu.memory_space<vmem>>
    %dma_start3A_267 = tpu.memref_squeeze %dma_start3A_266 : memref<1x4x64xi32, #tpu.memory_space<vmem>> -> memref<4x64xi32, #tpu.memory_space<vmem>>
    %dma_start3A_268 = arith.constant 0 : i32
    %dma_start3A_269 = tpu.memref_slice %arg2[%add3A_256, %dma_start3A_268] : memref<16384x64xi32, #tpu.memory_space<hbm>> -> memref<4x64xi32, #tpu.memory_space<hbm>>
    tpu.enqueue_dma source(%dma_start3A_269 : memref<4x64xi32, #tpu.memory_space<hbm>>) target(%dma_start3A_267 : memref<4x64xi32, #tpu.memory_space<vmem>>) target_semaphore(%arg15 : memref<!tpu.dma_semaphore, #tpu.memory_space<semaphore_mem>>)
    %add3A_270 = arith.constant 0 : i32
    %add3A_271 = arith.addi %mul3A_2, %add3A_270 : i32
    %dma_start3A_272 = arith.constant 0 : i32
    %dma_start3A_273 = arith.constant 0 : i32
    %dma_start3A_274 = arith.constant 0 : i32
    %dma_start3A_275 = arith.constant 0 : i32
    %dma_start3A_276 = tpu.memref_slice %arg6[%dma_start3A_272, %dma_start3A_273, %dma_start3A_274, %dma_start3A_275] : memref<4x4x50x128xf32, #tpu.memory_space<vmem>> -> memref<1x4x50x128xf32, #tpu.memory_space<vmem>>
    %dma_start3A_277 = tpu.memref_squeeze %dma_start3A_276 : memref<1x4x50x128xf32, #tpu.memory_space<vmem>> -> memref<4x50x128xf32, #tpu.memory_space<vmem>>
    %dma_start3A_278 = arith.constant 0 : i32
    %dma_start3A_279 = arith.constant 0 : i32
    %dma_start3A_280 = tpu.memref_slice %arg4[%add3A_271, %dma_start3A_278, %dma_start3A_279] : memref<16384x50x128xf32, #tpu.memory_space<hbm>> -> memref<4x50x128xf32, #tpu.memory_space<hbm>>
    %dma_start3A_281 = arith.constant 0 : i32
    %dma_start3A_282 = arith.constant 0 : i32
    %dma_start3A_283 = tpu.memref_slice %arg4[%add3A_271, %dma_start3A_281, %dma_start3A_282] : memref<16384x50x128xf32, #tpu.memory_space<hbm>> -> memref<4x50x128xf32, #tpu.memory_space<hbm>>
    %dma_start3A_284 = arith.constant 0 : i32
    %dma_start3A_285 = arith.constant 0 : i32
    %dma_start3A_286 = arith.constant 0 : i32
    %dma_start3A_287 = tpu.memref_slice %arg6[%dma_start3A_272, %dma_start3A_284, %dma_start3A_285, %dma_start3A_286] : memref<4x4x50x128xf32, #tpu.memory_space<vmem>> -> memref<1x4x50x128xf32, #tpu.memory_space<vmem>>
    %dma_start3A_288 = tpu.memref_squeeze %dma_start3A_287 : memref<1x4x50x128xf32, #tpu.memory_space<vmem>> -> memref<4x50x128xf32, #tpu.memory_space<vmem>>
    tpu.enqueue_dma source(%dma_start3A_288 : memref<4x50x128xf32, #tpu.memory_space<vmem>>) target(%dma_start3A_283 : memref<4x50x128xf32, #tpu.memory_space<hbm>>) target_semaphore(%arg11 : memref<!tpu.dma_semaphore, #tpu.memory_space<semaphore_mem>>)
    %dma_wait3A_289 = arith.constant 2 : i32
    %dma_wait3A_290 = arith.constant 0 : i32
    %dma_wait3A_291 = arith.constant 0 : i32
    %dma_wait3A_292 = tpu.memref_slice %arg5[%dma_wait3A_289, %dma_wait3A_290, %dma_wait3A_291] : memref<4x4x64xi32, #tpu.memory_space<vmem>> -> memref<1x4x64xi32, #tpu.memory_space<vmem>>
    %dma_wait3A_293 = tpu.memref_squeeze %dma_wait3A_292 : memref<1x4x64xi32, #tpu.memory_space<vmem>> -> memref<4x64xi32, #tpu.memory_space<vmem>>
    %dma_wait3A_294 = arith.constant 0 : i32
    %dma_wait3A_295 = tpu.memref_slice %arg2[%mul3A_2, %dma_wait3A_294] : memref<16384x64xi32, #tpu.memory_space<hbm>> -> memref<4x64xi32, #tpu.memory_space<hbm>>
    %dma_wait3A_296 = arith.constant 0 : i32
    %dma_wait3A_297 = arith.constant 0 : i32
    %dma_wait3A_298 = tpu.memref_slice %arg5[%dma_wait3A_289, %dma_wait3A_296, %dma_wait3A_297] : memref<4x4x64xi32, #tpu.memory_space<vmem>> -> memref<1x4x64xi32, #tpu.memory_space<vmem>>
    %dma_wait3A_299 = tpu.memref_squeeze %dma_wait3A_298 : memref<1x4x64xi32, #tpu.memory_space<vmem>> -> memref<4x64xi32, #tpu.memory_space<vmem>>
    %dma_wait3A_300 = arith.constant 0 : i32
    %dma_wait3A_301 = tpu.memref_slice %arg2[%mul3A_2, %dma_wait3A_300] : memref<16384x64xi32, #tpu.memory_space<hbm>> -> memref<4x64xi32, #tpu.memory_space<hbm>>
    tpu.wait_dma2 semaphore(%arg17 : memref<!tpu.dma_semaphore, #tpu.memory_space<semaphore_mem>>) src(%dma_wait3A_301 : memref<4x64xi32, #tpu.memory_space<hbm>>) dst(%dma_wait3A_299 : memref<4x64xi32, #tpu.memory_space<vmem>>)
    %dma_start3A_302 = arith.constant 2 : i32
    %dma_start3A_303 = arith.constant 0 : i32
    %dma_start3A_304 = arith.constant 2 : i32
    %dma_start3A_305 = arith.constant 0 : i32
    %dma_start3A_306 = arith.constant 0 : i32
    %dma_start3A_307 = arith.constant 0 : i32
    %dma_start3A_308 = tpu.memref_slice %arg6[%dma_start3A_304, %dma_start3A_305, %dma_start3A_306, %dma_start3A_307] : memref<4x4x50x128xf32, #tpu.memory_space<vmem>> -> memref<1x1x50x128xf32, #tpu.memory_space<vmem>>
    %dma_start3A_309 = tpu.memref_squeeze %dma_start3A_308 : memref<1x1x50x128xf32, #tpu.memory_space<vmem>> -> memref<50x128xf32, #tpu.memory_space<vmem>>
    %dma_start3A_310 = arith.constant 0 : i32
    %dma_start3A_311 = tpu.memref_slice %arg5[%dma_start3A_302, %dma_start3A_303, %dma_start3A_310] : memref<4x4x64xi32, #tpu.memory_space<vmem>> -> memref<1x1x50xi32, #tpu.memory_space<vmem>>
    %dma_start3A_312 = tpu.memref_squeeze %dma_start3A_311 : memref<1x1x50xi32, #tpu.memory_space<vmem>> -> memref<50xi32, #tpu.memory_space<vmem>>
    %dma_start3A_313 = arith.constant 0 : i32
    %dma_start3A_314 = arith.constant 0 : i32
    %dma_start3A_315 = tpu.memref_slice %arg3[%dma_start3A_313, %dma_start3A_314] : memref<60000x128xf32, #tpu.memory_space<hbm>> -> memref<60000x128xf32, #tpu.memory_space<hbm>>
    tpu.enqueue_indirect_dma source(%dma_start3A_315 : memref<60000x128xf32, #tpu.memory_space<hbm>>) target(%dma_start3A_309 : memref<50x128xf32, #tpu.memory_space<vmem>>) offsets(%dma_start3A_312 : memref<50xi32, #tpu.memory_space<vmem>>) semaphore(%arg9 : memref<!tpu.dma_semaphore, #tpu.memory_space<semaphore_mem>>)
    %dma_start3A_316 = arith.constant 2 : i32
    %dma_start3A_317 = arith.constant 1 : i32
    %dma_start3A_318 = arith.constant 2 : i32
    %dma_start3A_319 = arith.constant 1 : i32
    %dma_start3A_320 = arith.constant 0 : i32
    %dma_start3A_321 = arith.constant 0 : i32
    %dma_start3A_322 = tpu.memref_slice %arg6[%dma_start3A_318, %dma_start3A_319, %dma_start3A_320, %dma_start3A_321] : memref<4x4x50x128xf32, #tpu.memory_space<vmem>> -> memref<1x1x50x128xf32, #tpu.memory_space<vmem>>
    %dma_start3A_323 = tpu.memref_squeeze %dma_start3A_322 : memref<1x1x50x128xf32, #tpu.memory_space<vmem>> -> memref<50x128xf32, #tpu.memory_space<vmem>>
    %dma_start3A_324 = arith.constant 0 : i32
    %dma_start3A_325 = tpu.memref_slice %arg5[%dma_start3A_316, %dma_start3A_317, %dma_start3A_324] : memref<4x4x64xi32, #tpu.memory_space<vmem>> -> memref<1x1x50xi32, #tpu.memory_space<vmem>>
    %dma_start3A_326 = tpu.memref_squeeze %dma_start3A_325 : memref<1x1x50xi32, #tpu.memory_space<vmem>> -> memref<50xi32, #tpu.memory_space<vmem>>
    %dma_start3A_327 = arith.constant 0 : i32
    %dma_start3A_328 = arith.constant 0 : i32
    %dma_start3A_329 = tpu.memref_slice %arg3[%dma_start3A_327, %dma_start3A_328] : memref<60000x128xf32, #tpu.memory_space<hbm>> -> memref<60000x128xf32, #tpu.memory_space<hbm>>
    tpu.enqueue_indirect_dma source(%dma_start3A_329 : memref<60000x128xf32, #tpu.memory_space<hbm>>) target(%dma_start3A_323 : memref<50x128xf32, #tpu.memory_space<vmem>>) offsets(%dma_start3A_326 : memref<50xi32, #tpu.memory_space<vmem>>) semaphore(%arg9 : memref<!tpu.dma_semaphore, #tpu.memory_space<semaphore_mem>>)
    %dma_start3A_330 = arith.constant 2 : i32
    %dma_start3A_331 = arith.constant 2 : i32
    %dma_start3A_332 = arith.constant 2 : i32
    %dma_start3A_333 = arith.constant 2 : i32
    %dma_start3A_334 = arith.constant 0 : i32
    %dma_start3A_335 = arith.constant 0 : i32
    %dma_start3A_336 = tpu.memref_slice %arg6[%dma_start3A_332, %dma_start3A_333, %dma_start3A_334, %dma_start3A_335] : memref<4x4x50x128xf32, #tpu.memory_space<vmem>> -> memref<1x1x50x128xf32, #tpu.memory_space<vmem>>
    %dma_start3A_337 = tpu.memref_squeeze %dma_start3A_336 : memref<1x1x50x128xf32, #tpu.memory_space<vmem>> -> memref<50x128xf32, #tpu.memory_space<vmem>>
    %dma_start3A_338 = arith.constant 0 : i32
    %dma_start3A_339 = tpu.memref_slice %arg5[%dma_start3A_330, %dma_start3A_331, %dma_start3A_338] : memref<4x4x64xi32, #tpu.memory_space<vmem>> -> memref<1x1x50xi32, #tpu.memory_space<vmem>>
    %dma_start3A_340 = tpu.memref_squeeze %dma_start3A_339 : memref<1x1x50xi32, #tpu.memory_space<vmem>> -> memref<50xi32, #tpu.memory_space<vmem>>
    %dma_start3A_341 = arith.constant 0 : i32
    %dma_start3A_342 = arith.constant 0 : i32
    %dma_start3A_343 = tpu.memref_slice %arg3[%dma_start3A_341, %dma_start3A_342] : memref<60000x128xf32, #tpu.memory_space<hbm>> -> memref<60000x128xf32, #tpu.memory_space<hbm>>
    tpu.enqueue_indirect_dma source(%dma_start3A_343 : memref<60000x128xf32, #tpu.memory_space<hbm>>) target(%dma_start3A_337 : memref<50x128xf32, #tpu.memory_space<vmem>>) offsets(%dma_start3A_340 : memref<50xi32, #tpu.memory_space<vmem>>) semaphore(%arg9 : memref<!tpu.dma_semaphore, #tpu.memory_space<semaphore_mem>>)
    %dma_start3A_344 = arith.constant 2 : i32
    %dma_start3A_345 = arith.constant 3 : i32
    %dma_start3A_346 = arith.constant 2 : i32
    %dma_start3A_347 = arith.constant 3 : i32
    %dma_start3A_348 = arith.constant 0 : i32
    %dma_start3A_349 = arith.constant 0 : i32
    %dma_start3A_350 = tpu.memref_slice %arg6[%dma_start3A_346, %dma_start3A_347, %dma_start3A_348, %dma_start3A_349] : memref<4x4x50x128xf32, #tpu.memory_space<vmem>> -> memref<1x1x50x128xf32, #tpu.memory_space<vmem>>
    %dma_start3A_351 = tpu.memref_squeeze %dma_start3A_350 : memref<1x1x50x128xf32, #tpu.memory_space<vmem>> -> memref<50x128xf32, #tpu.memory_space<vmem>>
    %dma_start3A_352 = arith.constant 0 : i32
    %dma_start3A_353 = tpu.memref_slice %arg5[%dma_start3A_344, %dma_start3A_345, %dma_start3A_352] : memref<4x4x64xi32, #tpu.memory_space<vmem>> -> memref<1x1x50xi32, #tpu.memory_space<vmem>>
    %dma_start3A_354 = tpu.memref_squeeze %dma_start3A_353 : memref<1x1x50xi32, #tpu.memory_space<vmem>> -> memref<50xi32, #tpu.memory_space<vmem>>
    %dma_start3A_355 = arith.constant 0 : i32
    %dma_start3A_356 = arith.constant 0 : i32
    %dma_start3A_357 = tpu.memref_slice %arg3[%dma_start3A_355, %dma_start3A_356] : memref<60000x128xf32, #tpu.memory_space<hbm>> -> memref<60000x128xf32, #tpu.memory_space<hbm>>
    tpu.enqueue_indirect_dma source(%dma_start3A_357 : memref<60000x128xf32, #tpu.memory_space<hbm>>) target(%dma_start3A_351 : memref<50x128xf32, #tpu.memory_space<vmem>>) offsets(%dma_start3A_354 : memref<50xi32, #tpu.memory_space<vmem>>) semaphore(%arg9 : memref<!tpu.dma_semaphore, #tpu.memory_space<semaphore_mem>>)
    %dma_wait3A_358 = arith.constant 1 : i32
    %dma_wait3A_359 = arith.constant 0 : i32
    %dma_wait3A_360 = arith.constant 1 : i32
    %dma_wait3A_361 = arith.constant 0 : i32
    %dma_wait3A_362 = arith.constant 0 : i32
    %dma_wait3A_363 = arith.constant 0 : i32
    %dma_wait3A_364 = tpu.memref_slice %arg6[%dma_wait3A_360, %dma_wait3A_361, %dma_wait3A_362, %dma_wait3A_363] : memref<4x4x50x128xf32, #tpu.memory_space<vmem>> -> memref<1x1x50x128xf32, #tpu.memory_space<vmem>>
    %dma_wait3A_365 = tpu.memref_squeeze %dma_wait3A_364 : memref<1x1x50x128xf32, #tpu.memory_space<vmem>> -> memref<50x128xf32, #tpu.memory_space<vmem>>
    %dma_wait3A_366 = arith.constant 0 : i32
    %dma_wait3A_367 = tpu.memref_slice %arg5[%dma_wait3A_358, %dma_wait3A_359, %dma_wait3A_366] : memref<4x4x64xi32, #tpu.memory_space<vmem>> -> memref<1x1x50xi32, #tpu.memory_space<vmem>>
    %dma_wait3A_368 = tpu.memref_squeeze %dma_wait3A_367 : memref<1x1x50xi32, #tpu.memory_space<vmem>> -> memref<50xi32, #tpu.memory_space<vmem>>
    %dma_wait3A_369 = arith.constant 0 : i32
    %dma_wait3A_370 = arith.constant 0 : i32
    %dma_wait3A_371 = tpu.memref_slice %arg3[%dma_wait3A_369, %dma_wait3A_370] : memref<60000x128xf32, #tpu.memory_space<hbm>> -> memref<60000x128xf32, #tpu.memory_space<hbm>>
    tpu.wait_indirect_dma semaphore(%arg8 : memref<!tpu.dma_semaphore, #tpu.memory_space<semaphore_mem>>) src(%dma_wait3A_371 : memref<60000x128xf32, #tpu.memory_space<hbm>>) dst(%dma_wait3A_365 : memref<50x128xf32, #tpu.memory_space<vmem>>)
    %dma_wait3A_372 = arith.constant 1 : i32
    %dma_wait3A_373 = arith.constant 0 : i32
    %dma_wait3A_374 = arith.constant 1 : i32
    %dma_wait3A_375 = arith.constant 0 : i32
    %dma_wait3A_376 = arith.constant 0 : i32
    %dma_wait3A_377 = arith.constant 0 : i32
    %dma_wait3A_378 = tpu.memref_slice %arg6[%dma_wait3A_374, %dma_wait3A_375, %dma_wait3A_376, %dma_wait3A_377] : memref<4x4x50x128xf32, #tpu.memory_space<vmem>> -> memref<1x1x50x128xf32, #tpu.memory_space<vmem>>
    %dma_wait3A_379 = tpu.memref_squeeze %dma_wait3A_378 : memref<1x1x50x128xf32, #tpu.memory_space<vmem>> -> memref<50x128xf32, #tpu.memory_space<vmem>>
    %dma_wait3A_380 = arith.constant 0 : i32
    %dma_wait3A_381 = tpu.memref_slice %arg5[%dma_wait3A_372, %dma_wait3A_373, %dma_wait3A_380] : memref<4x4x64xi32, #tpu.memory_space<vmem>> -> memref<1x1x50xi32, #tpu.memory_space<vmem>>
    %dma_wait3A_382 = tpu.memref_squeeze %dma_wait3A_381 : memref<1x1x50xi32, #tpu.memory_space<vmem>> -> memref<50xi32, #tpu.memory_space<vmem>>
    %dma_wait3A_383 = arith.constant 0 : i32
    %dma_wait3A_384 = arith.constant 0 : i32
    %dma_wait3A_385 = tpu.memref_slice %arg3[%dma_wait3A_383, %dma_wait3A_384] : memref<60000x128xf32, #tpu.memory_space<hbm>> -> memref<60000x128xf32, #tpu.memory_space<hbm>>
    tpu.wait_indirect_dma semaphore(%arg8 : memref<!tpu.dma_semaphore, #tpu.memory_space<semaphore_mem>>) src(%dma_wait3A_385 : memref<60000x128xf32, #tpu.memory_space<hbm>>) dst(%dma_wait3A_379 : memref<50x128xf32, #tpu.memory_space<vmem>>)
    %dma_wait3A_386 = arith.constant 1 : i32
    %dma_wait3A_387 = arith.constant 0 : i32
    %dma_wait3A_388 = arith.constant 1 : i32
    %dma_wait3A_389 = arith.constant 0 : i32
    %dma_wait3A_390 = arith.constant 0 : i32
    %dma_wait3A_391 = arith.constant 0 : i32
    %dma_wait3A_392 = tpu.memref_slice %arg6[%dma_wait3A_388, %dma_wait3A_389, %dma_wait3A_390, %dma_wait3A_391] : memref<4x4x50x128xf32, #tpu.memory_space<vmem>> -> memref<1x1x50x128xf32, #tpu.memory_space<vmem>>
    %dma_wait3A_393 = tpu.memref_squeeze %dma_wait3A_392 : memref<1x1x50x128xf32, #tpu.memory_space<vmem>> -> memref<50x128xf32, #tpu.memory_space<vmem>>
    %dma_wait3A_394 = arith.constant 0 : i32
    %dma_wait3A_395 = tpu.memref_slice %arg5[%dma_wait3A_386, %dma_wait3A_387, %dma_wait3A_394] : memref<4x4x64xi32, #tpu.memory_space<vmem>> -> memref<1x1x50xi32, #tpu.memory_space<vmem>>
    %dma_wait3A_396 = tpu.memref_squeeze %dma_wait3A_395 : memref<1x1x50xi32, #tpu.memory_space<vmem>> -> memref<50xi32, #tpu.memory_space<vmem>>
    %dma_wait3A_397 = arith.constant 0 : i32
    %dma_wait3A_398 = arith.constant 0 : i32
    %dma_wait3A_399 = tpu.memref_slice %arg3[%dma_wait3A_397, %dma_wait3A_398] : memref<60000x128xf32, #tpu.memory_space<hbm>> -> memref<60000x128xf32, #tpu.memory_space<hbm>>
    tpu.wait_indirect_dma semaphore(%arg8 : memref<!tpu.dma_semaphore, #tpu.memory_space<semaphore_mem>>) src(%dma_wait3A_399 : memref<60000x128xf32, #tpu.memory_space<hbm>>) dst(%dma_wait3A_393 : memref<50x128xf32, #tpu.memory_space<vmem>>)
    %dma_wait3A_400 = arith.constant 1 : i32
    %dma_wait3A_401 = arith.constant 0 : i32
    %dma_wait3A_402 = arith.constant 1 : i32
    %dma_wait3A_403 = arith.constant 0 : i32
    %dma_wait3A_404 = arith.constant 0 : i32
    %dma_wait3A_405 = arith.constant 0 : i32
    %dma_wait3A_406 = tpu.memref_slice %arg6[%dma_wait3A_402, %dma_wait3A_403, %dma_wait3A_404, %dma_wait3A_405] : memref<4x4x50x128xf32, #tpu.memory_space<vmem>> -> memref<1x1x50x128xf32, #tpu.memory_space<vmem>>
    %dma_wait3A_407 = tpu.memref_squeeze %dma_wait3A_406 : memref<1x1x50x128xf32, #tpu.memory_space<vmem>> -> memref<50x128xf32, #tpu.memory_space<vmem>>
    %dma_wait3A_408 = arith.constant 0 : i32
    %dma_wait3A_409 = tpu.memref_slice %arg5[%dma_wait3A_400, %dma_wait3A_401, %dma_wait3A_408] : memref<4x4x64xi32, #tpu.memory_space<vmem>> -> memref<1x1x50xi32, #tpu.memory_space<vmem>>
    %dma_wait3A_410 = tpu.memref_squeeze %dma_wait3A_409 : memref<1x1x50xi32, #tpu.memory_space<vmem>> -> memref<50xi32, #tpu.memory_space<vmem>>
    %dma_wait3A_411 = arith.constant 0 : i32
    %dma_wait3A_412 = arith.constant 0 : i32
    %dma_wait3A_413 = tpu.memref_slice %arg3[%dma_wait3A_411, %dma_wait3A_412] : memref<60000x128xf32, #tpu.memory_space<hbm>> -> memref<60000x128xf32, #tpu.memory_space<hbm>>
    tpu.wait_indirect_dma semaphore(%arg8 : memref<!tpu.dma_semaphore, #tpu.memory_space<semaphore_mem>>) src(%dma_wait3A_413 : memref<60000x128xf32, #tpu.memory_space<hbm>>) dst(%dma_wait3A_407 : memref<50x128xf32, #tpu.memory_space<vmem>>)
    %add3A_414 = arith.constant 20 : i32
    %add3A_415 = arith.addi %mul3A_2, %add3A_414 : i32
    %dma_start3A_416 = arith.constant 1 : i32
    %dma_start3A_417 = arith.constant 0 : i32
    %dma_start3A_418 = arith.constant 0 : i32
    %dma_start3A_419 = tpu.memref_slice %arg5[%dma_start3A_416, %dma_start3A_417, %dma_start3A_418] : memref<4x4x64xi32, #tpu.memory_space<vmem>> -> memref<1x4x64xi32, #tpu.memory_space<vmem>>
    %dma_start3A_420 = tpu.memref_squeeze %dma_start3A_419 : memref<1x4x64xi32, #tpu.memory_space<vmem>> -> memref<4x64xi32, #tpu.memory_space<vmem>>
    %dma_start3A_421 = arith.constant 0 : i32
    %dma_start3A_422 = tpu.memref_slice %arg2[%add3A_415, %dma_start3A_421] : memref<16384x64xi32, #tpu.memory_space<hbm>> -> memref<4x64xi32, #tpu.memory_space<hbm>>
    %dma_start3A_423 = arith.constant 0 : i32
    %dma_start3A_424 = arith.constant 0 : i32
    %dma_start3A_425 = tpu.memref_slice %arg5[%dma_start3A_416, %dma_start3A_423, %dma_start3A_424] : memref<4x4x64xi32, #tpu.memory_space<vmem>> -> memref<1x4x64xi32, #tpu.memory_space<vmem>>
    %dma_start3A_426 = tpu.memref_squeeze %dma_start3A_425 : memref<1x4x64xi32, #tpu.memory_space<vmem>> -> memref<4x64xi32, #tpu.memory_space<vmem>>
    %dma_start3A_427 = arith.constant 0 : i32
    %dma_start3A_428 = tpu.memref_slice %arg2[%add3A_415, %dma_start3A_427] : memref<16384x64xi32, #tpu.memory_space<hbm>> -> memref<4x64xi32, #tpu.memory_space<hbm>>
    tpu.enqueue_dma source(%dma_start3A_428 : memref<4x64xi32, #tpu.memory_space<hbm>>) target(%dma_start3A_426 : memref<4x64xi32, #tpu.memory_space<vmem>>) target_semaphore(%arg16 : memref<!tpu.dma_semaphore, #tpu.memory_space<semaphore_mem>>)
    %add3A_429 = arith.constant 4 : i32
    %add3A_430 = arith.addi %mul3A_2, %add3A_429 : i32
    %dma_start3A_431 = arith.constant 1 : i32
    %dma_start3A_432 = arith.constant 0 : i32
    %dma_start3A_433 = arith.constant 0 : i32
    %dma_start3A_434 = arith.constant 0 : i32
    %dma_start3A_435 = tpu.memref_slice %arg6[%dma_start3A_431, %dma_start3A_432, %dma_start3A_433, %dma_start3A_434] : memref<4x4x50x128xf32, #tpu.memory_space<vmem>> -> memref<1x4x50x128xf32, #tpu.memory_space<vmem>>
    %dma_start3A_436 = tpu.memref_squeeze %dma_start3A_435 : memref<1x4x50x128xf32, #tpu.memory_space<vmem>> -> memref<4x50x128xf32, #tpu.memory_space<vmem>>
    %dma_start3A_437 = arith.constant 0 : i32
    %dma_start3A_438 = arith.constant 0 : i32
    %dma_start3A_439 = tpu.memref_slice %arg4[%add3A_430, %dma_start3A_437, %dma_start3A_438] : memref<16384x50x128xf32, #tpu.memory_space<hbm>> -> memref<4x50x128xf32, #tpu.memory_space<hbm>>
    %dma_start3A_440 = arith.constant 0 : i32
    %dma_start3A_441 = arith.constant 0 : i32
    %dma_start3A_442 = tpu.memref_slice %arg4[%add3A_430, %dma_start3A_440, %dma_start3A_441] : memref<16384x50x128xf32, #tpu.memory_space<hbm>> -> memref<4x50x128xf32, #tpu.memory_space<hbm>>
    %dma_start3A_443 = arith.constant 0 : i32
    %dma_start3A_444 = arith.constant 0 : i32
    %dma_start3A_445 = arith.constant 0 : i32
    %dma_start3A_446 = tpu.memref_slice %arg6[%dma_start3A_431, %dma_start3A_443, %dma_start3A_444, %dma_start3A_445] : memref<4x4x50x128xf32, #tpu.memory_space<vmem>> -> memref<1x4x50x128xf32, #tpu.memory_space<vmem>>
    %dma_start3A_447 = tpu.memref_squeeze %dma_start3A_446 : memref<1x4x50x128xf32, #tpu.memory_space<vmem>> -> memref<4x50x128xf32, #tpu.memory_space<vmem>>
    tpu.enqueue_dma source(%dma_start3A_447 : memref<4x50x128xf32, #tpu.memory_space<vmem>>) target(%dma_start3A_442 : memref<4x50x128xf32, #tpu.memory_space<hbm>>) target_semaphore(%arg12 : memref<!tpu.dma_semaphore, #tpu.memory_space<semaphore_mem>>)
    %dma_wait3A_448 = arith.constant 3 : i32
    %dma_wait3A_449 = arith.constant 0 : i32
    %dma_wait3A_450 = arith.constant 0 : i32
    %dma_wait3A_451 = tpu.memref_slice %arg5[%dma_wait3A_448, %dma_wait3A_449, %dma_wait3A_450] : memref<4x4x64xi32, #tpu.memory_space<vmem>> -> memref<1x4x64xi32, #tpu.memory_space<vmem>>
    %dma_wait3A_452 = tpu.memref_squeeze %dma_wait3A_451 : memref<1x4x64xi32, #tpu.memory_space<vmem>> -> memref<4x64xi32, #tpu.memory_space<vmem>>
    %dma_wait3A_453 = arith.constant 0 : i32
    %dma_wait3A_454 = tpu.memref_slice %arg2[%mul3A_2, %dma_wait3A_453] : memref<16384x64xi32, #tpu.memory_space<hbm>> -> memref<4x64xi32, #tpu.memory_space<hbm>>
    %dma_wait3A_455 = arith.constant 0 : i32
    %dma_wait3A_456 = arith.constant 0 : i32
    %dma_wait3A_457 = tpu.memref_slice %arg5[%dma_wait3A_448, %dma_wait3A_455, %dma_wait3A_456] : memref<4x4x64xi32, #tpu.memory_space<vmem>> -> memref<1x4x64xi32, #tpu.memory_space<vmem>>
    %dma_wait3A_458 = tpu.memref_squeeze %dma_wait3A_457 : memref<1x4x64xi32, #tpu.memory_space<vmem>> -> memref<4x64xi32, #tpu.memory_space<vmem>>
    %dma_wait3A_459 = arith.constant 0 : i32
    %dma_wait3A_460 = tpu.memref_slice %arg2[%mul3A_2, %dma_wait3A_459] : memref<16384x64xi32, #tpu.memory_space<hbm>> -> memref<4x64xi32, #tpu.memory_space<hbm>>
    tpu.wait_dma2 semaphore(%arg18 : memref<!tpu.dma_semaphore, #tpu.memory_space<semaphore_mem>>) src(%dma_wait3A_460 : memref<4x64xi32, #tpu.memory_space<hbm>>) dst(%dma_wait3A_458 : memref<4x64xi32, #tpu.memory_space<vmem>>)
    %dma_start3A_461 = arith.constant 3 : i32
    %dma_start3A_462 = arith.constant 0 : i32
    %dma_start3A_463 = arith.constant 3 : i32
    %dma_start3A_464 = arith.constant 0 : i32
    %dma_start3A_465 = arith.constant 0 : i32
    %dma_start3A_466 = arith.constant 0 : i32
    %dma_start3A_467 = tpu.memref_slice %arg6[%dma_start3A_463, %dma_start3A_464, %dma_start3A_465, %dma_start3A_466] : memref<4x4x50x128xf32, #tpu.memory_space<vmem>> -> memref<1x1x50x128xf32, #tpu.memory_space<vmem>>
    %dma_start3A_468 = tpu.memref_squeeze %dma_start3A_467 : memref<1x1x50x128xf32, #tpu.memory_space<vmem>> -> memref<50x128xf32, #tpu.memory_space<vmem>>
    %dma_start3A_469 = arith.constant 0 : i32
    %dma_start3A_470 = tpu.memref_slice %arg5[%dma_start3A_461, %dma_start3A_462, %dma_start3A_469] : memref<4x4x64xi32, #tpu.memory_space<vmem>> -> memref<1x1x50xi32, #tpu.memory_space<vmem>>
    %dma_start3A_471 = tpu.memref_squeeze %dma_start3A_470 : memref<1x1x50xi32, #tpu.memory_space<vmem>> -> memref<50xi32, #tpu.memory_space<vmem>>
    %dma_start3A_472 = arith.constant 0 : i32
    %dma_start3A_473 = arith.constant 0 : i32
    %dma_start3A_474 = tpu.memref_slice %arg3[%dma_start3A_472, %dma_start3A_473] : memref<60000x128xf32, #tpu.memory_space<hbm>> -> memref<60000x128xf32, #tpu.memory_space<hbm>>
    tpu.enqueue_indirect_dma source(%dma_start3A_474 : memref<60000x128xf32, #tpu.memory_space<hbm>>) target(%dma_start3A_468 : memref<50x128xf32, #tpu.memory_space<vmem>>) offsets(%dma_start3A_471 : memref<50xi32, #tpu.memory_space<vmem>>) semaphore(%arg10 : memref<!tpu.dma_semaphore, #tpu.memory_space<semaphore_mem>>)
    %dma_start3A_475 = arith.constant 3 : i32
    %dma_start3A_476 = arith.constant 1 : i32
    %dma_start3A_477 = arith.constant 3 : i32
    %dma_start3A_478 = arith.constant 1 : i32
    %dma_start3A_479 = arith.constant 0 : i32
    %dma_start3A_480 = arith.constant 0 : i32
    %dma_start3A_481 = tpu.memref_slice %arg6[%dma_start3A_477, %dma_start3A_478, %dma_start3A_479, %dma_start3A_480] : memref<4x4x50x128xf32, #tpu.memory_space<vmem>> -> memref<1x1x50x128xf32, #tpu.memory_space<vmem>>
    %dma_start3A_482 = tpu.memref_squeeze %dma_start3A_481 : memref<1x1x50x128xf32, #tpu.memory_space<vmem>> -> memref<50x128xf32, #tpu.memory_space<vmem>>
    %dma_start3A_483 = arith.constant 0 : i32
    %dma_start3A_484 = tpu.memref_slice %arg5[%dma_start3A_475, %dma_start3A_476, %dma_start3A_483] : memref<4x4x64xi32, #tpu.memory_space<vmem>> -> memref<1x1x50xi32, #tpu.memory_space<vmem>>
    %dma_start3A_485 = tpu.memref_squeeze %dma_start3A_484 : memref<1x1x50xi32, #tpu.memory_space<vmem>> -> memref<50xi32, #tpu.memory_space<vmem>>
    %dma_start3A_486 = arith.constant 0 : i32
    %dma_start3A_487 = arith.constant 0 : i32
    %dma_start3A_488 = tpu.memref_slice %arg3[%dma_start3A_486, %dma_start3A_487] : memref<60000x128xf32, #tpu.memory_space<hbm>> -> memref<60000x128xf32, #tpu.memory_space<hbm>>
    tpu.enqueue_indirect_dma source(%dma_start3A_488 : memref<60000x128xf32, #tpu.memory_space<hbm>>) target(%dma_start3A_482 : memref<50x128xf32, #tpu.memory_space<vmem>>) offsets(%dma_start3A_485 : memref<50xi32, #tpu.memory_space<vmem>>) semaphore(%arg10 : memref<!tpu.dma_semaphore, #tpu.memory_space<semaphore_mem>>)
    %dma_start3A_489 = arith.constant 3 : i32
    %dma_start3A_490 = arith.constant 2 : i32
    %dma_start3A_491 = arith.constant 3 : i32
    %dma_start3A_492 = arith.constant 2 : i32
    %dma_start3A_493 = arith.constant 0 : i32
    %dma_start3A_494 = arith.constant 0 : i32
    %dma_start3A_495 = tpu.memref_slice %arg6[%dma_start3A_491, %dma_start3A_492, %dma_start3A_493, %dma_start3A_494] : memref<4x4x50x128xf32, #tpu.memory_space<vmem>> -> memref<1x1x50x128xf32, #tpu.memory_space<vmem>>
    %dma_start3A_496 = tpu.memref_squeeze %dma_start3A_495 : memref<1x1x50x128xf32, #tpu.memory_space<vmem>> -> memref<50x128xf32, #tpu.memory_space<vmem>>
    %dma_start3A_497 = arith.constant 0 : i32
    %dma_start3A_498 = tpu.memref_slice %arg5[%dma_start3A_489, %dma_start3A_490, %dma_start3A_497] : memref<4x4x64xi32, #tpu.memory_space<vmem>> -> memref<1x1x50xi32, #tpu.memory_space<vmem>>
    %dma_start3A_499 = tpu.memref_squeeze %dma_start3A_498 : memref<1x1x50xi32, #tpu.memory_space<vmem>> -> memref<50xi32, #tpu.memory_space<vmem>>
    %dma_start3A_500 = arith.constant 0 : i32
    %dma_start3A_501 = arith.constant 0 : i32
    %dma_start3A_502 = tpu.memref_slice %arg3[%dma_start3A_500, %dma_start3A_501] : memref<60000x128xf32, #tpu.memory_space<hbm>> -> memref<60000x128xf32, #tpu.memory_space<hbm>>
    tpu.enqueue_indirect_dma source(%dma_start3A_502 : memref<60000x128xf32, #tpu.memory_space<hbm>>) target(%dma_start3A_496 : memref<50x128xf32, #tpu.memory_space<vmem>>) offsets(%dma_start3A_499 : memref<50xi32, #tpu.memory_space<vmem>>) semaphore(%arg10 : memref<!tpu.dma_semaphore, #tpu.memory_space<semaphore_mem>>)
    %dma_start3A_503 = arith.constant 3 : i32
    %dma_start3A_504 = arith.constant 3 : i32
    %dma_start3A_505 = arith.constant 3 : i32
    %dma_start3A_506 = arith.constant 3 : i32
    %dma_start3A_507 = arith.constant 0 : i32
    %dma_start3A_508 = arith.constant 0 : i32
    %dma_start3A_509 = tpu.memref_slice %arg6[%dma_start3A_505, %dma_start3A_506, %dma_start3A_507, %dma_start3A_508] : memref<4x4x50x128xf32, #tpu.memory_space<vmem>> -> memref<1x1x50x128xf32, #tpu.memory_space<vmem>>
    %dma_start3A_510 = tpu.memref_squeeze %dma_start3A_509 : memref<1x1x50x128xf32, #tpu.memory_space<vmem>> -> memref<50x128xf32, #tpu.memory_space<vmem>>
    %dma_start3A_511 = arith.constant 0 : i32
    %dma_start3A_512 = tpu.memref_slice %arg5[%dma_start3A_503, %dma_start3A_504, %dma_start3A_511] : memref<4x4x64xi32, #tpu.memory_space<vmem>> -> memref<1x1x50xi32, #tpu.memory_space<vmem>>
    %dma_start3A_513 = tpu.memref_squeeze %dma_start3A_512 : memref<1x1x50xi32, #tpu.memory_space<vmem>> -> memref<50xi32, #tpu.memory_space<vmem>>
    %dma_start3A_514 = arith.constant 0 : i32
    %dma_start3A_515 = arith.constant 0 : i32
    %dma_start3A_516 = tpu.memref_slice %arg3[%dma_start3A_514, %dma_start3A_515] : memref<60000x128xf32, #tpu.memory_space<hbm>> -> memref<60000x128xf32, #tpu.memory_space<hbm>>
    tpu.enqueue_indirect_dma source(%dma_start3A_516 : memref<60000x128xf32, #tpu.memory_space<hbm>>) target(%dma_start3A_510 : memref<50x128xf32, #tpu.memory_space<vmem>>) offsets(%dma_start3A_513 : memref<50xi32, #tpu.memory_space<vmem>>) semaphore(%arg10 : memref<!tpu.dma_semaphore, #tpu.memory_space<semaphore_mem>>)
    %dma_wait3A_517 = arith.constant 2 : i32
    %dma_wait3A_518 = arith.constant 0 : i32
    %dma_wait3A_519 = arith.constant 2 : i32
    %dma_wait3A_520 = arith.constant 0 : i32
    %dma_wait3A_521 = arith.constant 0 : i32
    %dma_wait3A_522 = arith.constant 0 : i32
    %dma_wait3A_523 = tpu.memref_slice %arg6[%dma_wait3A_519, %dma_wait3A_520, %dma_wait3A_521, %dma_wait3A_522] : memref<4x4x50x128xf32, #tpu.memory_space<vmem>> -> memref<1x1x50x128xf32, #tpu.memory_space<vmem>>
    %dma_wait3A_524 = tpu.memref_squeeze %dma_wait3A_523 : memref<1x1x50x128xf32, #tpu.memory_space<vmem>> -> memref<50x128xf32, #tpu.memory_space<vmem>>
    %dma_wait3A_525 = arith.constant 0 : i32
    %dma_wait3A_526 = tpu.memref_slice %arg5[%dma_wait3A_517, %dma_wait3A_518, %dma_wait3A_525] : memref<4x4x64xi32, #tpu.memory_space<vmem>> -> memref<1x1x50xi32, #tpu.memory_space<vmem>>
    %dma_wait3A_527 = tpu.memref_squeeze %dma_wait3A_526 : memref<1x1x50xi32, #tpu.memory_space<vmem>> -> memref<50xi32, #tpu.memory_space<vmem>>
    %dma_wait3A_528 = arith.constant 0 : i32
    %dma_wait3A_529 = arith.constant 0 : i32
    %dma_wait3A_530 = tpu.memref_slice %arg3[%dma_wait3A_528, %dma_wait3A_529] : memref<60000x128xf32, #tpu.memory_space<hbm>> -> memref<60000x128xf32, #tpu.memory_space<hbm>>
    tpu.wait_indirect_dma semaphore(%arg9 : memref<!tpu.dma_semaphore, #tpu.memory_space<semaphore_mem>>) src(%dma_wait3A_530 : memref<60000x128xf32, #tpu.memory_space<hbm>>) dst(%dma_wait3A_524 : memref<50x128xf32, #tpu.memory_space<vmem>>)
    %dma_wait3A_531 = arith.constant 2 : i32
    %dma_wait3A_532 = arith.constant 0 : i32
    %dma_wait3A_533 = arith.constant 2 : i32
    %dma_wait3A_534 = arith.constant 0 : i32
    %dma_wait3A_535 = arith.constant 0 : i32
    %dma_wait3A_536 = arith.constant 0 : i32
    %dma_wait3A_537 = tpu.memref_slice %arg6[%dma_wait3A_533, %dma_wait3A_534, %dma_wait3A_535, %dma_wait3A_536] : memref<4x4x50x128xf32, #tpu.memory_space<vmem>> -> memref<1x1x50x128xf32, #tpu.memory_space<vmem>>
    %dma_wait3A_538 = tpu.memref_squeeze %dma_wait3A_537 : memref<1x1x50x128xf32, #tpu.memory_space<vmem>> -> memref<50x128xf32, #tpu.memory_space<vmem>>
    %dma_wait3A_539 = arith.constant 0 : i32
    %dma_wait3A_540 = tpu.memref_slice %arg5[%dma_wait3A_531, %dma_wait3A_532, %dma_wait3A_539] : memref<4x4x64xi32, #tpu.memory_space<vmem>> -> memref<1x1x50xi32, #tpu.memory_space<vmem>>
    %dma_wait3A_541 = tpu.memref_squeeze %dma_wait3A_540 : memref<1x1x50xi32, #tpu.memory_space<vmem>> -> memref<50xi32, #tpu.memory_space<vmem>>
    %dma_wait3A_542 = arith.constant 0 : i32
    %dma_wait3A_543 = arith.constant 0 : i32
    %dma_wait3A_544 = tpu.memref_slice %arg3[%dma_wait3A_542, %dma_wait3A_543] : memref<60000x128xf32, #tpu.memory_space<hbm>> -> memref<60000x128xf32, #tpu.memory_space<hbm>>
    tpu.wait_indirect_dma semaphore(%arg9 : memref<!tpu.dma_semaphore, #tpu.memory_space<semaphore_mem>>) src(%dma_wait3A_544 : memref<60000x128xf32, #tpu.memory_space<hbm>>) dst(%dma_wait3A_538 : memref<50x128xf32, #tpu.memory_space<vmem>>)
    %dma_wait3A_545 = arith.constant 2 : i32
    %dma_wait3A_546 = arith.constant 0 : i32
    %dma_wait3A_547 = arith.constant 2 : i32
    %dma_wait3A_548 = arith.constant 0 : i32
    %dma_wait3A_549 = arith.constant 0 : i32
    %dma_wait3A_550 = arith.constant 0 : i32
    %dma_wait3A_551 = tpu.memref_slice %arg6[%dma_wait3A_547, %dma_wait3A_548, %dma_wait3A_549, %dma_wait3A_550] : memref<4x4x50x128xf32, #tpu.memory_space<vmem>> -> memref<1x1x50x128xf32, #tpu.memory_space<vmem>>
    %dma_wait3A_552 = tpu.memref_squeeze %dma_wait3A_551 : memref<1x1x50x128xf32, #tpu.memory_space<vmem>> -> memref<50x128xf32, #tpu.memory_space<vmem>>
    %dma_wait3A_553 = arith.constant 0 : i32
    %dma_wait3A_554 = tpu.memref_slice %arg5[%dma_wait3A_545, %dma_wait3A_546, %dma_wait3A_553] : memref<4x4x64xi32, #tpu.memory_space<vmem>> -> memref<1x1x50xi32, #tpu.memory_space<vmem>>
    %dma_wait3A_555 = tpu.memref_squeeze %dma_wait3A_554 : memref<1x1x50xi32, #tpu.memory_space<vmem>> -> memref<50xi32, #tpu.memory_space<vmem>>
    %dma_wait3A_556 = arith.constant 0 : i32
    %dma_wait3A_557 = arith.constant 0 : i32
    %dma_wait3A_558 = tpu.memref_slice %arg3[%dma_wait3A_556, %dma_wait3A_557] : memref<60000x128xf32, #tpu.memory_space<hbm>> -> memref<60000x128xf32, #tpu.memory_space<hbm>>
    tpu.wait_indirect_dma semaphore(%arg9 : memref<!tpu.dma_semaphore, #tpu.memory_space<semaphore_mem>>) src(%dma_wait3A_558 : memref<60000x128xf32, #tpu.memory_space<hbm>>) dst(%dma_wait3A_552 : memref<50x128xf32, #tpu.memory_space<vmem>>)
    %dma_wait3A_559 = arith.constant 2 : i32
    %dma_wait3A_560 = arith.constant 0 : i32
    %dma_wait3A_561 = arith.constant 2 : i32
    %dma_wait3A_562 = arith.constant 0 : i32
    %dma_wait3A_563 = arith.constant 0 : i32
    %dma_wait3A_564 = arith.constant 0 : i32
    %dma_wait3A_565 = tpu.memref_slice %arg6[%dma_wait3A_561, %dma_wait3A_562, %dma_wait3A_563, %dma_wait3A_564] : memref<4x4x50x128xf32, #tpu.memory_space<vmem>> -> memref<1x1x50x128xf32, #tpu.memory_space<vmem>>
    %dma_wait3A_566 = tpu.memref_squeeze %dma_wait3A_565 : memref<1x1x50x128xf32, #tpu.memory_space<vmem>> -> memref<50x128xf32, #tpu.memory_space<vmem>>
    %dma_wait3A_567 = arith.constant 0 : i32
    %dma_wait3A_568 = tpu.memref_slice %arg5[%dma_wait3A_559, %dma_wait3A_560, %dma_wait3A_567] : memref<4x4x64xi32, #tpu.memory_space<vmem>> -> memref<1x1x50xi32, #tpu.memory_space<vmem>>
    %dma_wait3A_569 = tpu.memref_squeeze %dma_wait3A_568 : memref<1x1x50xi32, #tpu.memory_space<vmem>> -> memref<50xi32, #tpu.memory_space<vmem>>
    %dma_wait3A_570 = arith.constant 0 : i32
    %dma_wait3A_571 = arith.constant 0 : i32
    %dma_wait3A_572 = tpu.memref_slice %arg3[%dma_wait3A_570, %dma_wait3A_571] : memref<60000x128xf32, #tpu.memory_space<hbm>> -> memref<60000x128xf32, #tpu.memory_space<hbm>>
    tpu.wait_indirect_dma semaphore(%arg9 : memref<!tpu.dma_semaphore, #tpu.memory_space<semaphore_mem>>) src(%dma_wait3A_572 : memref<60000x128xf32, #tpu.memory_space<hbm>>) dst(%dma_wait3A_566 : memref<50x128xf32, #tpu.memory_space<vmem>>)
    %add3A_573 = arith.constant 24 : i32
    %add3A_574 = arith.addi %mul3A_2, %add3A_573 : i32
    %dma_start3A_575 = arith.constant 2 : i32
    %dma_start3A_576 = arith.constant 0 : i32
    %dma_start3A_577 = arith.constant 0 : i32
    %dma_start3A_578 = tpu.memref_slice %arg5[%dma_start3A_575, %dma_start3A_576, %dma_start3A_577] : memref<4x4x64xi32, #tpu.memory_space<vmem>> -> memref<1x4x64xi32, #tpu.memory_space<vmem>>
    %dma_start3A_579 = tpu.memref_squeeze %dma_start3A_578 : memref<1x4x64xi32, #tpu.memory_space<vmem>> -> memref<4x64xi32, #tpu.memory_space<vmem>>
    %dma_start3A_580 = arith.constant 0 : i32
    %dma_start3A_581 = tpu.memref_slice %arg2[%add3A_574, %dma_start3A_580] : memref<16384x64xi32, #tpu.memory_space<hbm>> -> memref<4x64xi32, #tpu.memory_space<hbm>>
    %dma_start3A_582 = arith.constant 0 : i32
    %dma_start3A_583 = arith.constant 0 : i32
    %dma_start3A_584 = tpu.memref_slice %arg5[%dma_start3A_575, %dma_start3A_582, %dma_start3A_583] : memref<4x4x64xi32, #tpu.memory_space<vmem>> -> memref<1x4x64xi32, #tpu.memory_space<vmem>>
    %dma_start3A_585 = tpu.memref_squeeze %dma_start3A_584 : memref<1x4x64xi32, #tpu.memory_space<vmem>> -> memref<4x64xi32, #tpu.memory_space<vmem>>
    %dma_start3A_586 = arith.constant 0 : i32
    %dma_start3A_587 = tpu.memref_slice %arg2[%add3A_574, %dma_start3A_586] : memref<16384x64xi32, #tpu.memory_space<hbm>> -> memref<4x64xi32, #tpu.memory_space<hbm>>
    tpu.enqueue_dma source(%dma_start3A_587 : memref<4x64xi32, #tpu.memory_space<hbm>>) target(%dma_start3A_585 : memref<4x64xi32, #tpu.memory_space<vmem>>) target_semaphore(%arg17 : memref<!tpu.dma_semaphore, #tpu.memory_space<semaphore_mem>>)
    %add3A_588 = arith.constant 8 : i32
    %add3A_589 = arith.addi %mul3A_2, %add3A_588 : i32
    %dma_start3A_590 = arith.constant 2 : i32
    %dma_start3A_591 = arith.constant 0 : i32
    %dma_start3A_592 = arith.constant 0 : i32
    %dma_start3A_593 = arith.constant 0 : i32
    %dma_start3A_594 = tpu.memref_slice %arg6[%dma_start3A_590, %dma_start3A_591, %dma_start3A_592, %dma_start3A_593] : memref<4x4x50x128xf32, #tpu.memory_space<vmem>> -> memref<1x4x50x128xf32, #tpu.memory_space<vmem>>
    %dma_start3A_595 = tpu.memref_squeeze %dma_start3A_594 : memref<1x4x50x128xf32, #tpu.memory_space<vmem>> -> memref<4x50x128xf32, #tpu.memory_space<vmem>>
    %dma_start3A_596 = arith.constant 0 : i32
    %dma_start3A_597 = arith.constant 0 : i32
    %dma_start3A_598 = tpu.memref_slice %arg4[%add3A_589, %dma_start3A_596, %dma_start3A_597] : memref<16384x50x128xf32, #tpu.memory_space<hbm>> -> memref<4x50x128xf32, #tpu.memory_space<hbm>>
    %dma_start3A_599 = arith.constant 0 : i32
    %dma_start3A_600 = arith.constant 0 : i32
    %dma_start3A_601 = tpu.memref_slice %arg4[%add3A_589, %dma_start3A_599, %dma_start3A_600] : memref<16384x50x128xf32, #tpu.memory_space<hbm>> -> memref<4x50x128xf32, #tpu.memory_space<hbm>>
    %dma_start3A_602 = arith.constant 0 : i32
    %dma_start3A_603 = arith.constant 0 : i32
    %dma_start3A_604 = arith.constant 0 : i32
    %dma_start3A_605 = tpu.memref_slice %arg6[%dma_start3A_590, %dma_start3A_602, %dma_start3A_603, %dma_start3A_604] : memref<4x4x50x128xf32, #tpu.memory_space<vmem>> -> memref<1x4x50x128xf32, #tpu.memory_space<vmem>>
    %dma_start3A_606 = tpu.memref_squeeze %dma_start3A_605 : memref<1x4x50x128xf32, #tpu.memory_space<vmem>> -> memref<4x50x128xf32, #tpu.memory_space<vmem>>
    tpu.enqueue_dma source(%dma_start3A_606 : memref<4x50x128xf32, #tpu.memory_space<vmem>>) target(%dma_start3A_601 : memref<4x50x128xf32, #tpu.memory_space<hbm>>) target_semaphore(%arg13 : memref<!tpu.dma_semaphore, #tpu.memory_space<semaphore_mem>>)
    %scan3A = arith.constant 1 : i32
    %scan3A_607 = arith.constant 31 : i32
    %scan3A_608 = arith.addi %scan3A, %scan3A_607 : i32
    %scan3A_609 = arith.constant 1 : i32
    scf.for %scan3A_754 = %scan3A to %scan3A_608 step %scan3A_609  : i32 {
      %mul3A_755 = arith.constant 4 : i32
      %mul3A_756 = arith.muli %scan3A_754, %mul3A_755 : i32
      %add3A_757 = arith.constant 0 : i32
      %add3A_758 = arith.addi %mul3A_756, %add3A_757 : i32
      %dma_wait3A_759 = arith.constant 0 : i32
      %dma_wait3A_760 = arith.constant 0 : i32
      %dma_wait3A_761 = arith.constant 0 : i32
      %dma_wait3A_762 = arith.constant 0 : i32
      %dma_wait3A_763 = tpu.memref_slice %arg6[%dma_wait3A_759, %dma_wait3A_760, %dma_wait3A_761, %dma_wait3A_762] : memref<4x4x50x128xf32, #tpu.memory_space<vmem>> -> memref<1x4x50x128xf32, #tpu.memory_space<vmem>>
      %dma_wait3A_764 = tpu.memref_squeeze %dma_wait3A_763 : memref<1x4x50x128xf32, #tpu.memory_space<vmem>> -> memref<4x50x128xf32, #tpu.memory_space<vmem>>
      %dma_wait3A_765 = arith.constant 0 : i32
      %dma_wait3A_766 = arith.constant 0 : i32
      %dma_wait3A_767 = tpu.memref_slice %arg4[%mul3A_2, %dma_wait3A_765, %dma_wait3A_766] : memref<16384x50x128xf32, #tpu.memory_space<hbm>> -> memref<4x50x128xf32, #tpu.memory_space<hbm>>
      %dma_wait3A_768 = arith.constant 0 : i32
      %dma_wait3A_769 = arith.constant 0 : i32
      %dma_wait3A_770 = tpu.memref_slice %arg4[%mul3A_2, %dma_wait3A_768, %dma_wait3A_769] : memref<16384x50x128xf32, #tpu.memory_space<hbm>> -> memref<4x50x128xf32, #tpu.memory_space<hbm>>
      %dma_wait3A_771 = arith.constant 0 : i32
      %dma_wait3A_772 = arith.constant 0 : i32
      %dma_wait3A_773 = arith.constant 0 : i32
      %dma_wait3A_774 = tpu.memref_slice %arg6[%dma_wait3A_759, %dma_wait3A_771, %dma_wait3A_772, %dma_wait3A_773] : memref<4x4x50x128xf32, #tpu.memory_space<vmem>> -> memref<1x4x50x128xf32, #tpu.memory_space<vmem>>
      %dma_wait3A_775 = tpu.memref_squeeze %dma_wait3A_774 : memref<1x4x50x128xf32, #tpu.memory_space<vmem>> -> memref<4x50x128xf32, #tpu.memory_space<vmem>>
      tpu.wait_dma2 semaphore(%arg11 : memref<!tpu.dma_semaphore, #tpu.memory_space<semaphore_mem>>) src(%dma_wait3A_775 : memref<4x50x128xf32, #tpu.memory_space<vmem>>) dst(%dma_wait3A_770 : memref<4x50x128xf32, #tpu.memory_space<hbm>>)
      %dma_wait3A_776 = arith.constant 0 : i32
      %dma_wait3A_777 = arith.constant 0 : i32
      %dma_wait3A_778 = arith.constant 0 : i32
      %dma_wait3A_779 = tpu.memref_slice %arg5[%dma_wait3A_776, %dma_wait3A_777, %dma_wait3A_778] : memref<4x4x64xi32, #tpu.memory_space<vmem>> -> memref<1x4x64xi32, #tpu.memory_space<vmem>>
      %dma_wait3A_780 = tpu.memref_squeeze %dma_wait3A_779 : memref<1x4x64xi32, #tpu.memory_space<vmem>> -> memref<4x64xi32, #tpu.memory_space<vmem>>
      %dma_wait3A_781 = arith.constant 0 : i32
      %dma_wait3A_782 = tpu.memref_slice %arg2[%mul3A_2, %dma_wait3A_781] : memref<16384x64xi32, #tpu.memory_space<hbm>> -> memref<4x64xi32, #tpu.memory_space<hbm>>
      %dma_wait3A_783 = arith.constant 0 : i32
      %dma_wait3A_784 = arith.constant 0 : i32
      %dma_wait3A_785 = tpu.memref_slice %arg5[%dma_wait3A_776, %dma_wait3A_783, %dma_wait3A_784] : memref<4x4x64xi32, #tpu.memory_space<vmem>> -> memref<1x4x64xi32, #tpu.memory_space<vmem>>
      %dma_wait3A_786 = tpu.memref_squeeze %dma_wait3A_785 : memref<1x4x64xi32, #tpu.memory_space<vmem>> -> memref<4x64xi32, #tpu.memory_space<vmem>>
      %dma_wait3A_787 = arith.constant 0 : i32
      %dma_wait3A_788 = tpu.memref_slice %arg2[%mul3A_2, %dma_wait3A_787] : memref<16384x64xi32, #tpu.memory_space<hbm>> -> memref<4x64xi32, #tpu.memory_space<hbm>>
      tpu.wait_dma2 semaphore(%arg15 : memref<!tpu.dma_semaphore, #tpu.memory_space<semaphore_mem>>) src(%dma_wait3A_788 : memref<4x64xi32, #tpu.memory_space<hbm>>) dst(%dma_wait3A_786 : memref<4x64xi32, #tpu.memory_space<vmem>>)
      %dma_start3A_789 = arith.constant 0 : i32
      %dma_start3A_790 = arith.constant 0 : i32
      %dma_start3A_791 = arith.constant 0 : i32
      %dma_start3A_792 = arith.constant 0 : i32
      %dma_start3A_793 = arith.constant 0 : i32
      %dma_start3A_794 = arith.constant 0 : i32
      %dma_start3A_795 = tpu.memref_slice %arg6[%dma_start3A_791, %dma_start3A_792, %dma_start3A_793, %dma_start3A_794] : memref<4x4x50x128xf32, #tpu.memory_space<vmem>> -> memref<1x1x50x128xf32, #tpu.memory_space<vmem>>
      %dma_start3A_796 = tpu.memref_squeeze %dma_start3A_795 : memref<1x1x50x128xf32, #tpu.memory_space<vmem>> -> memref<50x128xf32, #tpu.memory_space<vmem>>
      %dma_start3A_797 = arith.constant 0 : i32
      %dma_start3A_798 = tpu.memref_slice %arg5[%dma_start3A_789, %dma_start3A_790, %dma_start3A_797] : memref<4x4x64xi32, #tpu.memory_space<vmem>> -> memref<1x1x50xi32, #tpu.memory_space<vmem>>
      %dma_start3A_799 = tpu.memref_squeeze %dma_start3A_798 : memref<1x1x50xi32, #tpu.memory_space<vmem>> -> memref<50xi32, #tpu.memory_space<vmem>>
      %dma_start3A_800 = arith.constant 0 : i32
      %dma_start3A_801 = arith.constant 0 : i32
      %dma_start3A_802 = tpu.memref_slice %arg3[%dma_start3A_800, %dma_start3A_801] : memref<60000x128xf32, #tpu.memory_space<hbm>> -> memref<60000x128xf32, #tpu.memory_space<hbm>>
      tpu.enqueue_indirect_dma source(%dma_start3A_802 : memref<60000x128xf32, #tpu.memory_space<hbm>>) target(%dma_start3A_796 : memref<50x128xf32, #tpu.memory_space<vmem>>) offsets(%dma_start3A_799 : memref<50xi32, #tpu.memory_space<vmem>>) semaphore(%arg7 : memref<!tpu.dma_semaphore, #tpu.memory_space<semaphore_mem>>)
      %dma_start3A_803 = arith.constant 0 : i32
      %dma_start3A_804 = arith.constant 1 : i32
      %dma_start3A_805 = arith.constant 0 : i32
      %dma_start3A_806 = arith.constant 1 : i32
      %dma_start3A_807 = arith.constant 0 : i32
      %dma_start3A_808 = arith.constant 0 : i32
      %dma_start3A_809 = tpu.memref_slice %arg6[%dma_start3A_805, %dma_start3A_806, %dma_start3A_807, %dma_start3A_808] : memref<4x4x50x128xf32, #tpu.memory_space<vmem>> -> memref<1x1x50x128xf32, #tpu.memory_space<vmem>>
      %dma_start3A_810 = tpu.memref_squeeze %dma_start3A_809 : memref<1x1x50x128xf32, #tpu.memory_space<vmem>> -> memref<50x128xf32, #tpu.memory_space<vmem>>
      %dma_start3A_811 = arith.constant 0 : i32
      %dma_start3A_812 = tpu.memref_slice %arg5[%dma_start3A_803, %dma_start3A_804, %dma_start3A_811] : memref<4x4x64xi32, #tpu.memory_space<vmem>> -> memref<1x1x50xi32, #tpu.memory_space<vmem>>
      %dma_start3A_813 = tpu.memref_squeeze %dma_start3A_812 : memref<1x1x50xi32, #tpu.memory_space<vmem>> -> memref<50xi32, #tpu.memory_space<vmem>>
      %dma_start3A_814 = arith.constant 0 : i32
      %dma_start3A_815 = arith.constant 0 : i32
      %dma_start3A_816 = tpu.memref_slice %arg3[%dma_start3A_814, %dma_start3A_815] : memref<60000x128xf32, #tpu.memory_space<hbm>> -> memref<60000x128xf32, #tpu.memory_space<hbm>>
      tpu.enqueue_indirect_dma source(%dma_start3A_816 : memref<60000x128xf32, #tpu.memory_space<hbm>>) target(%dma_start3A_810 : memref<50x128xf32, #tpu.memory_space<vmem>>) offsets(%dma_start3A_813 : memref<50xi32, #tpu.memory_space<vmem>>) semaphore(%arg7 : memref<!tpu.dma_semaphore, #tpu.memory_space<semaphore_mem>>)
      %dma_start3A_817 = arith.constant 0 : i32
      %dma_start3A_818 = arith.constant 2 : i32
      %dma_start3A_819 = arith.constant 0 : i32
      %dma_start3A_820 = arith.constant 2 : i32
      %dma_start3A_821 = arith.constant 0 : i32
      %dma_start3A_822 = arith.constant 0 : i32
      %dma_start3A_823 = tpu.memref_slice %arg6[%dma_start3A_819, %dma_start3A_820, %dma_start3A_821, %dma_start3A_822] : memref<4x4x50x128xf32, #tpu.memory_space<vmem>> -> memref<1x1x50x128xf32, #tpu.memory_space<vmem>>
      %dma_start3A_824 = tpu.memref_squeeze %dma_start3A_823 : memref<1x1x50x128xf32, #tpu.memory_space<vmem>> -> memref<50x128xf32, #tpu.memory_space<vmem>>
      %dma_start3A_825 = arith.constant 0 : i32
      %dma_start3A_826 = tpu.memref_slice %arg5[%dma_start3A_817, %dma_start3A_818, %dma_start3A_825] : memref<4x4x64xi32, #tpu.memory_space<vmem>> -> memref<1x1x50xi32, #tpu.memory_space<vmem>>
      %dma_start3A_827 = tpu.memref_squeeze %dma_start3A_826 : memref<1x1x50xi32, #tpu.memory_space<vmem>> -> memref<50xi32, #tpu.memory_space<vmem>>
      %dma_start3A_828 = arith.constant 0 : i32
      %dma_start3A_829 = arith.constant 0 : i32
      %dma_start3A_830 = tpu.memref_slice %arg3[%dma_start3A_828, %dma_start3A_829] : memref<60000x128xf32, #tpu.memory_space<hbm>> -> memref<60000x128xf32, #tpu.memory_space<hbm>>
      tpu.enqueue_indirect_dma source(%dma_start3A_830 : memref<60000x128xf32, #tpu.memory_space<hbm>>) target(%dma_start3A_824 : memref<50x128xf32, #tpu.memory_space<vmem>>) offsets(%dma_start3A_827 : memref<50xi32, #tpu.memory_space<vmem>>) semaphore(%arg7 : memref<!tpu.dma_semaphore, #tpu.memory_space<semaphore_mem>>)
      %dma_start3A_831 = arith.constant 0 : i32
      %dma_start3A_832 = arith.constant 3 : i32
      %dma_start3A_833 = arith.constant 0 : i32
      %dma_start3A_834 = arith.constant 3 : i32
      %dma_start3A_835 = arith.constant 0 : i32
      %dma_start3A_836 = arith.constant 0 : i32
      %dma_start3A_837 = tpu.memref_slice %arg6[%dma_start3A_833, %dma_start3A_834, %dma_start3A_835, %dma_start3A_836] : memref<4x4x50x128xf32, #tpu.memory_space<vmem>> -> memref<1x1x50x128xf32, #tpu.memory_space<vmem>>
      %dma_start3A_838 = tpu.memref_squeeze %dma_start3A_837 : memref<1x1x50x128xf32, #tpu.memory_space<vmem>> -> memref<50x128xf32, #tpu.memory_space<vmem>>
      %dma_start3A_839 = arith.constant 0 : i32
      %dma_start3A_840 = tpu.memref_slice %arg5[%dma_start3A_831, %dma_start3A_832, %dma_start3A_839] : memref<4x4x64xi32, #tpu.memory_space<vmem>> -> memref<1x1x50xi32, #tpu.memory_space<vmem>>
      %dma_start3A_841 = tpu.memref_squeeze %dma_start3A_840 : memref<1x1x50xi32, #tpu.memory_space<vmem>> -> memref<50xi32, #tpu.memory_space<vmem>>
      %dma_start3A_842 = arith.constant 0 : i32
      %dma_start3A_843 = arith.constant 0 : i32
      %dma_start3A_844 = tpu.memref_slice %arg3[%dma_start3A_842, %dma_start3A_843] : memref<60000x128xf32, #tpu.memory_space<hbm>> -> memref<60000x128xf32, #tpu.memory_space<hbm>>
      tpu.enqueue_indirect_dma source(%dma_start3A_844 : memref<60000x128xf32, #tpu.memory_space<hbm>>) target(%dma_start3A_838 : memref<50x128xf32, #tpu.memory_space<vmem>>) offsets(%dma_start3A_841 : memref<50xi32, #tpu.memory_space<vmem>>) semaphore(%arg7 : memref<!tpu.dma_semaphore, #tpu.memory_space<semaphore_mem>>)
      %sub3A = arith.constant 1 : i32
      %sub3A_845 = arith.subi %add3A_758, %sub3A : i32
      %dma_wait3A_846 = arith.constant 3 : i32
      %dma_wait3A_847 = arith.constant 0 : i32
      %dma_wait3A_848 = arith.constant 3 : i32
      %dma_wait3A_849 = arith.constant 0 : i32
      %dma_wait3A_850 = arith.constant 0 : i32
      %dma_wait3A_851 = arith.constant 0 : i32
      %dma_wait3A_852 = tpu.memref_slice %arg6[%dma_wait3A_848, %dma_wait3A_849, %dma_wait3A_850, %dma_wait3A_851] : memref<4x4x50x128xf32, #tpu.memory_space<vmem>> -> memref<1x1x50x128xf32, #tpu.memory_space<vmem>>
      %dma_wait3A_853 = tpu.memref_squeeze %dma_wait3A_852 : memref<1x1x50x128xf32, #tpu.memory_space<vmem>> -> memref<50x128xf32, #tpu.memory_space<vmem>>
      %dma_wait3A_854 = arith.constant 0 : i32
      %dma_wait3A_855 = tpu.memref_slice %arg5[%dma_wait3A_846, %dma_wait3A_847, %dma_wait3A_854] : memref<4x4x64xi32, #tpu.memory_space<vmem>> -> memref<1x1x50xi32, #tpu.memory_space<vmem>>
      %dma_wait3A_856 = tpu.memref_squeeze %dma_wait3A_855 : memref<1x1x50xi32, #tpu.memory_space<vmem>> -> memref<50xi32, #tpu.memory_space<vmem>>
      %dma_wait3A_857 = arith.constant 0 : i32
      %dma_wait3A_858 = arith.constant 0 : i32
      %dma_wait3A_859 = tpu.memref_slice %arg3[%dma_wait3A_857, %dma_wait3A_858] : memref<60000x128xf32, #tpu.memory_space<hbm>> -> memref<60000x128xf32, #tpu.memory_space<hbm>>
      tpu.wait_indirect_dma semaphore(%arg10 : memref<!tpu.dma_semaphore, #tpu.memory_space<semaphore_mem>>) src(%dma_wait3A_859 : memref<60000x128xf32, #tpu.memory_space<hbm>>) dst(%dma_wait3A_853 : memref<50x128xf32, #tpu.memory_space<vmem>>)
      %dma_wait3A_860 = arith.constant 3 : i32
      %dma_wait3A_861 = arith.constant 0 : i32
      %dma_wait3A_862 = arith.constant 3 : i32
      %dma_wait3A_863 = arith.constant 0 : i32
      %dma_wait3A_864 = arith.constant 0 : i32
      %dma_wait3A_865 = arith.constant 0 : i32
      %dma_wait3A_866 = tpu.memref_slice %arg6[%dma_wait3A_862, %dma_wait3A_863, %dma_wait3A_864, %dma_wait3A_865] : memref<4x4x50x128xf32, #tpu.memory_space<vmem>> -> memref<1x1x50x128xf32, #tpu.memory_space<vmem>>
      %dma_wait3A_867 = tpu.memref_squeeze %dma_wait3A_866 : memref<1x1x50x128xf32, #tpu.memory_space<vmem>> -> memref<50x128xf32, #tpu.memory_space<vmem>>
      %dma_wait3A_868 = arith.constant 0 : i32
      %dma_wait3A_869 = tpu.memref_slice %arg5[%dma_wait3A_860, %dma_wait3A_861, %dma_wait3A_868] : memref<4x4x64xi32, #tpu.memory_space<vmem>> -> memref<1x1x50xi32, #tpu.memory_space<vmem>>
      %dma_wait3A_870 = tpu.memref_squeeze %dma_wait3A_869 : memref<1x1x50xi32, #tpu.memory_space<vmem>> -> memref<50xi32, #tpu.memory_space<vmem>>
      %dma_wait3A_871 = arith.constant 0 : i32
      %dma_wait3A_872 = arith.constant 0 : i32
      %dma_wait3A_873 = tpu.memref_slice %arg3[%dma_wait3A_871, %dma_wait3A_872] : memref<60000x128xf32, #tpu.memory_space<hbm>> -> memref<60000x128xf32, #tpu.memory_space<hbm>>
      tpu.wait_indirect_dma semaphore(%arg10 : memref<!tpu.dma_semaphore, #tpu.memory_space<semaphore_mem>>) src(%dma_wait3A_873 : memref<60000x128xf32, #tpu.memory_space<hbm>>) dst(%dma_wait3A_867 : memref<50x128xf32, #tpu.memory_space<vmem>>)
      %dma_wait3A_874 = arith.constant 3 : i32
      %dma_wait3A_875 = arith.constant 0 : i32
      %dma_wait3A_876 = arith.constant 3 : i32
      %dma_wait3A_877 = arith.constant 0 : i32
      %dma_wait3A_878 = arith.constant 0 : i32
      %dma_wait3A_879 = arith.constant 0 : i32
      %dma_wait3A_880 = tpu.memref_slice %arg6[%dma_wait3A_876, %dma_wait3A_877, %dma_wait3A_878, %dma_wait3A_879] : memref<4x4x50x128xf32, #tpu.memory_space<vmem>> -> memref<1x1x50x128xf32, #tpu.memory_space<vmem>>
      %dma_wait3A_881 = tpu.memref_squeeze %dma_wait3A_880 : memref<1x1x50x128xf32, #tpu.memory_space<vmem>> -> memref<50x128xf32, #tpu.memory_space<vmem>>
      %dma_wait3A_882 = arith.constant 0 : i32
      %dma_wait3A_883 = tpu.memref_slice %arg5[%dma_wait3A_874, %dma_wait3A_875, %dma_wait3A_882] : memref<4x4x64xi32, #tpu.memory_space<vmem>> -> memref<1x1x50xi32, #tpu.memory_space<vmem>>
      %dma_wait3A_884 = tpu.memref_squeeze %dma_wait3A_883 : memref<1x1x50xi32, #tpu.memory_space<vmem>> -> memref<50xi32, #tpu.memory_space<vmem>>
      %dma_wait3A_885 = arith.constant 0 : i32
      %dma_wait3A_886 = arith.constant 0 : i32
      %dma_wait3A_887 = tpu.memref_slice %arg3[%dma_wait3A_885, %dma_wait3A_886] : memref<60000x128xf32, #tpu.memory_space<hbm>> -> memref<60000x128xf32, #tpu.memory_space<hbm>>
      tpu.wait_indirect_dma semaphore(%arg10 : memref<!tpu.dma_semaphore, #tpu.memory_space<semaphore_mem>>) src(%dma_wait3A_887 : memref<60000x128xf32, #tpu.memory_space<hbm>>) dst(%dma_wait3A_881 : memref<50x128xf32, #tpu.memory_space<vmem>>)
      %dma_wait3A_888 = arith.constant 3 : i32
      %dma_wait3A_889 = arith.constant 0 : i32
      %dma_wait3A_890 = arith.constant 3 : i32
      %dma_wait3A_891 = arith.constant 0 : i32
      %dma_wait3A_892 = arith.constant 0 : i32
      %dma_wait3A_893 = arith.constant 0 : i32
      %dma_wait3A_894 = tpu.memref_slice %arg6[%dma_wait3A_890, %dma_wait3A_891, %dma_wait3A_892, %dma_wait3A_893] : memref<4x4x50x128xf32, #tpu.memory_space<vmem>> -> memref<1x1x50x128xf32, #tpu.memory_space<vmem>>
      %dma_wait3A_895 = tpu.memref_squeeze %dma_wait3A_894 : memref<1x1x50x128xf32, #tpu.memory_space<vmem>> -> memref<50x128xf32, #tpu.memory_space<vmem>>
      %dma_wait3A_896 = arith.constant 0 : i32
      %dma_wait3A_897 = tpu.memref_slice %arg5[%dma_wait3A_888, %dma_wait3A_889, %dma_wait3A_896] : memref<4x4x64xi32, #tpu.memory_space<vmem>> -> memref<1x1x50xi32, #tpu.memory_space<vmem>>
      %dma_wait3A_898 = tpu.memref_squeeze %dma_wait3A_897 : memref<1x1x50xi32, #tpu.memory_space<vmem>> -> memref<50xi32, #tpu.memory_space<vmem>>
      %dma_wait3A_899 = arith.constant 0 : i32
      %dma_wait3A_900 = arith.constant 0 : i32
      %dma_wait3A_901 = tpu.memref_slice %arg3[%dma_wait3A_899, %dma_wait3A_900] : memref<60000x128xf32, #tpu.memory_space<hbm>> -> memref<60000x128xf32, #tpu.memory_space<hbm>>
      tpu.wait_indirect_dma semaphore(%arg10 : memref<!tpu.dma_semaphore, #tpu.memory_space<semaphore_mem>>) src(%dma_wait3A_901 : memref<60000x128xf32, #tpu.memory_space<hbm>>) dst(%dma_wait3A_895 : memref<50x128xf32, #tpu.memory_space<vmem>>)
      %add3A_902 = arith.constant 4 : i32
      %add3A_903 = arith.addi %sub3A_845, %add3A_902 : i32
      %lt3A = arith.constant 128 : i32
      %lt3A_904 = arith.cmpi slt, %add3A_903, %lt3A : i32
      %convert_element_type3A = arith.extui %lt3A_904 : i1 to i32
      %cond3A = arith.constant 0 : i32
      %cond3A_905 = arith.cmpi ne, %convert_element_type3A, %cond3A : i32
      scf.if %cond3A_905 {
        %add3A_1451 = arith.constant 4 : i32
        %add3A_1452 = arith.addi %sub3A_845, %add3A_1451 : i32
        %mul3A_1453 = arith.constant 4 : i32
        %mul3A_1454 = arith.muli %add3A_1452, %mul3A_1453 : i32
        %add3A_1455 = arith.addi %mul3A_2, %mul3A_1454 : i32
        %dma_start3A_1456 = arith.constant 3 : i32
        %dma_start3A_1457 = arith.constant 0 : i32
        %dma_start3A_1458 = arith.constant 0 : i32
        %dma_start3A_1459 = tpu.memref_slice %arg5[%dma_start3A_1456, %dma_start3A_1457, %dma_start3A_1458] : memref<4x4x64xi32, #tpu.memory_space<vmem>> -> memref<1x4x64xi32, #tpu.memory_space<vmem>>
        %dma_start3A_1460 = tpu.memref_squeeze %dma_start3A_1459 : memref<1x4x64xi32, #tpu.memory_space<vmem>> -> memref<4x64xi32, #tpu.memory_space<vmem>>
        %dma_start3A_1461 = arith.constant 0 : i32
        %dma_start3A_1462 = tpu.memref_slice %arg2[%add3A_1455, %dma_start3A_1461] : memref<16384x64xi32, #tpu.memory_space<hbm>> -> memref<4x64xi32, #tpu.memory_space<hbm>>
        %dma_start3A_1463 = arith.constant 0 : i32
        %dma_start3A_1464 = arith.constant 0 : i32
        %dma_start3A_1465 = tpu.memref_slice %arg5[%dma_start3A_1456, %dma_start3A_1463, %dma_start3A_1464] : memref<4x4x64xi32, #tpu.memory_space<vmem>> -> memref<1x4x64xi32, #tpu.memory_space<vmem>>
        %dma_start3A_1466 = tpu.memref_squeeze %dma_start3A_1465 : memref<1x4x64xi32, #tpu.memory_space<vmem>> -> memref<4x64xi32, #tpu.memory_space<vmem>>
        %dma_start3A_1467 = arith.constant 0 : i32
        %dma_start3A_1468 = tpu.memref_slice %arg2[%add3A_1455, %dma_start3A_1467] : memref<16384x64xi32, #tpu.memory_space<hbm>> -> memref<4x64xi32, #tpu.memory_space<hbm>>
        tpu.enqueue_dma source(%dma_start3A_1468 : memref<4x64xi32, #tpu.memory_space<hbm>>) target(%dma_start3A_1466 : memref<4x64xi32, #tpu.memory_space<vmem>>) target_semaphore(%arg18 : memref<!tpu.dma_semaphore, #tpu.memory_space<semaphore_mem>>)
      } else {
      }
      %mul3A_906 = arith.constant 4 : i32
      %mul3A_907 = arith.muli %sub3A_845, %mul3A_906 : i32
      %add3A_908 = arith.addi %mul3A_2, %mul3A_907 : i32
      %dma_start3A_909 = arith.constant 3 : i32
      %dma_start3A_910 = arith.constant 0 : i32
      %dma_start3A_911 = arith.constant 0 : i32
      %dma_start3A_912 = arith.constant 0 : i32
      %dma_start3A_913 = tpu.memref_slice %arg6[%dma_start3A_909, %dma_start3A_910, %dma_start3A_911, %dma_start3A_912] : memref<4x4x50x128xf32, #tpu.memory_space<vmem>> -> memref<1x4x50x128xf32, #tpu.memory_space<vmem>>
      %dma_start3A_914 = tpu.memref_squeeze %dma_start3A_913 : memref<1x4x50x128xf32, #tpu.memory_space<vmem>> -> memref<4x50x128xf32, #tpu.memory_space<vmem>>
      %dma_start3A_915 = arith.constant 0 : i32
      %dma_start3A_916 = arith.constant 0 : i32
      %dma_start3A_917 = tpu.memref_slice %arg4[%add3A_908, %dma_start3A_915, %dma_start3A_916] : memref<16384x50x128xf32, #tpu.memory_space<hbm>> -> memref<4x50x128xf32, #tpu.memory_space<hbm>>
      %dma_start3A_918 = arith.constant 0 : i32
      %dma_start3A_919 = arith.constant 0 : i32
      %dma_start3A_920 = tpu.memref_slice %arg4[%add3A_908, %dma_start3A_918, %dma_start3A_919] : memref<16384x50x128xf32, #tpu.memory_space<hbm>> -> memref<4x50x128xf32, #tpu.memory_space<hbm>>
      %dma_start3A_921 = arith.constant 0 : i32
      %dma_start3A_922 = arith.constant 0 : i32
      %dma_start3A_923 = arith.constant 0 : i32
      %dma_start3A_924 = tpu.memref_slice %arg6[%dma_start3A_909, %dma_start3A_921, %dma_start3A_922, %dma_start3A_923] : memref<4x4x50x128xf32, #tpu.memory_space<vmem>> -> memref<1x4x50x128xf32, #tpu.memory_space<vmem>>
      %dma_start3A_925 = tpu.memref_squeeze %dma_start3A_924 : memref<1x4x50x128xf32, #tpu.memory_space<vmem>> -> memref<4x50x128xf32, #tpu.memory_space<vmem>>
      tpu.enqueue_dma source(%dma_start3A_925 : memref<4x50x128xf32, #tpu.memory_space<vmem>>) target(%dma_start3A_920 : memref<4x50x128xf32, #tpu.memory_space<hbm>>) target_semaphore(%arg14 : memref<!tpu.dma_semaphore, #tpu.memory_space<semaphore_mem>>)
      %mul3A_926 = arith.constant 4 : i32
      %mul3A_927 = arith.muli %scan3A_754, %mul3A_926 : i32
      %add3A_928 = arith.constant 1 : i32
      %add3A_929 = arith.addi %mul3A_927, %add3A_928 : i32
      %dma_wait3A_930 = arith.constant 1 : i32
      %dma_wait3A_931 = arith.constant 0 : i32
      %dma_wait3A_932 = arith.constant 0 : i32
      %dma_wait3A_933 = arith.constant 0 : i32
      %dma_wait3A_934 = tpu.memref_slice %arg6[%dma_wait3A_930, %dma_wait3A_931, %dma_wait3A_932, %dma_wait3A_933] : memref<4x4x50x128xf32, #tpu.memory_space<vmem>> -> memref<1x4x50x128xf32, #tpu.memory_space<vmem>>
      %dma_wait3A_935 = tpu.memref_squeeze %dma_wait3A_934 : memref<1x4x50x128xf32, #tpu.memory_space<vmem>> -> memref<4x50x128xf32, #tpu.memory_space<vmem>>
      %dma_wait3A_936 = arith.constant 0 : i32
      %dma_wait3A_937 = arith.constant 0 : i32
      %dma_wait3A_938 = tpu.memref_slice %arg4[%mul3A_2, %dma_wait3A_936, %dma_wait3A_937] : memref<16384x50x128xf32, #tpu.memory_space<hbm>> -> memref<4x50x128xf32, #tpu.memory_space<hbm>>
      %dma_wait3A_939 = arith.constant 0 : i32
      %dma_wait3A_940 = arith.constant 0 : i32
      %dma_wait3A_941 = tpu.memref_slice %arg4[%mul3A_2, %dma_wait3A_939, %dma_wait3A_940] : memref<16384x50x128xf32, #tpu.memory_space<hbm>> -> memref<4x50x128xf32, #tpu.memory_space<hbm>>
      %dma_wait3A_942 = arith.constant 0 : i32
      %dma_wait3A_943 = arith.constant 0 : i32
      %dma_wait3A_944 = arith.constant 0 : i32
      %dma_wait3A_945 = tpu.memref_slice %arg6[%dma_wait3A_930, %dma_wait3A_942, %dma_wait3A_943, %dma_wait3A_944] : memref<4x4x50x128xf32, #tpu.memory_space<vmem>> -> memref<1x4x50x128xf32, #tpu.memory_space<vmem>>
      %dma_wait3A_946 = tpu.memref_squeeze %dma_wait3A_945 : memref<1x4x50x128xf32, #tpu.memory_space<vmem>> -> memref<4x50x128xf32, #tpu.memory_space<vmem>>
      tpu.wait_dma2 semaphore(%arg12 : memref<!tpu.dma_semaphore, #tpu.memory_space<semaphore_mem>>) src(%dma_wait3A_946 : memref<4x50x128xf32, #tpu.memory_space<vmem>>) dst(%dma_wait3A_941 : memref<4x50x128xf32, #tpu.memory_space<hbm>>)
      %dma_wait3A_947 = arith.constant 1 : i32
      %dma_wait3A_948 = arith.constant 0 : i32
      %dma_wait3A_949 = arith.constant 0 : i32
      %dma_wait3A_950 = tpu.memref_slice %arg5[%dma_wait3A_947, %dma_wait3A_948, %dma_wait3A_949] : memref<4x4x64xi32, #tpu.memory_space<vmem>> -> memref<1x4x64xi32, #tpu.memory_space<vmem>>
      %dma_wait3A_951 = tpu.memref_squeeze %dma_wait3A_950 : memref<1x4x64xi32, #tpu.memory_space<vmem>> -> memref<4x64xi32, #tpu.memory_space<vmem>>
      %dma_wait3A_952 = arith.constant 0 : i32
      %dma_wait3A_953 = tpu.memref_slice %arg2[%mul3A_2, %dma_wait3A_952] : memref<16384x64xi32, #tpu.memory_space<hbm>> -> memref<4x64xi32, #tpu.memory_space<hbm>>
      %dma_wait3A_954 = arith.constant 0 : i32
      %dma_wait3A_955 = arith.constant 0 : i32
      %dma_wait3A_956 = tpu.memref_slice %arg5[%dma_wait3A_947, %dma_wait3A_954, %dma_wait3A_955] : memref<4x4x64xi32, #tpu.memory_space<vmem>> -> memref<1x4x64xi32, #tpu.memory_space<vmem>>
      %dma_wait3A_957 = tpu.memref_squeeze %dma_wait3A_956 : memref<1x4x64xi32, #tpu.memory_space<vmem>> -> memref<4x64xi32, #tpu.memory_space<vmem>>
      %dma_wait3A_958 = arith.constant 0 : i32
      %dma_wait3A_959 = tpu.memref_slice %arg2[%mul3A_2, %dma_wait3A_958] : memref<16384x64xi32, #tpu.memory_space<hbm>> -> memref<4x64xi32, #tpu.memory_space<hbm>>
      tpu.wait_dma2 semaphore(%arg16 : memref<!tpu.dma_semaphore, #tpu.memory_space<semaphore_mem>>) src(%dma_wait3A_959 : memref<4x64xi32, #tpu.memory_space<hbm>>) dst(%dma_wait3A_957 : memref<4x64xi32, #tpu.memory_space<vmem>>)
      %dma_start3A_960 = arith.constant 1 : i32
      %dma_start3A_961 = arith.constant 0 : i32
      %dma_start3A_962 = arith.constant 1 : i32
      %dma_start3A_963 = arith.constant 0 : i32
      %dma_start3A_964 = arith.constant 0 : i32
      %dma_start3A_965 = arith.constant 0 : i32
      %dma_start3A_966 = tpu.memref_slice %arg6[%dma_start3A_962, %dma_start3A_963, %dma_start3A_964, %dma_start3A_965] : memref<4x4x50x128xf32, #tpu.memory_space<vmem>> -> memref<1x1x50x128xf32, #tpu.memory_space<vmem>>
      %dma_start3A_967 = tpu.memref_squeeze %dma_start3A_966 : memref<1x1x50x128xf32, #tpu.memory_space<vmem>> -> memref<50x128xf32, #tpu.memory_space<vmem>>
      %dma_start3A_968 = arith.constant 0 : i32
      %dma_start3A_969 = tpu.memref_slice %arg5[%dma_start3A_960, %dma_start3A_961, %dma_start3A_968] : memref<4x4x64xi32, #tpu.memory_space<vmem>> -> memref<1x1x50xi32, #tpu.memory_space<vmem>>
      %dma_start3A_970 = tpu.memref_squeeze %dma_start3A_969 : memref<1x1x50xi32, #tpu.memory_space<vmem>> -> memref<50xi32, #tpu.memory_space<vmem>>
      %dma_start3A_971 = arith.constant 0 : i32
      %dma_start3A_972 = arith.constant 0 : i32
      %dma_start3A_973 = tpu.memref_slice %arg3[%dma_start3A_971, %dma_start3A_972] : memref<60000x128xf32, #tpu.memory_space<hbm>> -> memref<60000x128xf32, #tpu.memory_space<hbm>>
      tpu.enqueue_indirect_dma source(%dma_start3A_973 : memref<60000x128xf32, #tpu.memory_space<hbm>>) target(%dma_start3A_967 : memref<50x128xf32, #tpu.memory_space<vmem>>) offsets(%dma_start3A_970 : memref<50xi32, #tpu.memory_space<vmem>>) semaphore(%arg8 : memref<!tpu.dma_semaphore, #tpu.memory_space<semaphore_mem>>)
      %dma_start3A_974 = arith.constant 1 : i32
      %dma_start3A_975 = arith.constant 1 : i32
      %dma_start3A_976 = arith.constant 1 : i32
      %dma_start3A_977 = arith.constant 1 : i32
      %dma_start3A_978 = arith.constant 0 : i32
      %dma_start3A_979 = arith.constant 0 : i32
      %dma_start3A_980 = tpu.memref_slice %arg6[%dma_start3A_976, %dma_start3A_977, %dma_start3A_978, %dma_start3A_979] : memref<4x4x50x128xf32, #tpu.memory_space<vmem>> -> memref<1x1x50x128xf32, #tpu.memory_space<vmem>>
      %dma_start3A_981 = tpu.memref_squeeze %dma_start3A_980 : memref<1x1x50x128xf32, #tpu.memory_space<vmem>> -> memref<50x128xf32, #tpu.memory_space<vmem>>
      %dma_start3A_982 = arith.constant 0 : i32
      %dma_start3A_983 = tpu.memref_slice %arg5[%dma_start3A_974, %dma_start3A_975, %dma_start3A_982] : memref<4x4x64xi32, #tpu.memory_space<vmem>> -> memref<1x1x50xi32, #tpu.memory_space<vmem>>
      %dma_start3A_984 = tpu.memref_squeeze %dma_start3A_983 : memref<1x1x50xi32, #tpu.memory_space<vmem>> -> memref<50xi32, #tpu.memory_space<vmem>>
      %dma_start3A_985 = arith.constant 0 : i32
      %dma_start3A_986 = arith.constant 0 : i32
      %dma_start3A_987 = tpu.memref_slice %arg3[%dma_start3A_985, %dma_start3A_986] : memref<60000x128xf32, #tpu.memory_space<hbm>> -> memref<60000x128xf32, #tpu.memory_space<hbm>>
      tpu.enqueue_indirect_dma source(%dma_start3A_987 : memref<60000x128xf32, #tpu.memory_space<hbm>>) target(%dma_start3A_981 : memref<50x128xf32, #tpu.memory_space<vmem>>) offsets(%dma_start3A_984 : memref<50xi32, #tpu.memory_space<vmem>>) semaphore(%arg8 : memref<!tpu.dma_semaphore, #tpu.memory_space<semaphore_mem>>)
      %dma_start3A_988 = arith.constant 1 : i32
      %dma_start3A_989 = arith.constant 2 : i32
      %dma_start3A_990 = arith.constant 1 : i32
      %dma_start3A_991 = arith.constant 2 : i32
      %dma_start3A_992 = arith.constant 0 : i32
      %dma_start3A_993 = arith.constant 0 : i32
      %dma_start3A_994 = tpu.memref_slice %arg6[%dma_start3A_990, %dma_start3A_991, %dma_start3A_992, %dma_start3A_993] : memref<4x4x50x128xf32, #tpu.memory_space<vmem>> -> memref<1x1x50x128xf32, #tpu.memory_space<vmem>>
      %dma_start3A_995 = tpu.memref_squeeze %dma_start3A_994 : memref<1x1x50x128xf32, #tpu.memory_space<vmem>> -> memref<50x128xf32, #tpu.memory_space<vmem>>
      %dma_start3A_996 = arith.constant 0 : i32
      %dma_start3A_997 = tpu.memref_slice %arg5[%dma_start3A_988, %dma_start3A_989, %dma_start3A_996] : memref<4x4x64xi32, #tpu.memory_space<vmem>> -> memref<1x1x50xi32, #tpu.memory_space<vmem>>
      %dma_start3A_998 = tpu.memref_squeeze %dma_start3A_997 : memref<1x1x50xi32, #tpu.memory_space<vmem>> -> memref<50xi32, #tpu.memory_space<vmem>>
      %dma_start3A_999 = arith.constant 0 : i32
      %dma_start3A_1000 = arith.constant 0 : i32
      %dma_start3A_1001 = tpu.memref_slice %arg3[%dma_start3A_999, %dma_start3A_1000] : memref<60000x128xf32, #tpu.memory_space<hbm>> -> memref<60000x128xf32, #tpu.memory_space<hbm>>
      tpu.enqueue_indirect_dma source(%dma_start3A_1001 : memref<60000x128xf32, #tpu.memory_space<hbm>>) target(%dma_start3A_995 : memref<50x128xf32, #tpu.memory_space<vmem>>) offsets(%dma_start3A_998 : memref<50xi32, #tpu.memory_space<vmem>>) semaphore(%arg8 : memref<!tpu.dma_semaphore, #tpu.memory_space<semaphore_mem>>)
      %dma_start3A_1002 = arith.constant 1 : i32
      %dma_start3A_1003 = arith.constant 3 : i32
      %dma_start3A_1004 = arith.constant 1 : i32
      %dma_start3A_1005 = arith.constant 3 : i32
      %dma_start3A_1006 = arith.constant 0 : i32
      %dma_start3A_1007 = arith.constant 0 : i32
      %dma_start3A_1008 = tpu.memref_slice %arg6[%dma_start3A_1004, %dma_start3A_1005, %dma_start3A_1006, %dma_start3A_1007] : memref<4x4x50x128xf32, #tpu.memory_space<vmem>> -> memref<1x1x50x128xf32, #tpu.memory_space<vmem>>
      %dma_start3A_1009 = tpu.memref_squeeze %dma_start3A_1008 : memref<1x1x50x128xf32, #tpu.memory_space<vmem>> -> memref<50x128xf32, #tpu.memory_space<vmem>>
      %dma_start3A_1010 = arith.constant 0 : i32
      %dma_start3A_1011 = tpu.memref_slice %arg5[%dma_start3A_1002, %dma_start3A_1003, %dma_start3A_1010] : memref<4x4x64xi32, #tpu.memory_space<vmem>> -> memref<1x1x50xi32, #tpu.memory_space<vmem>>
      %dma_start3A_1012 = tpu.memref_squeeze %dma_start3A_1011 : memref<1x1x50xi32, #tpu.memory_space<vmem>> -> memref<50xi32, #tpu.memory_space<vmem>>
      %dma_start3A_1013 = arith.constant 0 : i32
      %dma_start3A_1014 = arith.constant 0 : i32
      %dma_start3A_1015 = tpu.memref_slice %arg3[%dma_start3A_1013, %dma_start3A_1014] : memref<60000x128xf32, #tpu.memory_space<hbm>> -> memref<60000x128xf32, #tpu.memory_space<hbm>>
      tpu.enqueue_indirect_dma source(%dma_start3A_1015 : memref<60000x128xf32, #tpu.memory_space<hbm>>) target(%dma_start3A_1009 : memref<50x128xf32, #tpu.memory_space<vmem>>) offsets(%dma_start3A_1012 : memref<50xi32, #tpu.memory_space<vmem>>) semaphore(%arg8 : memref<!tpu.dma_semaphore, #tpu.memory_space<semaphore_mem>>)
      %sub3A_1016 = arith.constant 1 : i32
      %sub3A_1017 = arith.subi %add3A_929, %sub3A_1016 : i32
      %dma_wait3A_1018 = arith.constant 0 : i32
      %dma_wait3A_1019 = arith.constant 0 : i32
      %dma_wait3A_1020 = arith.constant 0 : i32
      %dma_wait3A_1021 = arith.constant 0 : i32
      %dma_wait3A_1022 = arith.constant 0 : i32
      %dma_wait3A_1023 = arith.constant 0 : i32
      %dma_wait3A_1024 = tpu.memref_slice %arg6[%dma_wait3A_1020, %dma_wait3A_1021, %dma_wait3A_1022, %dma_wait3A_1023] : memref<4x4x50x128xf32, #tpu.memory_space<vmem>> -> memref<1x1x50x128xf32, #tpu.memory_space<vmem>>
      %dma_wait3A_1025 = tpu.memref_squeeze %dma_wait3A_1024 : memref<1x1x50x128xf32, #tpu.memory_space<vmem>> -> memref<50x128xf32, #tpu.memory_space<vmem>>
      %dma_wait3A_1026 = arith.constant 0 : i32
      %dma_wait3A_1027 = tpu.memref_slice %arg5[%dma_wait3A_1018, %dma_wait3A_1019, %dma_wait3A_1026] : memref<4x4x64xi32, #tpu.memory_space<vmem>> -> memref<1x1x50xi32, #tpu.memory_space<vmem>>
      %dma_wait3A_1028 = tpu.memref_squeeze %dma_wait3A_1027 : memref<1x1x50xi32, #tpu.memory_space<vmem>> -> memref<50xi32, #tpu.memory_space<vmem>>
      %dma_wait3A_1029 = arith.constant 0 : i32
      %dma_wait3A_1030 = arith.constant 0 : i32
      %dma_wait3A_1031 = tpu.memref_slice %arg3[%dma_wait3A_1029, %dma_wait3A_1030] : memref<60000x128xf32, #tpu.memory_space<hbm>> -> memref<60000x128xf32, #tpu.memory_space<hbm>>
      tpu.wait_indirect_dma semaphore(%arg7 : memref<!tpu.dma_semaphore, #tpu.memory_space<semaphore_mem>>) src(%dma_wait3A_1031 : memref<60000x128xf32, #tpu.memory_space<hbm>>) dst(%dma_wait3A_1025 : memref<50x128xf32, #tpu.memory_space<vmem>>)
      %dma_wait3A_1032 = arith.constant 0 : i32
      %dma_wait3A_1033 = arith.constant 0 : i32
      %dma_wait3A_1034 = arith.constant 0 : i32
      %dma_wait3A_1035 = arith.constant 0 : i32
      %dma_wait3A_1036 = arith.constant 0 : i32
      %dma_wait3A_1037 = arith.constant 0 : i32
      %dma_wait3A_1038 = tpu.memref_slice %arg6[%dma_wait3A_1034, %dma_wait3A_1035, %dma_wait3A_1036, %dma_wait3A_1037] : memref<4x4x50x128xf32, #tpu.memory_space<vmem>> -> memref<1x1x50x128xf32, #tpu.memory_space<vmem>>
      %dma_wait3A_1039 = tpu.memref_squeeze %dma_wait3A_1038 : memref<1x1x50x128xf32, #tpu.memory_space<vmem>> -> memref<50x128xf32, #tpu.memory_space<vmem>>
      %dma_wait3A_1040 = arith.constant 0 : i32
      %dma_wait3A_1041 = tpu.memref_slice %arg5[%dma_wait3A_1032, %dma_wait3A_1033, %dma_wait3A_1040] : memref<4x4x64xi32, #tpu.memory_space<vmem>> -> memref<1x1x50xi32, #tpu.memory_space<vmem>>
      %dma_wait3A_1042 = tpu.memref_squeeze %dma_wait3A_1041 : memref<1x1x50xi32, #tpu.memory_space<vmem>> -> memref<50xi32, #tpu.memory_space<vmem>>
      %dma_wait3A_1043 = arith.constant 0 : i32
      %dma_wait3A_1044 = arith.constant 0 : i32
      %dma_wait3A_1045 = tpu.memref_slice %arg3[%dma_wait3A_1043, %dma_wait3A_1044] : memref<60000x128xf32, #tpu.memory_space<hbm>> -> memref<60000x128xf32, #tpu.memory_space<hbm>>
      tpu.wait_indirect_dma semaphore(%arg7 : memref<!tpu.dma_semaphore, #tpu.memory_space<semaphore_mem>>) src(%dma_wait3A_1045 : memref<60000x128xf32, #tpu.memory_space<hbm>>) dst(%dma_wait3A_1039 : memref<50x128xf32, #tpu.memory_space<vmem>>)
      %dma_wait3A_1046 = arith.constant 0 : i32
      %dma_wait3A_1047 = arith.constant 0 : i32
      %dma_wait3A_1048 = arith.constant 0 : i32
      %dma_wait3A_1049 = arith.constant 0 : i32
      %dma_wait3A_1050 = arith.constant 0 : i32
      %dma_wait3A_1051 = arith.constant 0 : i32
      %dma_wait3A_1052 = tpu.memref_slice %arg6[%dma_wait3A_1048, %dma_wait3A_1049, %dma_wait3A_1050, %dma_wait3A_1051] : memref<4x4x50x128xf32, #tpu.memory_space<vmem>> -> memref<1x1x50x128xf32, #tpu.memory_space<vmem>>
      %dma_wait3A_1053 = tpu.memref_squeeze %dma_wait3A_1052 : memref<1x1x50x128xf32, #tpu.memory_space<vmem>> -> memref<50x128xf32, #tpu.memory_space<vmem>>
      %dma_wait3A_1054 = arith.constant 0 : i32
      %dma_wait3A_1055 = tpu.memref_slice %arg5[%dma_wait3A_1046, %dma_wait3A_1047, %dma_wait3A_1054] : memref<4x4x64xi32, #tpu.memory_space<vmem>> -> memref<1x1x50xi32, #tpu.memory_space<vmem>>
      %dma_wait3A_1056 = tpu.memref_squeeze %dma_wait3A_1055 : memref<1x1x50xi32, #tpu.memory_space<vmem>> -> memref<50xi32, #tpu.memory_space<vmem>>
      %dma_wait3A_1057 = arith.constant 0 : i32
      %dma_wait3A_1058 = arith.constant 0 : i32
      %dma_wait3A_1059 = tpu.memref_slice %arg3[%dma_wait3A_1057, %dma_wait3A_1058] : memref<60000x128xf32, #tpu.memory_space<hbm>> -> memref<60000x128xf32, #tpu.memory_space<hbm>>
      tpu.wait_indirect_dma semaphore(%arg7 : memref<!tpu.dma_semaphore, #tpu.memory_space<semaphore_mem>>) src(%dma_wait3A_1059 : memref<60000x128xf32, #tpu.memory_space<hbm>>) dst(%dma_wait3A_1053 : memref<50x128xf32, #tpu.memory_space<vmem>>)
      %dma_wait3A_1060 = arith.constant 0 : i32
      %dma_wait3A_1061 = arith.constant 0 : i32
      %dma_wait3A_1062 = arith.constant 0 : i32
      %dma_wait3A_1063 = arith.constant 0 : i32
      %dma_wait3A_1064 = arith.constant 0 : i32
      %dma_wait3A_1065 = arith.constant 0 : i32
      %dma_wait3A_1066 = tpu.memref_slice %arg6[%dma_wait3A_1062, %dma_wait3A_1063, %dma_wait3A_1064, %dma_wait3A_1065] : memref<4x4x50x128xf32, #tpu.memory_space<vmem>> -> memref<1x1x50x128xf32, #tpu.memory_space<vmem>>
      %dma_wait3A_1067 = tpu.memref_squeeze %dma_wait3A_1066 : memref<1x1x50x128xf32, #tpu.memory_space<vmem>> -> memref<50x128xf32, #tpu.memory_space<vmem>>
      %dma_wait3A_1068 = arith.constant 0 : i32
      %dma_wait3A_1069 = tpu.memref_slice %arg5[%dma_wait3A_1060, %dma_wait3A_1061, %dma_wait3A_1068] : memref<4x4x64xi32, #tpu.memory_space<vmem>> -> memref<1x1x50xi32, #tpu.memory_space<vmem>>
      %dma_wait3A_1070 = tpu.memref_squeeze %dma_wait3A_1069 : memref<1x1x50xi32, #tpu.memory_space<vmem>> -> memref<50xi32, #tpu.memory_space<vmem>>
      %dma_wait3A_1071 = arith.constant 0 : i32
      %dma_wait3A_1072 = arith.constant 0 : i32
      %dma_wait3A_1073 = tpu.memref_slice %arg3[%dma_wait3A_1071, %dma_wait3A_1072] : memref<60000x128xf32, #tpu.memory_space<hbm>> -> memref<60000x128xf32, #tpu.memory_space<hbm>>
      tpu.wait_indirect_dma semaphore(%arg7 : memref<!tpu.dma_semaphore, #tpu.memory_space<semaphore_mem>>) src(%dma_wait3A_1073 : memref<60000x128xf32, #tpu.memory_space<hbm>>) dst(%dma_wait3A_1067 : memref<50x128xf32, #tpu.memory_space<vmem>>)
      %add3A_1074 = arith.constant 4 : i32
      %add3A_1075 = arith.addi %sub3A_1017, %add3A_1074 : i32
      %lt3A_1076 = arith.constant 128 : i32
      %lt3A_1077 = arith.cmpi slt, %add3A_1075, %lt3A_1076 : i32
      %convert_element_type3A_1078 = arith.extui %lt3A_1077 : i1 to i32
      %cond3A_1079 = arith.constant 0 : i32
      %cond3A_1080 = arith.cmpi ne, %convert_element_type3A_1078, %cond3A_1079 : i32
      scf.if %cond3A_1080 {
        %add3A_1451 = arith.constant 4 : i32
        %add3A_1452 = arith.addi %sub3A_1017, %add3A_1451 : i32
        %mul3A_1453 = arith.constant 4 : i32
        %mul3A_1454 = arith.muli %add3A_1452, %mul3A_1453 : i32
        %add3A_1455 = arith.addi %mul3A_2, %mul3A_1454 : i32
        %dma_start3A_1456 = arith.constant 0 : i32
        %dma_start3A_1457 = arith.constant 0 : i32
        %dma_start3A_1458 = arith.constant 0 : i32
        %dma_start3A_1459 = tpu.memref_slice %arg5[%dma_start3A_1456, %dma_start3A_1457, %dma_start3A_1458] : memref<4x4x64xi32, #tpu.memory_space<vmem>> -> memref<1x4x64xi32, #tpu.memory_space<vmem>>
        %dma_start3A_1460 = tpu.memref_squeeze %dma_start3A_1459 : memref<1x4x64xi32, #tpu.memory_space<vmem>> -> memref<4x64xi32, #tpu.memory_space<vmem>>
        %dma_start3A_1461 = arith.constant 0 : i32
        %dma_start3A_1462 = tpu.memref_slice %arg2[%add3A_1455, %dma_start3A_1461] : memref<16384x64xi32, #tpu.memory_space<hbm>> -> memref<4x64xi32, #tpu.memory_space<hbm>>
        %dma_start3A_1463 = arith.constant 0 : i32
        %dma_start3A_1464 = arith.constant 0 : i32
        %dma_start3A_1465 = tpu.memref_slice %arg5[%dma_start3A_1456, %dma_start3A_1463, %dma_start3A_1464] : memref<4x4x64xi32, #tpu.memory_space<vmem>> -> memref<1x4x64xi32, #tpu.memory_space<vmem>>
        %dma_start3A_1466 = tpu.memref_squeeze %dma_start3A_1465 : memref<1x4x64xi32, #tpu.memory_space<vmem>> -> memref<4x64xi32, #tpu.memory_space<vmem>>
        %dma_start3A_1467 = arith.constant 0 : i32
        %dma_start3A_1468 = tpu.memref_slice %arg2[%add3A_1455, %dma_start3A_1467] : memref<16384x64xi32, #tpu.memory_space<hbm>> -> memref<4x64xi32, #tpu.memory_space<hbm>>
        tpu.enqueue_dma source(%dma_start3A_1468 : memref<4x64xi32, #tpu.memory_space<hbm>>) target(%dma_start3A_1466 : memref<4x64xi32, #tpu.memory_space<vmem>>) target_semaphore(%arg15 : memref<!tpu.dma_semaphore, #tpu.memory_space<semaphore_mem>>)
      } else {
      }
      %mul3A_1081 = arith.constant 4 : i32
      %mul3A_1082 = arith.muli %sub3A_1017, %mul3A_1081 : i32
      %add3A_1083 = arith.addi %mul3A_2, %mul3A_1082 : i32
      %dma_start3A_1084 = arith.constant 0 : i32
      %dma_start3A_1085 = arith.constant 0 : i32
      %dma_start3A_1086 = arith.constant 0 : i32
      %dma_start3A_1087 = arith.constant 0 : i32
      %dma_start3A_1088 = tpu.memref_slice %arg6[%dma_start3A_1084, %dma_start3A_1085, %dma_start3A_1086, %dma_start3A_1087] : memref<4x4x50x128xf32, #tpu.memory_space<vmem>> -> memref<1x4x50x128xf32, #tpu.memory_space<vmem>>
      %dma_start3A_1089 = tpu.memref_squeeze %dma_start3A_1088 : memref<1x4x50x128xf32, #tpu.memory_space<vmem>> -> memref<4x50x128xf32, #tpu.memory_space<vmem>>
      %dma_start3A_1090 = arith.constant 0 : i32
      %dma_start3A_1091 = arith.constant 0 : i32
      %dma_start3A_1092 = tpu.memref_slice %arg4[%add3A_1083, %dma_start3A_1090, %dma_start3A_1091] : memref<16384x50x128xf32, #tpu.memory_space<hbm>> -> memref<4x50x128xf32, #tpu.memory_space<hbm>>
      %dma_start3A_1093 = arith.constant 0 : i32
      %dma_start3A_1094 = arith.constant 0 : i32
      %dma_start3A_1095 = tpu.memref_slice %arg4[%add3A_1083, %dma_start3A_1093, %dma_start3A_1094] : memref<16384x50x128xf32, #tpu.memory_space<hbm>> -> memref<4x50x128xf32, #tpu.memory_space<hbm>>
      %dma_start3A_1096 = arith.constant 0 : i32
      %dma_start3A_1097 = arith.constant 0 : i32
      %dma_start3A_1098 = arith.constant 0 : i32
      %dma_start3A_1099 = tpu.memref_slice %arg6[%dma_start3A_1084, %dma_start3A_1096, %dma_start3A_1097, %dma_start3A_1098] : memref<4x4x50x128xf32, #tpu.memory_space<vmem>> -> memref<1x4x50x128xf32, #tpu.memory_space<vmem>>
      %dma_start3A_1100 = tpu.memref_squeeze %dma_start3A_1099 : memref<1x4x50x128xf32, #tpu.memory_space<vmem>> -> memref<4x50x128xf32, #tpu.memory_space<vmem>>
      tpu.enqueue_dma source(%dma_start3A_1100 : memref<4x50x128xf32, #tpu.memory_space<vmem>>) target(%dma_start3A_1095 : memref<4x50x128xf32, #tpu.memory_space<hbm>>) target_semaphore(%arg11 : memref<!tpu.dma_semaphore, #tpu.memory_space<semaphore_mem>>)
      %mul3A_1101 = arith.constant 4 : i32
      %mul3A_1102 = arith.muli %scan3A_754, %mul3A_1101 : i32
      %add3A_1103 = arith.constant 2 : i32
      %add3A_1104 = arith.addi %mul3A_1102, %add3A_1103 : i32
      %dma_wait3A_1105 = arith.constant 2 : i32
      %dma_wait3A_1106 = arith.constant 0 : i32
      %dma_wait3A_1107 = arith.constant 0 : i32
      %dma_wait3A_1108 = arith.constant 0 : i32
      %dma_wait3A_1109 = tpu.memref_slice %arg6[%dma_wait3A_1105, %dma_wait3A_1106, %dma_wait3A_1107, %dma_wait3A_1108] : memref<4x4x50x128xf32, #tpu.memory_space<vmem>> -> memref<1x4x50x128xf32, #tpu.memory_space<vmem>>
      %dma_wait3A_1110 = tpu.memref_squeeze %dma_wait3A_1109 : memref<1x4x50x128xf32, #tpu.memory_space<vmem>> -> memref<4x50x128xf32, #tpu.memory_space<vmem>>
      %dma_wait3A_1111 = arith.constant 0 : i32
      %dma_wait3A_1112 = arith.constant 0 : i32
      %dma_wait3A_1113 = tpu.memref_slice %arg4[%mul3A_2, %dma_wait3A_1111, %dma_wait3A_1112] : memref<16384x50x128xf32, #tpu.memory_space<hbm>> -> memref<4x50x128xf32, #tpu.memory_space<hbm>>
      %dma_wait3A_1114 = arith.constant 0 : i32
      %dma_wait3A_1115 = arith.constant 0 : i32
      %dma_wait3A_1116 = tpu.memref_slice %arg4[%mul3A_2, %dma_wait3A_1114, %dma_wait3A_1115] : memref<16384x50x128xf32, #tpu.memory_space<hbm>> -> memref<4x50x128xf32, #tpu.memory_space<hbm>>
      %dma_wait3A_1117 = arith.constant 0 : i32
      %dma_wait3A_1118 = arith.constant 0 : i32
      %dma_wait3A_1119 = arith.constant 0 : i32
      %dma_wait3A_1120 = tpu.memref_slice %arg6[%dma_wait3A_1105, %dma_wait3A_1117, %dma_wait3A_1118, %dma_wait3A_1119] : memref<4x4x50x128xf32, #tpu.memory_space<vmem>> -> memref<1x4x50x128xf32, #tpu.memory_space<vmem>>
      %dma_wait3A_1121 = tpu.memref_squeeze %dma_wait3A_1120 : memref<1x4x50x128xf32, #tpu.memory_space<vmem>> -> memref<4x50x128xf32, #tpu.memory_space<vmem>>
      tpu.wait_dma2 semaphore(%arg13 : memref<!tpu.dma_semaphore, #tpu.memory_space<semaphore_mem>>) src(%dma_wait3A_1121 : memref<4x50x128xf32, #tpu.memory_space<vmem>>) dst(%dma_wait3A_1116 : memref<4x50x128xf32, #tpu.memory_space<hbm>>)
      %dma_wait3A_1122 = arith.constant 2 : i32
      %dma_wait3A_1123 = arith.constant 0 : i32
      %dma_wait3A_1124 = arith.constant 0 : i32
      %dma_wait3A_1125 = tpu.memref_slice %arg5[%dma_wait3A_1122, %dma_wait3A_1123, %dma_wait3A_1124] : memref<4x4x64xi32, #tpu.memory_space<vmem>> -> memref<1x4x64xi32, #tpu.memory_space<vmem>>
      %dma_wait3A_1126 = tpu.memref_squeeze %dma_wait3A_1125 : memref<1x4x64xi32, #tpu.memory_space<vmem>> -> memref<4x64xi32, #tpu.memory_space<vmem>>
      %dma_wait3A_1127 = arith.constant 0 : i32
      %dma_wait3A_1128 = tpu.memref_slice %arg2[%mul3A_2, %dma_wait3A_1127] : memref<16384x64xi32, #tpu.memory_space<hbm>> -> memref<4x64xi32, #tpu.memory_space<hbm>>
      %dma_wait3A_1129 = arith.constant 0 : i32
      %dma_wait3A_1130 = arith.constant 0 : i32
      %dma_wait3A_1131 = tpu.memref_slice %arg5[%dma_wait3A_1122, %dma_wait3A_1129, %dma_wait3A_1130] : memref<4x4x64xi32, #tpu.memory_space<vmem>> -> memref<1x4x64xi32, #tpu.memory_space<vmem>>
      %dma_wait3A_1132 = tpu.memref_squeeze %dma_wait3A_1131 : memref<1x4x64xi32, #tpu.memory_space<vmem>> -> memref<4x64xi32, #tpu.memory_space<vmem>>
      %dma_wait3A_1133 = arith.constant 0 : i32
      %dma_wait3A_1134 = tpu.memref_slice %arg2[%mul3A_2, %dma_wait3A_1133] : memref<16384x64xi32, #tpu.memory_space<hbm>> -> memref<4x64xi32, #tpu.memory_space<hbm>>
      tpu.wait_dma2 semaphore(%arg17 : memref<!tpu.dma_semaphore, #tpu.memory_space<semaphore_mem>>) src(%dma_wait3A_1134 : memref<4x64xi32, #tpu.memory_space<hbm>>) dst(%dma_wait3A_1132 : memref<4x64xi32, #tpu.memory_space<vmem>>)
      %dma_start3A_1135 = arith.constant 2 : i32
      %dma_start3A_1136 = arith.constant 0 : i32
      %dma_start3A_1137 = arith.constant 2 : i32
      %dma_start3A_1138 = arith.constant 0 : i32
      %dma_start3A_1139 = arith.constant 0 : i32
      %dma_start3A_1140 = arith.constant 0 : i32
      %dma_start3A_1141 = tpu.memref_slice %arg6[%dma_start3A_1137, %dma_start3A_1138, %dma_start3A_1139, %dma_start3A_1140] : memref<4x4x50x128xf32, #tpu.memory_space<vmem>> -> memref<1x1x50x128xf32, #tpu.memory_space<vmem>>
      %dma_start3A_1142 = tpu.memref_squeeze %dma_start3A_1141 : memref<1x1x50x128xf32, #tpu.memory_space<vmem>> -> memref<50x128xf32, #tpu.memory_space<vmem>>
      %dma_start3A_1143 = arith.constant 0 : i32
      %dma_start3A_1144 = tpu.memref_slice %arg5[%dma_start3A_1135, %dma_start3A_1136, %dma_start3A_1143] : memref<4x4x64xi32, #tpu.memory_space<vmem>> -> memref<1x1x50xi32, #tpu.memory_space<vmem>>
      %dma_start3A_1145 = tpu.memref_squeeze %dma_start3A_1144 : memref<1x1x50xi32, #tpu.memory_space<vmem>> -> memref<50xi32, #tpu.memory_space<vmem>>
      %dma_start3A_1146 = arith.constant 0 : i32
      %dma_start3A_1147 = arith.constant 0 : i32
      %dma_start3A_1148 = tpu.memref_slice %arg3[%dma_start3A_1146, %dma_start3A_1147] : memref<60000x128xf32, #tpu.memory_space<hbm>> -> memref<60000x128xf32, #tpu.memory_space<hbm>>
      tpu.enqueue_indirect_dma source(%dma_start3A_1148 : memref<60000x128xf32, #tpu.memory_space<hbm>>) target(%dma_start3A_1142 : memref<50x128xf32, #tpu.memory_space<vmem>>) offsets(%dma_start3A_1145 : memref<50xi32, #tpu.memory_space<vmem>>) semaphore(%arg9 : memref<!tpu.dma_semaphore, #tpu.memory_space<semaphore_mem>>)
      %dma_start3A_1149 = arith.constant 2 : i32
      %dma_start3A_1150 = arith.constant 1 : i32
      %dma_start3A_1151 = arith.constant 2 : i32
      %dma_start3A_1152 = arith.constant 1 : i32
      %dma_start3A_1153 = arith.constant 0 : i32
      %dma_start3A_1154 = arith.constant 0 : i32
      %dma_start3A_1155 = tpu.memref_slice %arg6[%dma_start3A_1151, %dma_start3A_1152, %dma_start3A_1153, %dma_start3A_1154] : memref<4x4x50x128xf32, #tpu.memory_space<vmem>> -> memref<1x1x50x128xf32, #tpu.memory_space<vmem>>
      %dma_start3A_1156 = tpu.memref_squeeze %dma_start3A_1155 : memref<1x1x50x128xf32, #tpu.memory_space<vmem>> -> memref<50x128xf32, #tpu.memory_space<vmem>>
      %dma_start3A_1157 = arith.constant 0 : i32
      %dma_start3A_1158 = tpu.memref_slice %arg5[%dma_start3A_1149, %dma_start3A_1150, %dma_start3A_1157] : memref<4x4x64xi32, #tpu.memory_space<vmem>> -> memref<1x1x50xi32, #tpu.memory_space<vmem>>
      %dma_start3A_1159 = tpu.memref_squeeze %dma_start3A_1158 : memref<1x1x50xi32, #tpu.memory_space<vmem>> -> memref<50xi32, #tpu.memory_space<vmem>>
      %dma_start3A_1160 = arith.constant 0 : i32
      %dma_start3A_1161 = arith.constant 0 : i32
      %dma_start3A_1162 = tpu.memref_slice %arg3[%dma_start3A_1160, %dma_start3A_1161] : memref<60000x128xf32, #tpu.memory_space<hbm>> -> memref<60000x128xf32, #tpu.memory_space<hbm>>
      tpu.enqueue_indirect_dma source(%dma_start3A_1162 : memref<60000x128xf32, #tpu.memory_space<hbm>>) target(%dma_start3A_1156 : memref<50x128xf32, #tpu.memory_space<vmem>>) offsets(%dma_start3A_1159 : memref<50xi32, #tpu.memory_space<vmem>>) semaphore(%arg9 : memref<!tpu.dma_semaphore, #tpu.memory_space<semaphore_mem>>)
      %dma_start3A_1163 = arith.constant 2 : i32
      %dma_start3A_1164 = arith.constant 2 : i32
      %dma_start3A_1165 = arith.constant 2 : i32
      %dma_start3A_1166 = arith.constant 2 : i32
      %dma_start3A_1167 = arith.constant 0 : i32
      %dma_start3A_1168 = arith.constant 0 : i32
      %dma_start3A_1169 = tpu.memref_slice %arg6[%dma_start3A_1165, %dma_start3A_1166, %dma_start3A_1167, %dma_start3A_1168] : memref<4x4x50x128xf32, #tpu.memory_space<vmem>> -> memref<1x1x50x128xf32, #tpu.memory_space<vmem>>
      %dma_start3A_1170 = tpu.memref_squeeze %dma_start3A_1169 : memref<1x1x50x128xf32, #tpu.memory_space<vmem>> -> memref<50x128xf32, #tpu.memory_space<vmem>>
      %dma_start3A_1171 = arith.constant 0 : i32
      %dma_start3A_1172 = tpu.memref_slice %arg5[%dma_start3A_1163, %dma_start3A_1164, %dma_start3A_1171] : memref<4x4x64xi32, #tpu.memory_space<vmem>> -> memref<1x1x50xi32, #tpu.memory_space<vmem>>
      %dma_start3A_1173 = tpu.memref_squeeze %dma_start3A_1172 : memref<1x1x50xi32, #tpu.memory_space<vmem>> -> memref<50xi32, #tpu.memory_space<vmem>>
      %dma_start3A_1174 = arith.constant 0 : i32
      %dma_start3A_1175 = arith.constant 0 : i32
      %dma_start3A_1176 = tpu.memref_slice %arg3[%dma_start3A_1174, %dma_start3A_1175] : memref<60000x128xf32, #tpu.memory_space<hbm>> -> memref<60000x128xf32, #tpu.memory_space<hbm>>
      tpu.enqueue_indirect_dma source(%dma_start3A_1176 : memref<60000x128xf32, #tpu.memory_space<hbm>>) target(%dma_start3A_1170 : memref<50x128xf32, #tpu.memory_space<vmem>>) offsets(%dma_start3A_1173 : memref<50xi32, #tpu.memory_space<vmem>>) semaphore(%arg9 : memref<!tpu.dma_semaphore, #tpu.memory_space<semaphore_mem>>)
      %dma_start3A_1177 = arith.constant 2 : i32
      %dma_start3A_1178 = arith.constant 3 : i32
      %dma_start3A_1179 = arith.constant 2 : i32
      %dma_start3A_1180 = arith.constant 3 : i32
      %dma_start3A_1181 = arith.constant 0 : i32
      %dma_start3A_1182 = arith.constant 0 : i32
      %dma_start3A_1183 = tpu.memref_slice %arg6[%dma_start3A_1179, %dma_start3A_1180, %dma_start3A_1181, %dma_start3A_1182] : memref<4x4x50x128xf32, #tpu.memory_space<vmem>> -> memref<1x1x50x128xf32, #tpu.memory_space<vmem>>
      %dma_start3A_1184 = tpu.memref_squeeze %dma_start3A_1183 : memref<1x1x50x128xf32, #tpu.memory_space<vmem>> -> memref<50x128xf32, #tpu.memory_space<vmem>>
      %dma_start3A_1185 = arith.constant 0 : i32
      %dma_start3A_1186 = tpu.memref_slice %arg5[%dma_start3A_1177, %dma_start3A_1178, %dma_start3A_1185] : memref<4x4x64xi32, #tpu.memory_space<vmem>> -> memref<1x1x50xi32, #tpu.memory_space<vmem>>
      %dma_start3A_1187 = tpu.memref_squeeze %dma_start3A_1186 : memref<1x1x50xi32, #tpu.memory_space<vmem>> -> memref<50xi32, #tpu.memory_space<vmem>>
      %dma_start3A_1188 = arith.constant 0 : i32
      %dma_start3A_1189 = arith.constant 0 : i32
      %dma_start3A_1190 = tpu.memref_slice %arg3[%dma_start3A_1188, %dma_start3A_1189] : memref<60000x128xf32, #tpu.memory_space<hbm>> -> memref<60000x128xf32, #tpu.memory_space<hbm>>
      tpu.enqueue_indirect_dma source(%dma_start3A_1190 : memref<60000x128xf32, #tpu.memory_space<hbm>>) target(%dma_start3A_1184 : memref<50x128xf32, #tpu.memory_space<vmem>>) offsets(%dma_start3A_1187 : memref<50xi32, #tpu.memory_space<vmem>>) semaphore(%arg9 : memref<!tpu.dma_semaphore, #tpu.memory_space<semaphore_mem>>)
      %sub3A_1191 = arith.constant 1 : i32
      %sub3A_1192 = arith.subi %add3A_1104, %sub3A_1191 : i32
      %dma_wait3A_1193 = arith.constant 1 : i32
      %dma_wait3A_1194 = arith.constant 0 : i32
      %dma_wait3A_1195 = arith.constant 1 : i32
      %dma_wait3A_1196 = arith.constant 0 : i32
      %dma_wait3A_1197 = arith.constant 0 : i32
      %dma_wait3A_1198 = arith.constant 0 : i32
      %dma_wait3A_1199 = tpu.memref_slice %arg6[%dma_wait3A_1195, %dma_wait3A_1196, %dma_wait3A_1197, %dma_wait3A_1198] : memref<4x4x50x128xf32, #tpu.memory_space<vmem>> -> memref<1x1x50x128xf32, #tpu.memory_space<vmem>>
      %dma_wait3A_1200 = tpu.memref_squeeze %dma_wait3A_1199 : memref<1x1x50x128xf32, #tpu.memory_space<vmem>> -> memref<50x128xf32, #tpu.memory_space<vmem>>
      %dma_wait3A_1201 = arith.constant 0 : i32
      %dma_wait3A_1202 = tpu.memref_slice %arg5[%dma_wait3A_1193, %dma_wait3A_1194, %dma_wait3A_1201] : memref<4x4x64xi32, #tpu.memory_space<vmem>> -> memref<1x1x50xi32, #tpu.memory_space<vmem>>
      %dma_wait3A_1203 = tpu.memref_squeeze %dma_wait3A_1202 : memref<1x1x50xi32, #tpu.memory_space<vmem>> -> memref<50xi32, #tpu.memory_space<vmem>>
      %dma_wait3A_1204 = arith.constant 0 : i32
      %dma_wait3A_1205 = arith.constant 0 : i32
      %dma_wait3A_1206 = tpu.memref_slice %arg3[%dma_wait3A_1204, %dma_wait3A_1205] : memref<60000x128xf32, #tpu.memory_space<hbm>> -> memref<60000x128xf32, #tpu.memory_space<hbm>>
      tpu.wait_indirect_dma semaphore(%arg8 : memref<!tpu.dma_semaphore, #tpu.memory_space<semaphore_mem>>) src(%dma_wait3A_1206 : memref<60000x128xf32, #tpu.memory_space<hbm>>) dst(%dma_wait3A_1200 : memref<50x128xf32, #tpu.memory_space<vmem>>)
      %dma_wait3A_1207 = arith.constant 1 : i32
      %dma_wait3A_1208 = arith.constant 0 : i32
      %dma_wait3A_1209 = arith.constant 1 : i32
      %dma_wait3A_1210 = arith.constant 0 : i32
      %dma_wait3A_1211 = arith.constant 0 : i32
      %dma_wait3A_1212 = arith.constant 0 : i32
      %dma_wait3A_1213 = tpu.memref_slice %arg6[%dma_wait3A_1209, %dma_wait3A_1210, %dma_wait3A_1211, %dma_wait3A_1212] : memref<4x4x50x128xf32, #tpu.memory_space<vmem>> -> memref<1x1x50x128xf32, #tpu.memory_space<vmem>>
      %dma_wait3A_1214 = tpu.memref_squeeze %dma_wait3A_1213 : memref<1x1x50x128xf32, #tpu.memory_space<vmem>> -> memref<50x128xf32, #tpu.memory_space<vmem>>
      %dma_wait3A_1215 = arith.constant 0 : i32
      %dma_wait3A_1216 = tpu.memref_slice %arg5[%dma_wait3A_1207, %dma_wait3A_1208, %dma_wait3A_1215] : memref<4x4x64xi32, #tpu.memory_space<vmem>> -> memref<1x1x50xi32, #tpu.memory_space<vmem>>
      %dma_wait3A_1217 = tpu.memref_squeeze %dma_wait3A_1216 : memref<1x1x50xi32, #tpu.memory_space<vmem>> -> memref<50xi32, #tpu.memory_space<vmem>>
      %dma_wait3A_1218 = arith.constant 0 : i32
      %dma_wait3A_1219 = arith.constant 0 : i32
      %dma_wait3A_1220 = tpu.memref_slice %arg3[%dma_wait3A_1218, %dma_wait3A_1219] : memref<60000x128xf32, #tpu.memory_space<hbm>> -> memref<60000x128xf32, #tpu.memory_space<hbm>>
      tpu.wait_indirect_dma semaphore(%arg8 : memref<!tpu.dma_semaphore, #tpu.memory_space<semaphore_mem>>) src(%dma_wait3A_1220 : memref<60000x128xf32, #tpu.memory_space<hbm>>) dst(%dma_wait3A_1214 : memref<50x128xf32, #tpu.memory_space<vmem>>)
      %dma_wait3A_1221 = arith.constant 1 : i32
      %dma_wait3A_1222 = arith.constant 0 : i32
      %dma_wait3A_1223 = arith.constant 1 : i32
      %dma_wait3A_1224 = arith.constant 0 : i32
      %dma_wait3A_1225 = arith.constant 0 : i32
      %dma_wait3A_1226 = arith.constant 0 : i32
      %dma_wait3A_1227 = tpu.memref_slice %arg6[%dma_wait3A_1223, %dma_wait3A_1224, %dma_wait3A_1225, %dma_wait3A_1226] : memref<4x4x50x128xf32, #tpu.memory_space<vmem>> -> memref<1x1x50x128xf32, #tpu.memory_space<vmem>>
      %dma_wait3A_1228 = tpu.memref_squeeze %dma_wait3A_1227 : memref<1x1x50x128xf32, #tpu.memory_space<vmem>> -> memref<50x128xf32, #tpu.memory_space<vmem>>
      %dma_wait3A_1229 = arith.constant 0 : i32
      %dma_wait3A_1230 = tpu.memref_slice %arg5[%dma_wait3A_1221, %dma_wait3A_1222, %dma_wait3A_1229] : memref<4x4x64xi32, #tpu.memory_space<vmem>> -> memref<1x1x50xi32, #tpu.memory_space<vmem>>
      %dma_wait3A_1231 = tpu.memref_squeeze %dma_wait3A_1230 : memref<1x1x50xi32, #tpu.memory_space<vmem>> -> memref<50xi32, #tpu.memory_space<vmem>>
      %dma_wait3A_1232 = arith.constant 0 : i32
      %dma_wait3A_1233 = arith.constant 0 : i32
      %dma_wait3A_1234 = tpu.memref_slice %arg3[%dma_wait3A_1232, %dma_wait3A_1233] : memref<60000x128xf32, #tpu.memory_space<hbm>> -> memref<60000x128xf32, #tpu.memory_space<hbm>>
      tpu.wait_indirect_dma semaphore(%arg8 : memref<!tpu.dma_semaphore, #tpu.memory_space<semaphore_mem>>) src(%dma_wait3A_1234 : memref<60000x128xf32, #tpu.memory_space<hbm>>) dst(%dma_wait3A_1228 : memref<50x128xf32, #tpu.memory_space<vmem>>)
      %dma_wait3A_1235 = arith.constant 1 : i32
      %dma_wait3A_1236 = arith.constant 0 : i32
      %dma_wait3A_1237 = arith.constant 1 : i32
      %dma_wait3A_1238 = arith.constant 0 : i32
      %dma_wait3A_1239 = arith.constant 0 : i32
      %dma_wait3A_1240 = arith.constant 0 : i32
      %dma_wait3A_1241 = tpu.memref_slice %arg6[%dma_wait3A_1237, %dma_wait3A_1238, %dma_wait3A_1239, %dma_wait3A_1240] : memref<4x4x50x128xf32, #tpu.memory_space<vmem>> -> memref<1x1x50x128xf32, #tpu.memory_space<vmem>>
      %dma_wait3A_1242 = tpu.memref_squeeze %dma_wait3A_1241 : memref<1x1x50x128xf32, #tpu.memory_space<vmem>> -> memref<50x128xf32, #tpu.memory_space<vmem>>
      %dma_wait3A_1243 = arith.constant 0 : i32
      %dma_wait3A_1244 = tpu.memref_slice %arg5[%dma_wait3A_1235, %dma_wait3A_1236, %dma_wait3A_1243] : memref<4x4x64xi32, #tpu.memory_space<vmem>> -> memref<1x1x50xi32, #tpu.memory_space<vmem>>
      %dma_wait3A_1245 = tpu.memref_squeeze %dma_wait3A_1244 : memref<1x1x50xi32, #tpu.memory_space<vmem>> -> memref<50xi32, #tpu.memory_space<vmem>>
      %dma_wait3A_1246 = arith.constant 0 : i32
      %dma_wait3A_1247 = arith.constant 0 : i32
      %dma_wait3A_1248 = tpu.memref_slice %arg3[%dma_wait3A_1246, %dma_wait3A_1247] : memref<60000x128xf32, #tpu.memory_space<hbm>> -> memref<60000x128xf32, #tpu.memory_space<hbm>>
      tpu.wait_indirect_dma semaphore(%arg8 : memref<!tpu.dma_semaphore, #tpu.memory_space<semaphore_mem>>) src(%dma_wait3A_1248 : memref<60000x128xf32, #tpu.memory_space<hbm>>) dst(%dma_wait3A_1242 : memref<50x128xf32, #tpu.memory_space<vmem>>)
      %add3A_1249 = arith.constant 4 : i32
      %add3A_1250 = arith.addi %sub3A_1192, %add3A_1249 : i32
      %lt3A_1251 = arith.constant 128 : i32
      %lt3A_1252 = arith.cmpi slt, %add3A_1250, %lt3A_1251 : i32
      %convert_element_type3A_1253 = arith.extui %lt3A_1252 : i1 to i32
      %cond3A_1254 = arith.constant 0 : i32
      %cond3A_1255 = arith.cmpi ne, %convert_element_type3A_1253, %cond3A_1254 : i32
      scf.if %cond3A_1255 {
        %add3A_1451 = arith.constant 4 : i32
        %add3A_1452 = arith.addi %sub3A_1192, %add3A_1451 : i32
        %mul3A_1453 = arith.constant 4 : i32
        %mul3A_1454 = arith.muli %add3A_1452, %mul3A_1453 : i32
        %add3A_1455 = arith.addi %mul3A_2, %mul3A_1454 : i32
        %dma_start3A_1456 = arith.constant 1 : i32
        %dma_start3A_1457 = arith.constant 0 : i32
        %dma_start3A_1458 = arith.constant 0 : i32
        %dma_start3A_1459 = tpu.memref_slice %arg5[%dma_start3A_1456, %dma_start3A_1457, %dma_start3A_1458] : memref<4x4x64xi32, #tpu.memory_space<vmem>> -> memref<1x4x64xi32, #tpu.memory_space<vmem>>
        %dma_start3A_1460 = tpu.memref_squeeze %dma_start3A_1459 : memref<1x4x64xi32, #tpu.memory_space<vmem>> -> memref<4x64xi32, #tpu.memory_space<vmem>>
        %dma_start3A_1461 = arith.constant 0 : i32
        %dma_start3A_1462 = tpu.memref_slice %arg2[%add3A_1455, %dma_start3A_1461] : memref<16384x64xi32, #tpu.memory_space<hbm>> -> memref<4x64xi32, #tpu.memory_space<hbm>>
        %dma_start3A_1463 = arith.constant 0 : i32
        %dma_start3A_1464 = arith.constant 0 : i32
        %dma_start3A_1465 = tpu.memref_slice %arg5[%dma_start3A_1456, %dma_start3A_1463, %dma_start3A_1464] : memref<4x4x64xi32, #tpu.memory_space<vmem>> -> memref<1x4x64xi32, #tpu.memory_space<vmem>>
        %dma_start3A_1466 = tpu.memref_squeeze %dma_start3A_1465 : memref<1x4x64xi32, #tpu.memory_space<vmem>> -> memref<4x64xi32, #tpu.memory_space<vmem>>
        %dma_start3A_1467 = arith.constant 0 : i32
        %dma_start3A_1468 = tpu.memref_slice %arg2[%add3A_1455, %dma_start3A_1467] : memref<16384x64xi32, #tpu.memory_space<hbm>> -> memref<4x64xi32, #tpu.memory_space<hbm>>
        tpu.enqueue_dma source(%dma_start3A_1468 : memref<4x64xi32, #tpu.memory_space<hbm>>) target(%dma_start3A_1466 : memref<4x64xi32, #tpu.memory_space<vmem>>) target_semaphore(%arg16 : memref<!tpu.dma_semaphore, #tpu.memory_space<semaphore_mem>>)
      } else {
      }
      %mul3A_1256 = arith.constant 4 : i32
      %mul3A_1257 = arith.muli %sub3A_1192, %mul3A_1256 : i32
      %add3A_1258 = arith.addi %mul3A_2, %mul3A_1257 : i32
      %dma_start3A_1259 = arith.constant 1 : i32
      %dma_start3A_1260 = arith.constant 0 : i32
      %dma_start3A_1261 = arith.constant 0 : i32
      %dma_start3A_1262 = arith.constant 0 : i32
      %dma_start3A_1263 = tpu.memref_slice %arg6[%dma_start3A_1259, %dma_start3A_1260, %dma_start3A_1261, %dma_start3A_1262] : memref<4x4x50x128xf32, #tpu.memory_space<vmem>> -> memref<1x4x50x128xf32, #tpu.memory_space<vmem>>
      %dma_start3A_1264 = tpu.memref_squeeze %dma_start3A_1263 : memref<1x4x50x128xf32, #tpu.memory_space<vmem>> -> memref<4x50x128xf32, #tpu.memory_space<vmem>>
      %dma_start3A_1265 = arith.constant 0 : i32
      %dma_start3A_1266 = arith.constant 0 : i32
      %dma_start3A_1267 = tpu.memref_slice %arg4[%add3A_1258, %dma_start3A_1265, %dma_start3A_1266] : memref<16384x50x128xf32, #tpu.memory_space<hbm>> -> memref<4x50x128xf32, #tpu.memory_space<hbm>>
      %dma_start3A_1268 = arith.constant 0 : i32
      %dma_start3A_1269 = arith.constant 0 : i32
      %dma_start3A_1270 = tpu.memref_slice %arg4[%add3A_1258, %dma_start3A_1268, %dma_start3A_1269] : memref<16384x50x128xf32, #tpu.memory_space<hbm>> -> memref<4x50x128xf32, #tpu.memory_space<hbm>>
      %dma_start3A_1271 = arith.constant 0 : i32
      %dma_start3A_1272 = arith.constant 0 : i32
      %dma_start3A_1273 = arith.constant 0 : i32
      %dma_start3A_1274 = tpu.memref_slice %arg6[%dma_start3A_1259, %dma_start3A_1271, %dma_start3A_1272, %dma_start3A_1273] : memref<4x4x50x128xf32, #tpu.memory_space<vmem>> -> memref<1x4x50x128xf32, #tpu.memory_space<vmem>>
      %dma_start3A_1275 = tpu.memref_squeeze %dma_start3A_1274 : memref<1x4x50x128xf32, #tpu.memory_space<vmem>> -> memref<4x50x128xf32, #tpu.memory_space<vmem>>
      tpu.enqueue_dma source(%dma_start3A_1275 : memref<4x50x128xf32, #tpu.memory_space<vmem>>) target(%dma_start3A_1270 : memref<4x50x128xf32, #tpu.memory_space<hbm>>) target_semaphore(%arg12 : memref<!tpu.dma_semaphore, #tpu.memory_space<semaphore_mem>>)
      %mul3A_1276 = arith.constant 4 : i32
      %mul3A_1277 = arith.muli %scan3A_754, %mul3A_1276 : i32
      %add3A_1278 = arith.constant 3 : i32
      %add3A_1279 = arith.addi %mul3A_1277, %add3A_1278 : i32
      %dma_wait3A_1280 = arith.constant 3 : i32
      %dma_wait3A_1281 = arith.constant 0 : i32
      %dma_wait3A_1282 = arith.constant 0 : i32
      %dma_wait3A_1283 = arith.constant 0 : i32
      %dma_wait3A_1284 = tpu.memref_slice %arg6[%dma_wait3A_1280, %dma_wait3A_1281, %dma_wait3A_1282, %dma_wait3A_1283] : memref<4x4x50x128xf32, #tpu.memory_space<vmem>> -> memref<1x4x50x128xf32, #tpu.memory_space<vmem>>
      %dma_wait3A_1285 = tpu.memref_squeeze %dma_wait3A_1284 : memref<1x4x50x128xf32, #tpu.memory_space<vmem>> -> memref<4x50x128xf32, #tpu.memory_space<vmem>>
      %dma_wait3A_1286 = arith.constant 0 : i32
      %dma_wait3A_1287 = arith.constant 0 : i32
      %dma_wait3A_1288 = tpu.memref_slice %arg4[%mul3A_2, %dma_wait3A_1286, %dma_wait3A_1287] : memref<16384x50x128xf32, #tpu.memory_space<hbm>> -> memref<4x50x128xf32, #tpu.memory_space<hbm>>
      %dma_wait3A_1289 = arith.constant 0 : i32
      %dma_wait3A_1290 = arith.constant 0 : i32
      %dma_wait3A_1291 = tpu.memref_slice %arg4[%mul3A_2, %dma_wait3A_1289, %dma_wait3A_1290] : memref<16384x50x128xf32, #tpu.memory_space<hbm>> -> memref<4x50x128xf32, #tpu.memory_space<hbm>>
      %dma_wait3A_1292 = arith.constant 0 : i32
      %dma_wait3A_1293 = arith.constant 0 : i32
      %dma_wait3A_1294 = arith.constant 0 : i32
      %dma_wait3A_1295 = tpu.memref_slice %arg6[%dma_wait3A_1280, %dma_wait3A_1292, %dma_wait3A_1293, %dma_wait3A_1294] : memref<4x4x50x128xf32, #tpu.memory_space<vmem>> -> memref<1x4x50x128xf32, #tpu.memory_space<vmem>>
      %dma_wait3A_1296 = tpu.memref_squeeze %dma_wait3A_1295 : memref<1x4x50x128xf32, #tpu.memory_space<vmem>> -> memref<4x50x128xf32, #tpu.memory_space<vmem>>
      tpu.wait_dma2 semaphore(%arg14 : memref<!tpu.dma_semaphore, #tpu.memory_space<semaphore_mem>>) src(%dma_wait3A_1296 : memref<4x50x128xf32, #tpu.memory_space<vmem>>) dst(%dma_wait3A_1291 : memref<4x50x128xf32, #tpu.memory_space<hbm>>)
      %dma_wait3A_1297 = arith.constant 3 : i32
      %dma_wait3A_1298 = arith.constant 0 : i32
      %dma_wait3A_1299 = arith.constant 0 : i32
      %dma_wait3A_1300 = tpu.memref_slice %arg5[%dma_wait3A_1297, %dma_wait3A_1298, %dma_wait3A_1299] : memref<4x4x64xi32, #tpu.memory_space<vmem>> -> memref<1x4x64xi32, #tpu.memory_space<vmem>>
      %dma_wait3A_1301 = tpu.memref_squeeze %dma_wait3A_1300 : memref<1x4x64xi32, #tpu.memory_space<vmem>> -> memref<4x64xi32, #tpu.memory_space<vmem>>
      %dma_wait3A_1302 = arith.constant 0 : i32
      %dma_wait3A_1303 = tpu.memref_slice %arg2[%mul3A_2, %dma_wait3A_1302] : memref<16384x64xi32, #tpu.memory_space<hbm>> -> memref<4x64xi32, #tpu.memory_space<hbm>>
      %dma_wait3A_1304 = arith.constant 0 : i32
      %dma_wait3A_1305 = arith.constant 0 : i32
      %dma_wait3A_1306 = tpu.memref_slice %arg5[%dma_wait3A_1297, %dma_wait3A_1304, %dma_wait3A_1305] : memref<4x4x64xi32, #tpu.memory_space<vmem>> -> memref<1x4x64xi32, #tpu.memory_space<vmem>>
      %dma_wait3A_1307 = tpu.memref_squeeze %dma_wait3A_1306 : memref<1x4x64xi32, #tpu.memory_space<vmem>> -> memref<4x64xi32, #tpu.memory_space<vmem>>
      %dma_wait3A_1308 = arith.constant 0 : i32
      %dma_wait3A_1309 = tpu.memref_slice %arg2[%mul3A_2, %dma_wait3A_1308] : memref<16384x64xi32, #tpu.memory_space<hbm>> -> memref<4x64xi32, #tpu.memory_space<hbm>>
      tpu.wait_dma2 semaphore(%arg18 : memref<!tpu.dma_semaphore, #tpu.memory_space<semaphore_mem>>) src(%dma_wait3A_1309 : memref<4x64xi32, #tpu.memory_space<hbm>>) dst(%dma_wait3A_1307 : memref<4x64xi32, #tpu.memory_space<vmem>>)
      %dma_start3A_1310 = arith.constant 3 : i32
      %dma_start3A_1311 = arith.constant 0 : i32
      %dma_start3A_1312 = arith.constant 3 : i32
      %dma_start3A_1313 = arith.constant 0 : i32
      %dma_start3A_1314 = arith.constant 0 : i32
      %dma_start3A_1315 = arith.constant 0 : i32
      %dma_start3A_1316 = tpu.memref_slice %arg6[%dma_start3A_1312, %dma_start3A_1313, %dma_start3A_1314, %dma_start3A_1315] : memref<4x4x50x128xf32, #tpu.memory_space<vmem>> -> memref<1x1x50x128xf32, #tpu.memory_space<vmem>>
      %dma_start3A_1317 = tpu.memref_squeeze %dma_start3A_1316 : memref<1x1x50x128xf32, #tpu.memory_space<vmem>> -> memref<50x128xf32, #tpu.memory_space<vmem>>
      %dma_start3A_1318 = arith.constant 0 : i32
      %dma_start3A_1319 = tpu.memref_slice %arg5[%dma_start3A_1310, %dma_start3A_1311, %dma_start3A_1318] : memref<4x4x64xi32, #tpu.memory_space<vmem>> -> memref<1x1x50xi32, #tpu.memory_space<vmem>>
      %dma_start3A_1320 = tpu.memref_squeeze %dma_start3A_1319 : memref<1x1x50xi32, #tpu.memory_space<vmem>> -> memref<50xi32, #tpu.memory_space<vmem>>
      %dma_start3A_1321 = arith.constant 0 : i32
      %dma_start3A_1322 = arith.constant 0 : i32
      %dma_start3A_1323 = tpu.memref_slice %arg3[%dma_start3A_1321, %dma_start3A_1322] : memref<60000x128xf32, #tpu.memory_space<hbm>> -> memref<60000x128xf32, #tpu.memory_space<hbm>>
      tpu.enqueue_indirect_dma source(%dma_start3A_1323 : memref<60000x128xf32, #tpu.memory_space<hbm>>) target(%dma_start3A_1317 : memref<50x128xf32, #tpu.memory_space<vmem>>) offsets(%dma_start3A_1320 : memref<50xi32, #tpu.memory_space<vmem>>) semaphore(%arg10 : memref<!tpu.dma_semaphore, #tpu.memory_space<semaphore_mem>>)
      %dma_start3A_1324 = arith.constant 3 : i32
      %dma_start3A_1325 = arith.constant 1 : i32
      %dma_start3A_1326 = arith.constant 3 : i32
      %dma_start3A_1327 = arith.constant 1 : i32
      %dma_start3A_1328 = arith.constant 0 : i32
      %dma_start3A_1329 = arith.constant 0 : i32
      %dma_start3A_1330 = tpu.memref_slice %arg6[%dma_start3A_1326, %dma_start3A_1327, %dma_start3A_1328, %dma_start3A_1329] : memref<4x4x50x128xf32, #tpu.memory_space<vmem>> -> memref<1x1x50x128xf32, #tpu.memory_space<vmem>>
      %dma_start3A_1331 = tpu.memref_squeeze %dma_start3A_1330 : memref<1x1x50x128xf32, #tpu.memory_space<vmem>> -> memref<50x128xf32, #tpu.memory_space<vmem>>
      %dma_start3A_1332 = arith.constant 0 : i32
      %dma_start3A_1333 = tpu.memref_slice %arg5[%dma_start3A_1324, %dma_start3A_1325, %dma_start3A_1332] : memref<4x4x64xi32, #tpu.memory_space<vmem>> -> memref<1x1x50xi32, #tpu.memory_space<vmem>>
      %dma_start3A_1334 = tpu.memref_squeeze %dma_start3A_1333 : memref<1x1x50xi32, #tpu.memory_space<vmem>> -> memref<50xi32, #tpu.memory_space<vmem>>
      %dma_start3A_1335 = arith.constant 0 : i32
      %dma_start3A_1336 = arith.constant 0 : i32
      %dma_start3A_1337 = tpu.memref_slice %arg3[%dma_start3A_1335, %dma_start3A_1336] : memref<60000x128xf32, #tpu.memory_space<hbm>> -> memref<60000x128xf32, #tpu.memory_space<hbm>>
      tpu.enqueue_indirect_dma source(%dma_start3A_1337 : memref<60000x128xf32, #tpu.memory_space<hbm>>) target(%dma_start3A_1331 : memref<50x128xf32, #tpu.memory_space<vmem>>) offsets(%dma_start3A_1334 : memref<50xi32, #tpu.memory_space<vmem>>) semaphore(%arg10 : memref<!tpu.dma_semaphore, #tpu.memory_space<semaphore_mem>>)
      %dma_start3A_1338 = arith.constant 3 : i32
      %dma_start3A_1339 = arith.constant 2 : i32
      %dma_start3A_1340 = arith.constant 3 : i32
      %dma_start3A_1341 = arith.constant 2 : i32
      %dma_start3A_1342 = arith.constant 0 : i32
      %dma_start3A_1343 = arith.constant 0 : i32
      %dma_start3A_1344 = tpu.memref_slice %arg6[%dma_start3A_1340, %dma_start3A_1341, %dma_start3A_1342, %dma_start3A_1343] : memref<4x4x50x128xf32, #tpu.memory_space<vmem>> -> memref<1x1x50x128xf32, #tpu.memory_space<vmem>>
      %dma_start3A_1345 = tpu.memref_squeeze %dma_start3A_1344 : memref<1x1x50x128xf32, #tpu.memory_space<vmem>> -> memref<50x128xf32, #tpu.memory_space<vmem>>
      %dma_start3A_1346 = arith.constant 0 : i32
      %dma_start3A_1347 = tpu.memref_slice %arg5[%dma_start3A_1338, %dma_start3A_1339, %dma_start3A_1346] : memref<4x4x64xi32, #tpu.memory_space<vmem>> -> memref<1x1x50xi32, #tpu.memory_space<vmem>>
      %dma_start3A_1348 = tpu.memref_squeeze %dma_start3A_1347 : memref<1x1x50xi32, #tpu.memory_space<vmem>> -> memref<50xi32, #tpu.memory_space<vmem>>
      %dma_start3A_1349 = arith.constant 0 : i32
      %dma_start3A_1350 = arith.constant 0 : i32
      %dma_start3A_1351 = tpu.memref_slice %arg3[%dma_start3A_1349, %dma_start3A_1350] : memref<60000x128xf32, #tpu.memory_space<hbm>> -> memref<60000x128xf32, #tpu.memory_space<hbm>>
      tpu.enqueue_indirect_dma source(%dma_start3A_1351 : memref<60000x128xf32, #tpu.memory_space<hbm>>) target(%dma_start3A_1345 : memref<50x128xf32, #tpu.memory_space<vmem>>) offsets(%dma_start3A_1348 : memref<50xi32, #tpu.memory_space<vmem>>) semaphore(%arg10 : memref<!tpu.dma_semaphore, #tpu.memory_space<semaphore_mem>>)
      %dma_start3A_1352 = arith.constant 3 : i32
      %dma_start3A_1353 = arith.constant 3 : i32
      %dma_start3A_1354 = arith.constant 3 : i32
      %dma_start3A_1355 = arith.constant 3 : i32
      %dma_start3A_1356 = arith.constant 0 : i32
      %dma_start3A_1357 = arith.constant 0 : i32
      %dma_start3A_1358 = tpu.memref_slice %arg6[%dma_start3A_1354, %dma_start3A_1355, %dma_start3A_1356, %dma_start3A_1357] : memref<4x4x50x128xf32, #tpu.memory_space<vmem>> -> memref<1x1x50x128xf32, #tpu.memory_space<vmem>>
      %dma_start3A_1359 = tpu.memref_squeeze %dma_start3A_1358 : memref<1x1x50x128xf32, #tpu.memory_space<vmem>> -> memref<50x128xf32, #tpu.memory_space<vmem>>
      %dma_start3A_1360 = arith.constant 0 : i32
      %dma_start3A_1361 = tpu.memref_slice %arg5[%dma_start3A_1352, %dma_start3A_1353, %dma_start3A_1360] : memref<4x4x64xi32, #tpu.memory_space<vmem>> -> memref<1x1x50xi32, #tpu.memory_space<vmem>>
      %dma_start3A_1362 = tpu.memref_squeeze %dma_start3A_1361 : memref<1x1x50xi32, #tpu.memory_space<vmem>> -> memref<50xi32, #tpu.memory_space<vmem>>
      %dma_start3A_1363 = arith.constant 0 : i32
      %dma_start3A_1364 = arith.constant 0 : i32
      %dma_start3A_1365 = tpu.memref_slice %arg3[%dma_start3A_1363, %dma_start3A_1364] : memref<60000x128xf32, #tpu.memory_space<hbm>> -> memref<60000x128xf32, #tpu.memory_space<hbm>>
      tpu.enqueue_indirect_dma source(%dma_start3A_1365 : memref<60000x128xf32, #tpu.memory_space<hbm>>) target(%dma_start3A_1359 : memref<50x128xf32, #tpu.memory_space<vmem>>) offsets(%dma_start3A_1362 : memref<50xi32, #tpu.memory_space<vmem>>) semaphore(%arg10 : memref<!tpu.dma_semaphore, #tpu.memory_space<semaphore_mem>>)
      %sub3A_1366 = arith.constant 1 : i32
      %sub3A_1367 = arith.subi %add3A_1279, %sub3A_1366 : i32
      %dma_wait3A_1368 = arith.constant 2 : i32
      %dma_wait3A_1369 = arith.constant 0 : i32
      %dma_wait3A_1370 = arith.constant 2 : i32
      %dma_wait3A_1371 = arith.constant 0 : i32
      %dma_wait3A_1372 = arith.constant 0 : i32
      %dma_wait3A_1373 = arith.constant 0 : i32
      %dma_wait3A_1374 = tpu.memref_slice %arg6[%dma_wait3A_1370, %dma_wait3A_1371, %dma_wait3A_1372, %dma_wait3A_1373] : memref<4x4x50x128xf32, #tpu.memory_space<vmem>> -> memref<1x1x50x128xf32, #tpu.memory_space<vmem>>
      %dma_wait3A_1375 = tpu.memref_squeeze %dma_wait3A_1374 : memref<1x1x50x128xf32, #tpu.memory_space<vmem>> -> memref<50x128xf32, #tpu.memory_space<vmem>>
      %dma_wait3A_1376 = arith.constant 0 : i32
      %dma_wait3A_1377 = tpu.memref_slice %arg5[%dma_wait3A_1368, %dma_wait3A_1369, %dma_wait3A_1376] : memref<4x4x64xi32, #tpu.memory_space<vmem>> -> memref<1x1x50xi32, #tpu.memory_space<vmem>>
      %dma_wait3A_1378 = tpu.memref_squeeze %dma_wait3A_1377 : memref<1x1x50xi32, #tpu.memory_space<vmem>> -> memref<50xi32, #tpu.memory_space<vmem>>
      %dma_wait3A_1379 = arith.constant 0 : i32
      %dma_wait3A_1380 = arith.constant 0 : i32
      %dma_wait3A_1381 = tpu.memref_slice %arg3[%dma_wait3A_1379, %dma_wait3A_1380] : memref<60000x128xf32, #tpu.memory_space<hbm>> -> memref<60000x128xf32, #tpu.memory_space<hbm>>
      tpu.wait_indirect_dma semaphore(%arg9 : memref<!tpu.dma_semaphore, #tpu.memory_space<semaphore_mem>>) src(%dma_wait3A_1381 : memref<60000x128xf32, #tpu.memory_space<hbm>>) dst(%dma_wait3A_1375 : memref<50x128xf32, #tpu.memory_space<vmem>>)
      %dma_wait3A_1382 = arith.constant 2 : i32
      %dma_wait3A_1383 = arith.constant 0 : i32
      %dma_wait3A_1384 = arith.constant 2 : i32
      %dma_wait3A_1385 = arith.constant 0 : i32
      %dma_wait3A_1386 = arith.constant 0 : i32
      %dma_wait3A_1387 = arith.constant 0 : i32
      %dma_wait3A_1388 = tpu.memref_slice %arg6[%dma_wait3A_1384, %dma_wait3A_1385, %dma_wait3A_1386, %dma_wait3A_1387] : memref<4x4x50x128xf32, #tpu.memory_space<vmem>> -> memref<1x1x50x128xf32, #tpu.memory_space<vmem>>
      %dma_wait3A_1389 = tpu.memref_squeeze %dma_wait3A_1388 : memref<1x1x50x128xf32, #tpu.memory_space<vmem>> -> memref<50x128xf32, #tpu.memory_space<vmem>>
      %dma_wait3A_1390 = arith.constant 0 : i32
      %dma_wait3A_1391 = tpu.memref_slice %arg5[%dma_wait3A_1382, %dma_wait3A_1383, %dma_wait3A_1390] : memref<4x4x64xi32, #tpu.memory_space<vmem>> -> memref<1x1x50xi32, #tpu.memory_space<vmem>>
      %dma_wait3A_1392 = tpu.memref_squeeze %dma_wait3A_1391 : memref<1x1x50xi32, #tpu.memory_space<vmem>> -> memref<50xi32, #tpu.memory_space<vmem>>
      %dma_wait3A_1393 = arith.constant 0 : i32
      %dma_wait3A_1394 = arith.constant 0 : i32
      %dma_wait3A_1395 = tpu.memref_slice %arg3[%dma_wait3A_1393, %dma_wait3A_1394] : memref<60000x128xf32, #tpu.memory_space<hbm>> -> memref<60000x128xf32, #tpu.memory_space<hbm>>
      tpu.wait_indirect_dma semaphore(%arg9 : memref<!tpu.dma_semaphore, #tpu.memory_space<semaphore_mem>>) src(%dma_wait3A_1395 : memref<60000x128xf32, #tpu.memory_space<hbm>>) dst(%dma_wait3A_1389 : memref<50x128xf32, #tpu.memory_space<vmem>>)
      %dma_wait3A_1396 = arith.constant 2 : i32
      %dma_wait3A_1397 = arith.constant 0 : i32
      %dma_wait3A_1398 = arith.constant 2 : i32
      %dma_wait3A_1399 = arith.constant 0 : i32
      %dma_wait3A_1400 = arith.constant 0 : i32
      %dma_wait3A_1401 = arith.constant 0 : i32
      %dma_wait3A_1402 = tpu.memref_slice %arg6[%dma_wait3A_1398, %dma_wait3A_1399, %dma_wait3A_1400, %dma_wait3A_1401] : memref<4x4x50x128xf32, #tpu.memory_space<vmem>> -> memref<1x1x50x128xf32, #tpu.memory_space<vmem>>
      %dma_wait3A_1403 = tpu.memref_squeeze %dma_wait3A_1402 : memref<1x1x50x128xf32, #tpu.memory_space<vmem>> -> memref<50x128xf32, #tpu.memory_space<vmem>>
      %dma_wait3A_1404 = arith.constant 0 : i32
      %dma_wait3A_1405 = tpu.memref_slice %arg5[%dma_wait3A_1396, %dma_wait3A_1397, %dma_wait3A_1404] : memref<4x4x64xi32, #tpu.memory_space<vmem>> -> memref<1x1x50xi32, #tpu.memory_space<vmem>>
      %dma_wait3A_1406 = tpu.memref_squeeze %dma_wait3A_1405 : memref<1x1x50xi32, #tpu.memory_space<vmem>> -> memref<50xi32, #tpu.memory_space<vmem>>
      %dma_wait3A_1407 = arith.constant 0 : i32
      %dma_wait3A_1408 = arith.constant 0 : i32
      %dma_wait3A_1409 = tpu.memref_slice %arg3[%dma_wait3A_1407, %dma_wait3A_1408] : memref<60000x128xf32, #tpu.memory_space<hbm>> -> memref<60000x128xf32, #tpu.memory_space<hbm>>
      tpu.wait_indirect_dma semaphore(%arg9 : memref<!tpu.dma_semaphore, #tpu.memory_space<semaphore_mem>>) src(%dma_wait3A_1409 : memref<60000x128xf32, #tpu.memory_space<hbm>>) dst(%dma_wait3A_1403 : memref<50x128xf32, #tpu.memory_space<vmem>>)
      %dma_wait3A_1410 = arith.constant 2 : i32
      %dma_wait3A_1411 = arith.constant 0 : i32
      %dma_wait3A_1412 = arith.constant 2 : i32
      %dma_wait3A_1413 = arith.constant 0 : i32
      %dma_wait3A_1414 = arith.constant 0 : i32
      %dma_wait3A_1415 = arith.constant 0 : i32
      %dma_wait3A_1416 = tpu.memref_slice %arg6[%dma_wait3A_1412, %dma_wait3A_1413, %dma_wait3A_1414, %dma_wait3A_1415] : memref<4x4x50x128xf32, #tpu.memory_space<vmem>> -> memref<1x1x50x128xf32, #tpu.memory_space<vmem>>
      %dma_wait3A_1417 = tpu.memref_squeeze %dma_wait3A_1416 : memref<1x1x50x128xf32, #tpu.memory_space<vmem>> -> memref<50x128xf32, #tpu.memory_space<vmem>>
      %dma_wait3A_1418 = arith.constant 0 : i32
      %dma_wait3A_1419 = tpu.memref_slice %arg5[%dma_wait3A_1410, %dma_wait3A_1411, %dma_wait3A_1418] : memref<4x4x64xi32, #tpu.memory_space<vmem>> -> memref<1x1x50xi32, #tpu.memory_space<vmem>>
      %dma_wait3A_1420 = tpu.memref_squeeze %dma_wait3A_1419 : memref<1x1x50xi32, #tpu.memory_space<vmem>> -> memref<50xi32, #tpu.memory_space<vmem>>
      %dma_wait3A_1421 = arith.constant 0 : i32
      %dma_wait3A_1422 = arith.constant 0 : i32
      %dma_wait3A_1423 = tpu.memref_slice %arg3[%dma_wait3A_1421, %dma_wait3A_1422] : memref<60000x128xf32, #tpu.memory_space<hbm>> -> memref<60000x128xf32, #tpu.memory_space<hbm>>
      tpu.wait_indirect_dma semaphore(%arg9 : memref<!tpu.dma_semaphore, #tpu.memory_space<semaphore_mem>>) src(%dma_wait3A_1423 : memref<60000x128xf32, #tpu.memory_space<hbm>>) dst(%dma_wait3A_1417 : memref<50x128xf32, #tpu.memory_space<vmem>>)
      %add3A_1424 = arith.constant 4 : i32
      %add3A_1425 = arith.addi %sub3A_1367, %add3A_1424 : i32
      %lt3A_1426 = arith.constant 128 : i32
      %lt3A_1427 = arith.cmpi slt, %add3A_1425, %lt3A_1426 : i32
      %convert_element_type3A_1428 = arith.extui %lt3A_1427 : i1 to i32
      %cond3A_1429 = arith.constant 0 : i32
      %cond3A_1430 = arith.cmpi ne, %convert_element_type3A_1428, %cond3A_1429 : i32
      scf.if %cond3A_1430 {
        %add3A_1451 = arith.constant 4 : i32
        %add3A_1452 = arith.addi %sub3A_1367, %add3A_1451 : i32
        %mul3A_1453 = arith.constant 4 : i32
        %mul3A_1454 = arith.muli %add3A_1452, %mul3A_1453 : i32
        %add3A_1455 = arith.addi %mul3A_2, %mul3A_1454 : i32
        %dma_start3A_1456 = arith.constant 2 : i32
        %dma_start3A_1457 = arith.constant 0 : i32
        %dma_start3A_1458 = arith.constant 0 : i32
        %dma_start3A_1459 = tpu.memref_slice %arg5[%dma_start3A_1456, %dma_start3A_1457, %dma_start3A_1458] : memref<4x4x64xi32, #tpu.memory_space<vmem>> -> memref<1x4x64xi32, #tpu.memory_space<vmem>>
        %dma_start3A_1460 = tpu.memref_squeeze %dma_start3A_1459 : memref<1x4x64xi32, #tpu.memory_space<vmem>> -> memref<4x64xi32, #tpu.memory_space<vmem>>
        %dma_start3A_1461 = arith.constant 0 : i32
        %dma_start3A_1462 = tpu.memref_slice %arg2[%add3A_1455, %dma_start3A_1461] : memref<16384x64xi32, #tpu.memory_space<hbm>> -> memref<4x64xi32, #tpu.memory_space<hbm>>
        %dma_start3A_1463 = arith.constant 0 : i32
        %dma_start3A_1464 = arith.constant 0 : i32
        %dma_start3A_1465 = tpu.memref_slice %arg5[%dma_start3A_1456, %dma_start3A_1463, %dma_start3A_1464] : memref<4x4x64xi32, #tpu.memory_space<vmem>> -> memref<1x4x64xi32, #tpu.memory_space<vmem>>
        %dma_start3A_1466 = tpu.memref_squeeze %dma_start3A_1465 : memref<1x4x64xi32, #tpu.memory_space<vmem>> -> memref<4x64xi32, #tpu.memory_space<vmem>>
        %dma_start3A_1467 = arith.constant 0 : i32
        %dma_start3A_1468 = tpu.memref_slice %arg2[%add3A_1455, %dma_start3A_1467] : memref<16384x64xi32, #tpu.memory_space<hbm>> -> memref<4x64xi32, #tpu.memory_space<hbm>>
        tpu.enqueue_dma source(%dma_start3A_1468 : memref<4x64xi32, #tpu.memory_space<hbm>>) target(%dma_start3A_1466 : memref<4x64xi32, #tpu.memory_space<vmem>>) target_semaphore(%arg17 : memref<!tpu.dma_semaphore, #tpu.memory_space<semaphore_mem>>)
      } else {
      }
      %mul3A_1431 = arith.constant 4 : i32
      %mul3A_1432 = arith.muli %sub3A_1367, %mul3A_1431 : i32
      %add3A_1433 = arith.addi %mul3A_2, %mul3A_1432 : i32
      %dma_start3A_1434 = arith.constant 2 : i32
      %dma_start3A_1435 = arith.constant 0 : i32
      %dma_start3A_1436 = arith.constant 0 : i32
      %dma_start3A_1437 = arith.constant 0 : i32
      %dma_start3A_1438 = tpu.memref_slice %arg6[%dma_start3A_1434, %dma_start3A_1435, %dma_start3A_1436, %dma_start3A_1437] : memref<4x4x50x128xf32, #tpu.memory_space<vmem>> -> memref<1x4x50x128xf32, #tpu.memory_space<vmem>>
      %dma_start3A_1439 = tpu.memref_squeeze %dma_start3A_1438 : memref<1x4x50x128xf32, #tpu.memory_space<vmem>> -> memref<4x50x128xf32, #tpu.memory_space<vmem>>
      %dma_start3A_1440 = arith.constant 0 : i32
      %dma_start3A_1441 = arith.constant 0 : i32
      %dma_start3A_1442 = tpu.memref_slice %arg4[%add3A_1433, %dma_start3A_1440, %dma_start3A_1441] : memref<16384x50x128xf32, #tpu.memory_space<hbm>> -> memref<4x50x128xf32, #tpu.memory_space<hbm>>
      %dma_start3A_1443 = arith.constant 0 : i32
      %dma_start3A_1444 = arith.constant 0 : i32
      %dma_start3A_1445 = tpu.memref_slice %arg4[%add3A_1433, %dma_start3A_1443, %dma_start3A_1444] : memref<16384x50x128xf32, #tpu.memory_space<hbm>> -> memref<4x50x128xf32, #tpu.memory_space<hbm>>
      %dma_start3A_1446 = arith.constant 0 : i32
      %dma_start3A_1447 = arith.constant 0 : i32
      %dma_start3A_1448 = arith.constant 0 : i32
      %dma_start3A_1449 = tpu.memref_slice %arg6[%dma_start3A_1434, %dma_start3A_1446, %dma_start3A_1447, %dma_start3A_1448] : memref<4x4x50x128xf32, #tpu.memory_space<vmem>> -> memref<1x4x50x128xf32, #tpu.memory_space<vmem>>
      %dma_start3A_1450 = tpu.memref_squeeze %dma_start3A_1449 : memref<1x4x50x128xf32, #tpu.memory_space<vmem>> -> memref<4x50x128xf32, #tpu.memory_space<vmem>>
      tpu.enqueue_dma source(%dma_start3A_1450 : memref<4x50x128xf32, #tpu.memory_space<vmem>>) target(%dma_start3A_1445 : memref<4x50x128xf32, #tpu.memory_space<hbm>>) target_semaphore(%arg13 : memref<!tpu.dma_semaphore, #tpu.memory_space<semaphore_mem>>)
    }
    %scan3A_610 = arith.constant 31 : i32
    %dma_wait3A_611 = arith.constant 3 : i32
    %dma_wait3A_612 = arith.constant 0 : i32
    %dma_wait3A_613 = arith.constant 3 : i32
    %dma_wait3A_614 = arith.constant 0 : i32
    %dma_wait3A_615 = arith.constant 0 : i32
    %dma_wait3A_616 = arith.constant 0 : i32
    %dma_wait3A_617 = tpu.memref_slice %arg6[%dma_wait3A_613, %dma_wait3A_614, %dma_wait3A_615, %dma_wait3A_616] : memref<4x4x50x128xf32, #tpu.memory_space<vmem>> -> memref<1x1x50x128xf32, #tpu.memory_space<vmem>>
    %dma_wait3A_618 = tpu.memref_squeeze %dma_wait3A_617 : memref<1x1x50x128xf32, #tpu.memory_space<vmem>> -> memref<50x128xf32, #tpu.memory_space<vmem>>
    %dma_wait3A_619 = arith.constant 0 : i32
    %dma_wait3A_620 = tpu.memref_slice %arg5[%dma_wait3A_611, %dma_wait3A_612, %dma_wait3A_619] : memref<4x4x64xi32, #tpu.memory_space<vmem>> -> memref<1x1x50xi32, #tpu.memory_space<vmem>>
    %dma_wait3A_621 = tpu.memref_squeeze %dma_wait3A_620 : memref<1x1x50xi32, #tpu.memory_space<vmem>> -> memref<50xi32, #tpu.memory_space<vmem>>
    %dma_wait3A_622 = arith.constant 0 : i32
    %dma_wait3A_623 = arith.constant 0 : i32
    %dma_wait3A_624 = tpu.memref_slice %arg3[%dma_wait3A_622, %dma_wait3A_623] : memref<60000x128xf32, #tpu.memory_space<hbm>> -> memref<60000x128xf32, #tpu.memory_space<hbm>>
    tpu.wait_indirect_dma semaphore(%arg10 : memref<!tpu.dma_semaphore, #tpu.memory_space<semaphore_mem>>) src(%dma_wait3A_624 : memref<60000x128xf32, #tpu.memory_space<hbm>>) dst(%dma_wait3A_618 : memref<50x128xf32, #tpu.memory_space<vmem>>)
    %dma_wait3A_625 = arith.constant 3 : i32
    %dma_wait3A_626 = arith.constant 0 : i32
    %dma_wait3A_627 = arith.constant 3 : i32
    %dma_wait3A_628 = arith.constant 0 : i32
    %dma_wait3A_629 = arith.constant 0 : i32
    %dma_wait3A_630 = arith.constant 0 : i32
    %dma_wait3A_631 = tpu.memref_slice %arg6[%dma_wait3A_627, %dma_wait3A_628, %dma_wait3A_629, %dma_wait3A_630] : memref<4x4x50x128xf32, #tpu.memory_space<vmem>> -> memref<1x1x50x128xf32, #tpu.memory_space<vmem>>
    %dma_wait3A_632 = tpu.memref_squeeze %dma_wait3A_631 : memref<1x1x50x128xf32, #tpu.memory_space<vmem>> -> memref<50x128xf32, #tpu.memory_space<vmem>>
    %dma_wait3A_633 = arith.constant 0 : i32
    %dma_wait3A_634 = tpu.memref_slice %arg5[%dma_wait3A_625, %dma_wait3A_626, %dma_wait3A_633] : memref<4x4x64xi32, #tpu.memory_space<vmem>> -> memref<1x1x50xi32, #tpu.memory_space<vmem>>
    %dma_wait3A_635 = tpu.memref_squeeze %dma_wait3A_634 : memref<1x1x50xi32, #tpu.memory_space<vmem>> -> memref<50xi32, #tpu.memory_space<vmem>>
    %dma_wait3A_636 = arith.constant 0 : i32
    %dma_wait3A_637 = arith.constant 0 : i32
    %dma_wait3A_638 = tpu.memref_slice %arg3[%dma_wait3A_636, %dma_wait3A_637] : memref<60000x128xf32, #tpu.memory_space<hbm>> -> memref<60000x128xf32, #tpu.memory_space<hbm>>
    tpu.wait_indirect_dma semaphore(%arg10 : memref<!tpu.dma_semaphore, #tpu.memory_space<semaphore_mem>>) src(%dma_wait3A_638 : memref<60000x128xf32, #tpu.memory_space<hbm>>) dst(%dma_wait3A_632 : memref<50x128xf32, #tpu.memory_space<vmem>>)
    %dma_wait3A_639 = arith.constant 3 : i32
    %dma_wait3A_640 = arith.constant 0 : i32
    %dma_wait3A_641 = arith.constant 3 : i32
    %dma_wait3A_642 = arith.constant 0 : i32
    %dma_wait3A_643 = arith.constant 0 : i32
    %dma_wait3A_644 = arith.constant 0 : i32
    %dma_wait3A_645 = tpu.memref_slice %arg6[%dma_wait3A_641, %dma_wait3A_642, %dma_wait3A_643, %dma_wait3A_644] : memref<4x4x50x128xf32, #tpu.memory_space<vmem>> -> memref<1x1x50x128xf32, #tpu.memory_space<vmem>>
    %dma_wait3A_646 = tpu.memref_squeeze %dma_wait3A_645 : memref<1x1x50x128xf32, #tpu.memory_space<vmem>> -> memref<50x128xf32, #tpu.memory_space<vmem>>
    %dma_wait3A_647 = arith.constant 0 : i32
    %dma_wait3A_648 = tpu.memref_slice %arg5[%dma_wait3A_639, %dma_wait3A_640, %dma_wait3A_647] : memref<4x4x64xi32, #tpu.memory_space<vmem>> -> memref<1x1x50xi32, #tpu.memory_space<vmem>>
    %dma_wait3A_649 = tpu.memref_squeeze %dma_wait3A_648 : memref<1x1x50xi32, #tpu.memory_space<vmem>> -> memref<50xi32, #tpu.memory_space<vmem>>
    %dma_wait3A_650 = arith.constant 0 : i32
    %dma_wait3A_651 = arith.constant 0 : i32
    %dma_wait3A_652 = tpu.memref_slice %arg3[%dma_wait3A_650, %dma_wait3A_651] : memref<60000x128xf32, #tpu.memory_space<hbm>> -> memref<60000x128xf32, #tpu.memory_space<hbm>>
    tpu.wait_indirect_dma semaphore(%arg10 : memref<!tpu.dma_semaphore, #tpu.memory_space<semaphore_mem>>) src(%dma_wait3A_652 : memref<60000x128xf32, #tpu.memory_space<hbm>>) dst(%dma_wait3A_646 : memref<50x128xf32, #tpu.memory_space<vmem>>)
    %dma_wait3A_653 = arith.constant 3 : i32
    %dma_wait3A_654 = arith.constant 0 : i32
    %dma_wait3A_655 = arith.constant 3 : i32
    %dma_wait3A_656 = arith.constant 0 : i32
    %dma_wait3A_657 = arith.constant 0 : i32
    %dma_wait3A_658 = arith.constant 0 : i32
    %dma_wait3A_659 = tpu.memref_slice %arg6[%dma_wait3A_655, %dma_wait3A_656, %dma_wait3A_657, %dma_wait3A_658] : memref<4x4x50x128xf32, #tpu.memory_space<vmem>> -> memref<1x1x50x128xf32, #tpu.memory_space<vmem>>
    %dma_wait3A_660 = tpu.memref_squeeze %dma_wait3A_659 : memref<1x1x50x128xf32, #tpu.memory_space<vmem>> -> memref<50x128xf32, #tpu.memory_space<vmem>>
    %dma_wait3A_661 = arith.constant 0 : i32
    %dma_wait3A_662 = tpu.memref_slice %arg5[%dma_wait3A_653, %dma_wait3A_654, %dma_wait3A_661] : memref<4x4x64xi32, #tpu.memory_space<vmem>> -> memref<1x1x50xi32, #tpu.memory_space<vmem>>
    %dma_wait3A_663 = tpu.memref_squeeze %dma_wait3A_662 : memref<1x1x50xi32, #tpu.memory_space<vmem>> -> memref<50xi32, #tpu.memory_space<vmem>>
    %dma_wait3A_664 = arith.constant 0 : i32
    %dma_wait3A_665 = arith.constant 0 : i32
    %dma_wait3A_666 = tpu.memref_slice %arg3[%dma_wait3A_664, %dma_wait3A_665] : memref<60000x128xf32, #tpu.memory_space<hbm>> -> memref<60000x128xf32, #tpu.memory_space<hbm>>
    tpu.wait_indirect_dma semaphore(%arg10 : memref<!tpu.dma_semaphore, #tpu.memory_space<semaphore_mem>>) src(%dma_wait3A_666 : memref<60000x128xf32, #tpu.memory_space<hbm>>) dst(%dma_wait3A_660 : memref<50x128xf32, #tpu.memory_space<vmem>>)
    %add3A_667 = arith.constant 508 : i32
    %add3A_668 = arith.addi %mul3A_2, %add3A_667 : i32
    %dma_start3A_669 = arith.constant 3 : i32
    %dma_start3A_670 = arith.constant 0 : i32
    %dma_start3A_671 = arith.constant 0 : i32
    %dma_start3A_672 = arith.constant 0 : i32
    %dma_start3A_673 = tpu.memref_slice %arg6[%dma_start3A_669, %dma_start3A_670, %dma_start3A_671, %dma_start3A_672] : memref<4x4x50x128xf32, #tpu.memory_space<vmem>> -> memref<1x4x50x128xf32, #tpu.memory_space<vmem>>
    %dma_start3A_674 = tpu.memref_squeeze %dma_start3A_673 : memref<1x4x50x128xf32, #tpu.memory_space<vmem>> -> memref<4x50x128xf32, #tpu.memory_space<vmem>>
    %dma_start3A_675 = arith.constant 0 : i32
    %dma_start3A_676 = arith.constant 0 : i32
    %dma_start3A_677 = tpu.memref_slice %arg4[%add3A_668, %dma_start3A_675, %dma_start3A_676] : memref<16384x50x128xf32, #tpu.memory_space<hbm>> -> memref<4x50x128xf32, #tpu.memory_space<hbm>>
    %dma_start3A_678 = arith.constant 0 : i32
    %dma_start3A_679 = arith.constant 0 : i32
    %dma_start3A_680 = tpu.memref_slice %arg4[%add3A_668, %dma_start3A_678, %dma_start3A_679] : memref<16384x50x128xf32, #tpu.memory_space<hbm>> -> memref<4x50x128xf32, #tpu.memory_space<hbm>>
    %dma_start3A_681 = arith.constant 0 : i32
    %dma_start3A_682 = arith.constant 0 : i32
    %dma_start3A_683 = arith.constant 0 : i32
    %dma_start3A_684 = tpu.memref_slice %arg6[%dma_start3A_669, %dma_start3A_681, %dma_start3A_682, %dma_start3A_683] : memref<4x4x50x128xf32, #tpu.memory_space<vmem>> -> memref<1x4x50x128xf32, #tpu.memory_space<vmem>>
    %dma_start3A_685 = tpu.memref_squeeze %dma_start3A_684 : memref<1x4x50x128xf32, #tpu.memory_space<vmem>> -> memref<4x50x128xf32, #tpu.memory_space<vmem>>
    tpu.enqueue_dma source(%dma_start3A_685 : memref<4x50x128xf32, #tpu.memory_space<vmem>>) target(%dma_start3A_680 : memref<4x50x128xf32, #tpu.memory_space<hbm>>) target_semaphore(%arg14 : memref<!tpu.dma_semaphore, #tpu.memory_space<semaphore_mem>>)
    %dma_wait3A_686 = arith.constant 0 : i32
    %dma_wait3A_687 = arith.constant 0 : i32
    %dma_wait3A_688 = arith.constant 0 : i32
    %dma_wait3A_689 = arith.constant 0 : i32
    %dma_wait3A_690 = tpu.memref_slice %arg6[%dma_wait3A_686, %dma_wait3A_687, %dma_wait3A_688, %dma_wait3A_689] : memref<4x4x50x128xf32, #tpu.memory_space<vmem>> -> memref<1x4x50x128xf32, #tpu.memory_space<vmem>>
    %dma_wait3A_691 = tpu.memref_squeeze %dma_wait3A_690 : memref<1x4x50x128xf32, #tpu.memory_space<vmem>> -> memref<4x50x128xf32, #tpu.memory_space<vmem>>
    %dma_wait3A_692 = arith.constant 0 : i32
    %dma_wait3A_693 = arith.constant 0 : i32
    %dma_wait3A_694 = tpu.memref_slice %arg4[%mul3A_2, %dma_wait3A_692, %dma_wait3A_693] : memref<16384x50x128xf32, #tpu.memory_space<hbm>> -> memref<4x50x128xf32, #tpu.memory_space<hbm>>
    %dma_wait3A_695 = arith.constant 0 : i32
    %dma_wait3A_696 = arith.constant 0 : i32
    %dma_wait3A_697 = tpu.memref_slice %arg4[%mul3A_2, %dma_wait3A_695, %dma_wait3A_696] : memref<16384x50x128xf32, #tpu.memory_space<hbm>> -> memref<4x50x128xf32, #tpu.memory_space<hbm>>
    %dma_wait3A_698 = arith.constant 0 : i32
    %dma_wait3A_699 = arith.constant 0 : i32
    %dma_wait3A_700 = arith.constant 0 : i32
    %dma_wait3A_701 = tpu.memref_slice %arg6[%dma_wait3A_686, %dma_wait3A_698, %dma_wait3A_699, %dma_wait3A_700] : memref<4x4x50x128xf32, #tpu.memory_space<vmem>> -> memref<1x4x50x128xf32, #tpu.memory_space<vmem>>
    %dma_wait3A_702 = tpu.memref_squeeze %dma_wait3A_701 : memref<1x4x50x128xf32, #tpu.memory_space<vmem>> -> memref<4x50x128xf32, #tpu.memory_space<vmem>>
    tpu.wait_dma2 semaphore(%arg11 : memref<!tpu.dma_semaphore, #tpu.memory_space<semaphore_mem>>) src(%dma_wait3A_702 : memref<4x50x128xf32, #tpu.memory_space<vmem>>) dst(%dma_wait3A_697 : memref<4x50x128xf32, #tpu.memory_space<hbm>>)
    %dma_wait3A_703 = arith.constant 1 : i32
    %dma_wait3A_704 = arith.constant 0 : i32
    %dma_wait3A_705 = arith.constant 0 : i32
    %dma_wait3A_706 = arith.constant 0 : i32
    %dma_wait3A_707 = tpu.memref_slice %arg6[%dma_wait3A_703, %dma_wait3A_704, %dma_wait3A_705, %dma_wait3A_706] : memref<4x4x50x128xf32, #tpu.memory_space<vmem>> -> memref<1x4x50x128xf32, #tpu.memory_space<vmem>>
    %dma_wait3A_708 = tpu.memref_squeeze %dma_wait3A_707 : memref<1x4x50x128xf32, #tpu.memory_space<vmem>> -> memref<4x50x128xf32, #tpu.memory_space<vmem>>
    %dma_wait3A_709 = arith.constant 0 : i32
    %dma_wait3A_710 = arith.constant 0 : i32
    %dma_wait3A_711 = tpu.memref_slice %arg4[%mul3A_2, %dma_wait3A_709, %dma_wait3A_710] : memref<16384x50x128xf32, #tpu.memory_space<hbm>> -> memref<4x50x128xf32, #tpu.memory_space<hbm>>
    %dma_wait3A_712 = arith.constant 0 : i32
    %dma_wait3A_713 = arith.constant 0 : i32
    %dma_wait3A_714 = tpu.memref_slice %arg4[%mul3A_2, %dma_wait3A_712, %dma_wait3A_713] : memref<16384x50x128xf32, #tpu.memory_space<hbm>> -> memref<4x50x128xf32, #tpu.memory_space<hbm>>
    %dma_wait3A_715 = arith.constant 0 : i32
    %dma_wait3A_716 = arith.constant 0 : i32
    %dma_wait3A_717 = arith.constant 0 : i32
    %dma_wait3A_718 = tpu.memref_slice %arg6[%dma_wait3A_703, %dma_wait3A_715, %dma_wait3A_716, %dma_wait3A_717] : memref<4x4x50x128xf32, #tpu.memory_space<vmem>> -> memref<1x4x50x128xf32, #tpu.memory_space<vmem>>
    %dma_wait3A_719 = tpu.memref_squeeze %dma_wait3A_718 : memref<1x4x50x128xf32, #tpu.memory_space<vmem>> -> memref<4x50x128xf32, #tpu.memory_space<vmem>>
    tpu.wait_dma2 semaphore(%arg12 : memref<!tpu.dma_semaphore, #tpu.memory_space<semaphore_mem>>) src(%dma_wait3A_719 : memref<4x50x128xf32, #tpu.memory_space<vmem>>) dst(%dma_wait3A_714 : memref<4x50x128xf32, #tpu.memory_space<hbm>>)
    %dma_wait3A_720 = arith.constant 2 : i32
    %dma_wait3A_721 = arith.constant 0 : i32
    %dma_wait3A_722 = arith.constant 0 : i32
    %dma_wait3A_723 = arith.constant 0 : i32
    %dma_wait3A_724 = tpu.memref_slice %arg6[%dma_wait3A_720, %dma_wait3A_721, %dma_wait3A_722, %dma_wait3A_723] : memref<4x4x50x128xf32, #tpu.memory_space<vmem>> -> memref<1x4x50x128xf32, #tpu.memory_space<vmem>>
    %dma_wait3A_725 = tpu.memref_squeeze %dma_wait3A_724 : memref<1x4x50x128xf32, #tpu.memory_space<vmem>> -> memref<4x50x128xf32, #tpu.memory_space<vmem>>
    %dma_wait3A_726 = arith.constant 0 : i32
    %dma_wait3A_727 = arith.constant 0 : i32
    %dma_wait3A_728 = tpu.memref_slice %arg4[%mul3A_2, %dma_wait3A_726, %dma_wait3A_727] : memref<16384x50x128xf32, #tpu.memory_space<hbm>> -> memref<4x50x128xf32, #tpu.memory_space<hbm>>
    %dma_wait3A_729 = arith.constant 0 : i32
    %dma_wait3A_730 = arith.constant 0 : i32
    %dma_wait3A_731 = tpu.memref_slice %arg4[%mul3A_2, %dma_wait3A_729, %dma_wait3A_730] : memref<16384x50x128xf32, #tpu.memory_space<hbm>> -> memref<4x50x128xf32, #tpu.memory_space<hbm>>
    %dma_wait3A_732 = arith.constant 0 : i32
    %dma_wait3A_733 = arith.constant 0 : i32
    %dma_wait3A_734 = arith.constant 0 : i32
    %dma_wait3A_735 = tpu.memref_slice %arg6[%dma_wait3A_720, %dma_wait3A_732, %dma_wait3A_733, %dma_wait3A_734] : memref<4x4x50x128xf32, #tpu.memory_space<vmem>> -> memref<1x4x50x128xf32, #tpu.memory_space<vmem>>
    %dma_wait3A_736 = tpu.memref_squeeze %dma_wait3A_735 : memref<1x4x50x128xf32, #tpu.memory_space<vmem>> -> memref<4x50x128xf32, #tpu.memory_space<vmem>>
    tpu.wait_dma2 semaphore(%arg13 : memref<!tpu.dma_semaphore, #tpu.memory_space<semaphore_mem>>) src(%dma_wait3A_736 : memref<4x50x128xf32, #tpu.memory_space<vmem>>) dst(%dma_wait3A_731 : memref<4x50x128xf32, #tpu.memory_space<hbm>>)
    %dma_wait3A_737 = arith.constant 3 : i32
    %dma_wait3A_738 = arith.constant 0 : i32
    %dma_wait3A_739 = arith.constant 0 : i32
    %dma_wait3A_740 = arith.constant 0 : i32
    %dma_wait3A_741 = tpu.memref_slice %arg6[%dma_wait3A_737, %dma_wait3A_738, %dma_wait3A_739, %dma_wait3A_740] : memref<4x4x50x128xf32, #tpu.memory_space<vmem>> -> memref<1x4x50x128xf32, #tpu.memory_space<vmem>>
    %dma_wait3A_742 = tpu.memref_squeeze %dma_wait3A_741 : memref<1x4x50x128xf32, #tpu.memory_space<vmem>> -> memref<4x50x128xf32, #tpu.memory_space<vmem>>
    %dma_wait3A_743 = arith.constant 0 : i32
    %dma_wait3A_744 = arith.constant 0 : i32
    %dma_wait3A_745 = tpu.memref_slice %arg4[%mul3A_2, %dma_wait3A_743, %dma_wait3A_744] : memref<16384x50x128xf32, #tpu.memory_space<hbm>> -> memref<4x50x128xf32, #tpu.memory_space<hbm>>
    %dma_wait3A_746 = arith.constant 0 : i32
    %dma_wait3A_747 = arith.constant 0 : i32
    %dma_wait3A_748 = tpu.memref_slice %arg4[%mul3A_2, %dma_wait3A_746, %dma_wait3A_747] : memref<16384x50x128xf32, #tpu.memory_space<hbm>> -> memref<4x50x128xf32, #tpu.memory_space<hbm>>
    %dma_wait3A_749 = arith.constant 0 : i32
    %dma_wait3A_750 = arith.constant 0 : i32
    %dma_wait3A_751 = arith.constant 0 : i32
    %dma_wait3A_752 = tpu.memref_slice %arg6[%dma_wait3A_737, %dma_wait3A_749, %dma_wait3A_750, %dma_wait3A_751] : memref<4x4x50x128xf32, #tpu.memory_space<vmem>> -> memref<1x4x50x128xf32, #tpu.memory_space<vmem>>
    %dma_wait3A_753 = tpu.memref_squeeze %dma_wait3A_752 : memref<1x4x50x128xf32, #tpu.memory_space<vmem>> -> memref<4x50x128xf32, #tpu.memory_space<vmem>>
    tpu.wait_dma2 semaphore(%arg14 : memref<!tpu.dma_semaphore, #tpu.memory_space<semaphore_mem>>) src(%dma_wait3A_753 : memref<4x50x128xf32, #tpu.memory_space<vmem>>) dst(%dma_wait3A_748 : memref<4x50x128xf32, #tpu.memory_space<hbm>>)
    return
  }
}

</mosaic_0001>

<sc_bundles>
// kernel: kernel.3.cloned.1.call-start
scs
__scs_entry_jumppad:
0x0: {  	(pc) =	sbr.rel $0x88, $3  }
0x1: {  	(tag) =	ssettag $0x0;
	lr =	simm.s32 $0x1  }
0x2: {  	[smem:$0x3F9F] =	sst lr;
	_ =	strace $0xD0000000  }
0x3: {  	_ = 	snop  }
0x4: {  	_ = 	snop  }
0x5: {  	_ = 	snop  }
0x6: {  	_ = 	snop  }
0x7: {  	_ = 	snop  }
__scs_overlays_trampoline_lowered:
0x8: {  	[smem:$0x3FAE] =	sst s0  }
0x9: {  	[smem:$0x3FAF] =	sst s1  }
0xa: {  	[smem:$0x3FB0] =	sst s2  }
0xb: {  	[smem:$0x3FB1] =	sst s3  }
0xc: {  	[smem:$0x3FB2] =	sst s4  }
0xd: {  	[smem:$0x3FB3] =	sst s5  }
0xe: {  	[smem:$0x3FB4] =	sst s6  }
0xf: {  	[smem:$0x3FB5] =	sst s7  }
0x10: {  	[smem:$0x3FB6] =	sst s8  }
0x11: {  	[smem:$0x3FB7] =	sst s9;
	s0 =	simm.s32 @!p0 $0x0  }
0x12: {  	s1 =	sld [smem:$0x3F9D];
	s0 =	simm.s32 @p0 $0x1  }
0x13: {  	[smem:$0x3FB8] =	sst s0;
	s0 =	simm.s32 @!p1 $0x0  }
0x14: {  	s2 =	sld [smem:$0x3F9C];
	s0 =	simm.s32 @p1 $0x1  }
0x15: {  	[smem:$0x3FB9] =	sst s0;
	s0 =	simm.s32 @!p2 $0x0  }
0x16: {  	s3 =	sld [smem:$0x3FDB];
	s0 =	simm.s32 @p2 $0x1  }
0x17: {  	s4 =	simm.s32 $0x1BF5;
	[smem:$0x3FBB] =	sst s0  }
0x18: {  	s0 =	sld [smem:$0x3F9E];
	_ =	swait.ge [sflag:s4], $0x0  }
0x19: {  	s7 =	sld [smem:$0x3F9F]  }
0x1a: {  	s8 =	sadd.s32 $0xFFFFE003, lr  }
0x1b: {  	s9 =	sadd.s32 $0xFFFFFEF7, lr;
	s5 =	simm.s32 $0xFFFFFFFF;
	p2 =	slt.u32 s8, $0xFFFFF086  }
0x1c: {  	p1 =	slt.u32 s9, $0xF7A;
	s5 =	simm.s32 @!p2 $0x0  }
0x1d: {  	s5 =	simm.s32 @p1 $0x1;
	p0 =	seq.s32 s7, s2  }
0x1e: {  	s7 =	smul.u32 @!p0 $0xF7A, s2;
	p2 =	seq.s32 @!p0 s5, $0x0  }
0x1f: {  	s9 =	smul.u32 $0xF7A, s1;
	s8 =	simm.s32 @!p0 $0x1BF5;
	p2 =	por !p2, p0  }
0x20: {  	[sflag:s8] =	ssyncset.s32 @!p0 $0xFFFFF086;
	s6 =	sadd.s32 @!p0 s3, s7;
	s7 =	simm.s32 @!p0 $0x108  }
0x21: {  	s3 =	sadd.s32 s3, s9;
	s6 =	sadd.s32 @!p0 $0x88, s6;
	s7 =	simm.s32 @p2 $0x1082  }
0x22: {  	[simem:s7], [sflag:s8] =	dma.local @!p0 [hbm:s6], $0xF7A  }
0x23: {  	s9 =	sor.u32 $0xD0000000, s2;
	s6 =	simm.s32 $0x108;
	_ =	swait.ge @!p0 [sflag:s8], $0x0  }
0x24: {  	s3 =	sadd.s32 $0x88, s3;
	s6 =	simm.s32 @!p1 $0x1082;
	[sflag:s4] =	ssyncset.s32 $0xFFFFF086  }
0x25: {  	[simem:s6], [sflag:s4] =	dma.local [hbm:s3], $0xF7A  }
0x26: {  	[smem:$0x3F9F] =	sst s1;
	(tag) =	ssettag s2;
	_ =	strace s9  }
0x27: {  	s1 =	sld [smem:$0x3FAF]  }
0x28: {  	s2 =	sld [smem:$0x3FB0]  }
0x29: {  	s4 =	sld [smem:$0x3FB2]  }
0x2a: {  	p0 =	seq.s32 s5, $0x0;
	s5 =	sld [smem:$0x3FB3]  }
0x2b: {  	s6 =	sld [smem:$0x3FB4]  }
0x2c: {  	s7 =	sld [smem:$0x3FB5]  }
0x2d: {  	s3 =	simm.s32 $0x108;
	s8 =	sld [smem:$0x3FB6]  }
0x2e: {  	s3 =	simm.s32 @!p0 $0x1082;
	s9 =	sld [smem:$0x3FB7]  }
0x2f: {  	lr =	sadd.s32 s0, s3;
	s0 =	sld [smem:$0x3FAE]  }
0x30: {  	s3 =	sld [smem:$0x3FB1]  }
0x31: {  	[smem:$0x3FBA] =	sst s10  }
0x32: {  	s10 =	sld [smem:$0x3FB8];
	_ =	sdelay $0x3  }
0x33: {  	p0 =	seq.s32 s10, $0x1;
	s10 =	sld [smem:$0x3FBA];
	_ =	sdelay $0x3  }
0x34: {  	[smem:$0x3FBA] =	sst s10  }
0x35: {  	s10 =	sld [smem:$0x3FB9];
	_ =	sdelay $0x3  }
0x36: {  	p1 =	seq.s32 s10, $0x1;
	s10 =	sld [smem:$0x3FBA];
	_ =	sdelay $0x3  }
0x37: {  	[smem:$0x3FBA] =	sst s10  }
0x38: {  	s10 =	sld [smem:$0x3FBB]  }
0x39: {  	_ = 	snop;
	(pc) =	sbr.ind lr, $3  }
0x3a: {  	_ = 	snop  }
0x3b: {  	_ = 	snop  }
0x3c: {  	p2 =	seq.s32 s10, $0x1;
	s10 =	sld [smem:$0x3FBA]  }
0x3d: {  	_ =	shalt  }
0x3e: {  	_ =	shalt  }
0x3f: {  	_ =	shalt  }
0x40: {  	_ =	shalt  }
0x41: {  	_ =	shalt  }
0x42: {  	_ =	shalt  }
0x43: {  	_ =	shalt  }
0x44: {  	_ =	shalt  }
0x45: {  	_ =	shalt  }
0x46: {  	_ =	shalt  }
0x47: {  	_ =	shalt  }
0x48: {  	_ =	shalt  }
0x49: {  	_ =	shalt  }
0x4a: {  	_ =	shalt  }
0x4b: {  	_ =	shalt  }
0x4c: {  	_ =	shalt  }
0x4d: {  	_ =	shalt  }
0x4e: {  	_ =	shalt  }
0x4f: {  	_ =	shalt  }
0x50: {  	_ =	shalt  }
0x51: {  	_ =	shalt  }
0x52: {  	_ =	shalt  }
0x53: {  	_ =	shalt  }
0x54: {  	_ =	shalt  }
0x55: {  	_ =	shalt  }
0x56: {  	_ =	shalt  }
0x57: {  	_ =	shalt  }
0x58: {  	_ =	shalt  }
0x59: {  	_ =	shalt  }
0x5a: {  	_ =	shalt  }
0x5b: {  	_ =	shalt  }
0x5c: {  	_ =	shalt  }
0x5d: {  	_ =	shalt  }
0x5e: {  	_ =	shalt  }
0x5f: {  	_ =	shalt  }
0x60: {  	_ =	shalt  }
0x61: {  	_ =	shalt  }
0x62: {  	_ =	shalt  }
0x63: {  	_ =	shalt  }
0x64: {  	_ =	shalt  }
0x65: {  	_ =	shalt  }
0x66: {  	_ =	shalt  }
0x67: {  	_ =	shalt  }
0x68: {  	_ =	shalt  }
0x69: {  	_ =	shalt  }
0x6a: {  	_ =	shalt  }
0x6b: {  	_ =	shalt  }
0x6c: {  	_ =	shalt  }
0x6d: {  	_ =	shalt  }
0x6e: {  	_ =	shalt  }
0x6f: {  	_ =	shalt  }
0x70: {  	_ =	shalt  }
0x71: {  	_ =	shalt  }
0x72: {  	_ =	shalt  }
0x73: {  	_ =	shalt  }
0x74: {  	_ =	shalt  }
0x75: {  	_ =	shalt  }
0x76: {  	_ =	shalt  }
0x77: {  	_ =	shalt  }
0x78: {  	_ =	shalt  }
0x79: {  	_ =	shalt  }
0x7a: {  	_ =	shalt  }
0x7b: {  	_ =	shalt  }
0x7c: {  	_ =	shalt  }
0x7d: {  	_ =	shalt  }
0x7e: {  	_ =	shalt  }
0x7f: {  	_ =	shalt  }
0x80: {  	_ =	shalt  }
0x81: {  	_ =	shalt  }
0x82: {  	_ =	shalt  }
0x83: {  	_ =	shalt  }
0x84: {  	_ =	shalt  }
0x85: {  	_ =	shalt  }
0x86: {  	_ =	shalt  }
0x87: {  	_ =	shalt  }
.Lfunc_end0:
.L_simem_size_0:
called_computation_lowered:
.L_overlay_start_0:
0x88: {  	s2 =	sld [smem:$0x3FD9]  }
0x89: {  	s3 =	sld [smem:$0x3FFE];
	_ =	sdelay $0x1  }
0x8a: {  	s1 =	srdreg.scid  }
0x8b: {  	s0 =	sand.u32 $0x1, s1  }
0x8c: {  	s17 =	sshll.u32 s0, $0xA;
	s2 =	sadd.s32 s3, s2  }
0x8d: {  	s2 =	sadd.s32 s2, s17  }
0x8e: {  	[smem:$0x3FC6] =	sst s2  }
0x8f: {  	_ = 	snop  }
0x90: {  	s2 =	sld [smem:$0x3FC8]  }
0x91: {  	s18 =	sld [smem:$0x3FD0];
	(tm) =	ssettm $0x1  }
0x92: {  	s4 =	sld [smem:$0x3FFB];
	_ =	sdelay $0x3  }
0x93: {  	_ =	strace s4  }
0x94: {  	s4 =	sld [smem:$0x3FFC];
	_ =	sdelay $0x3  }
0x95: {  	_ =	strace s4  }
0x96: {  	s4 =	sld [smem:$0x3FFD];
	_ =	sdelay $0x3  }
0x97: {  	_ =	strace s4  }
0x98: {  	_ =	strace $0x8FFFFFFF  }
0x99: {  	s19 =	sld [smem:$0x3FDB];
	_ =	sdelay $0x1  }
0x9a: {  	s5 =	simm.s32 $_scs_section_size  }
0x9b: {  	s6 =	simm.s32 $_size__tile_overlayer_lowered;
	s7 =	simm.s32 $_tile_overlayer_lowered  }
0x9c: {  	s22 =	simm.s32 $0x1BFF;
	s21 =	sshll.u32 s7, $0x1;
	s4 =	sadd.s32 s5, s19  }
0x9d: {  	s8 =	simm.s32 $0x0;
	s20 =	sshll.u32 s6, $0x1;
	s6 =	sadd.s32 s21, s4  }
0x9e: {  	[timem:s8], [sflag:s22] =	dma.local [hbm:s6], s20  }
0x9f: {  	_ =	swait.ge [sflag:s22], s20  }
0xa0: {  	s5 =	ssub.s32 $0x0, s20;
	[sflag:s22] =	ssyncset.done $0x0  }
0xa1: {  	[sflag:s22] =	ssyncadd.s32 s5;
	_ =	sdelay $0x1  }
0xa2: {  	s23 =	simm.s32 $0x1B8B  }
0xa3: {  	_ =	swait.ge [sflag:s23], $0x1  }
0xa4: {  	[sflag:s23] =	ssyncset.done $0x0  }
0xa5: {  	s25 =	simm.s32 $0x1B8E;
	s24 =	sld [smem:$0x3FFE];
	[sflag:s23] =	ssyncadd.s32 $0xFFFFFFFF  }
0xa6: {  	s26 =	simm.s32 $execute0_lowered;
	[smem:$0x3FD2] =	sst s25  }
0xa7: {  	s6 =	sshll.u32 s26, $0x1;
	_ =	strace $0x80000046;
	[dreg:$0x1] =	wrdreg $0xFFFFFFFF  }
0xa8: {  	s28 =	simm.s32 $_size_execute0_lowered;
	s4 =	sadd.s32 s4, s6;
	[dreg:$0x0] =	wrdreg $0x0  }
0xa9: {  	s6 =	sshll.u32 s28, $0x1;
	[dreg:$0x2] =	wrdreg s4  }
0xaa: {  	[dreg:$0x3] =	wrdreg s6  }
0xab: {  	[dreg:$0x4] =	wrdreg $0xC0  }
0xac: {  	_ =	task [dreg:s8], $0x5FFFF  }
0xad: {  	[dreg:$0x1] =	wrdreg $0xFFFFFFFF  }
0xae: {  	[dreg:$0x0] =	wrdreg $0x60  }
0xaf: {  	[dreg:$0x2] =	wrdreg s18  }
0xb0: {  	[dreg:$0x3] =	wrdreg s2  }
0xb1: {  	[dreg:$0x4] =	wrdreg s24  }
0xb2: {  	[dreg:$0x5] =	wrdreg $0x9  }
0xb3: {  	_ =	task.clear_ibuf [dreg:s8], $0x6FFFF;
	_ =	strace $0x90000046  }
0xb4: {  	s29 =	simm.s32 $0x9;
	_ =	strace $0x80000048  }
0xb5: {  	_ =	swait.ge [sflag:s29], $0x1  }
0xb6: {  	[sflag:s29] =	ssyncadd.s32 $0xFFFFFFFF  }
0xb7: {  	_ =	strace $0x90000048  }
0xb8: {  	_ =	sfence  }
0xb9: {  	s30 =	sld [smem:$0x0];
	_ =	sdelay $0x2  }
0xba: {  	s31 =	sshll.u32 s1, $0xD;
	s1 =	sshrl.u32 s1, $0x2  }
0xbb: {  	s3 =	sand.u32 $0x4000, s31;
	s1 =	sadd.s32 s1, s30  }
0xbc: {  	s0 =	sor.u32 s3, s0;
	s1 =	sshll.u32 s1, $0x11  }
0xbd: {  	s0 =	sor.u32 s1, s0  }
0xbe: {  	s0 =	sadd.s32 $0x8F2B, s0  }
0xbf: {  	[sflag:s0] =	ssyncadd.remote.s32 $0x1  }
0xc0: {  	_ =	sfence.sel $0xFFFF  }
0xc1: {  	[dreg:$0x0] =	wrdreg $0xFFFFFFFF;
	(pc) =	sbr.abs _section_cstart, $3  }
0xc2: {  	[dreg:$0x1] =	wrdreg $0xFFFFFFFF  }
0xc3: {  	_ =	task.clear_ibuf [dreg:s8], $0x2FFFF;
	_ =	strace $0x9FFFFFFF  }
0xc4: {  	(tm) =	ssettm $0x7FFFFFFF  }
0xc5: {  	_ =	shalt  }
tec
execute0_lowered:
.L_overlay_start_1:
0x0: {  	(tag) =	ssettag $0x1  }
0x1: {  	s0 =	rddreg [dreg:$0x0]  }
0x2: {  	s1 =	rddreg [dreg:$0x1]  }
0x3: {  	s2 =	rddreg [dreg:$0x2];
	s4 =	srdreg.scid  }
0x4: {  	s3 =	simm.s32 $0x0;
	s10 =	stileid.u32;
	s29 =	simm.s32 $0x400  }
0x5: {  	s15 =	simm.s32 $0x800;
	s31 =	simm.s32 $0x80;
	s13 =	simm.s32 $0x4000  }
0x6: {  	s12 =	simm.s32 $0xA;
	s30 =	simm.s32 $0xB;
	s4 =	sand.u32 $0x1, s4  }
0x7: {  	[smem:$0x7FF] =	sst s3;
	s5 =	sshll.u32 s10, $0xA;
	s2 =	sadd.s32 $0x400, s2  }
0x8: {  	s24 =	smul.u32 $0xE0000, s10;
	s26 =	sshll.u32 s10, $0xE;
	s10 =	simm.s32 $0x1  }
0x9: {  	s6 =	sshll.u32 s4, $0x9;
	_ =	strace $0x80000047;
	s7 =	ssub.s32 $0x2, s4  }
0xa: {  	s25 =	smul.u32 $0x70000, s4;
	s4 =	sshll.u32 s4, $0xD;
	s5 =	sor.u32 s6, s5  }
0xb: {  	s16 =	sshrl.u32 s7, $0x1;
	s8 =	sshll.u32 s5, $0x4;
	s9 =	smul.u32 $0x380, s5  }
0xc: {  	s6 =	ssub.s32 s7, s16;
	s17 =	sor.u32 $0x8, s5;
	s5 =	smul.u32 $0x1C00, s5  }
0xd: {  	s16 =	simm.s32 $0x5C00;
	s11 =	sadd.s32 s0, s8;
	s18 =	sshll.u32 s17, $0x4  }
0xe: {  	s7 =	smul.u32 $0x380, s17;
	s28 =	smax.u32 s6, $0x1;
	[dreg:$0x5] =	wrdreg s11  }
0xf: {  	s6 =	simm.s32 $0x200;
	s8 =	sadd.s32 $0x40, s11;
	[dreg:$0x10] =	wrdreg s28  }
0x10: {  	s17 =	simm.s32 $0x2;
	s19 =	sadd.s32 $0xC0, s11;
	[dreg:$0x6] =	wrdreg s8  }
0x11: {  	s20 =	sadd.s32 $0x100, s11;
	s21 =	sadd.s32 s2, s9;
	[dreg:$0x8] =	wrdreg s19  }
0x12: {  	s22 =	sadd.s32 $0x140, s11;
	s23 =	sadd.s32 $0x180, s11;
	[dreg:$0x9] =	wrdreg s20  }
0x13: {  	s5 =	sshrl.u32 s5, $0x3;
	s11 =	simm.s32 $0x2400;
	[dreg:$0xb] =	wrdreg s22  }
0x14: {  	s9 =	simm.s32 $0x3;
	s8 =	sadd.s32 s0, s18;
	[dreg:$0xa] =	wrdreg s21  }
0x15: {  	[dreg:$0xd] =	wrdreg s23;
	s7 =	sadd.s32 s2, s7;
	s5 =	sadd.s32 s2, s5  }
0x16: {  	s2 =	sadd.s32 s24, s2;
	s0 =	sadd.s32 s26, s0;
	s20 =	simm.s32 $0x9  }
0x17: {  	s24 =	simm.s32 $0x100;
	s26 =	simm.s32 $0x180;
	s22 =	simm.s32 $0x7800  }
0x18: {  	s23 =	simm.s32 $0x280;
	s18 =	simm.s32 $0xC;
	[dreg:$0x7] =	wrdreg s8  }
0x19: {  	s19 =	simm.s32 $0x8;
	s8 =	sadd.s32 $0xE00, s21;
	[dreg:$0xe] =	wrdreg s7  }
0x1a: {  	s5 =	sadd.s32 $0x6F200, s5;
	s2 =	sadd.s32 s25, s2;
	[dreg:$0xc] =	wrdreg s8  }
0x1b: {  	s0 =	sadd.s32 s4, s0;
	s21 =	simm.s32 $0x32;
	[dreg:$0xf] =	wrdreg s5  }
0x1c: {  	s25 =	simm.s32 $0x4;
	[dreg:$0x4] =	wrdreg s2;
	s0 =	sadd.s32 $0x280, s0  }
0x1d: {  	s4 =	simm.s32 $0x0;
	s8 =	simm.s32 $0x600;
	[dreg:$0x11] =	wrdreg s0  }
.LBB2_1:
0x1e: {  	[dreg:$0x12] =	wrdreg s4  }
0x1f: {  	s2 =	rddreg [dreg:$0x5]  }
0x20: {  	[tilespmem:s3], [sflag:$0x9] =	stream.linear.gather [hbm4b:s2+s3], $0x200, $0x38;
	[tilespmem:$0x1C800] =	vst v63  }
0x21: {  	s4 =	rddreg [dreg:$0x6]  }
0x22: {  	[tilespmem:s6], [sflag:$0xA] =	stream.linear.gather [hbm4b:s4+s3], $0x200, $0x38;
	[tilespmem:$0x1C800] =	vst v63  }
0x23: {  	s5 =	rddreg [dreg:$0x7]  }
0x24: {  	[tilespmem:s29], [sflag:$0xB] =	stream.linear.gather [hbm4b:s5+s3], $0x200, $0x38;
	[tilespmem:$0x1C800] =	vst v63  }
0x25: {  	s7 =	rddreg [dreg:$0x8]  }
0x26: {  	[tilespmem:s8], [sflag:$0xC] =	stream.linear.gather [hbm4b:s7+s3], $0x200, $0x38;
	[tilespmem:$0x1C800] =	vst v63  }
0x27: {  	_ =	swait.ge [sflag:s20], $0x200  }
0x28: {  	[sflag:s20] =	ssyncset.done $0x0  }
0x29: {  	[sflag:s20] =	ssyncadd.s32 $0xFFFFFE00  }
0x2a: {  	[tilespmem:s15], [sflag:$0x1] =	stream.indirect.gather [hbm4b:s1+s21], $0x80, s3, s21, $0xb8;
	[tilespmem:$0x1C800] =	vst v63  }
0x2b: {  	_ = 	snop  }
0x2c: {  	[tilespmem:s11], [sflag:$0x1] =	stream.indirect.gather [hbm4b:s1+s21], $0x80, s31, s21, $0xb8;
	[tilespmem:$0x1C800] =	vst v63  }
0x2d: {  	_ = 	snop  }
0x2e: {  	[tilespmem:s13], [sflag:$0x1] =	stream.indirect.gather [hbm4b:s1+s21], $0x80, s24, s21, $0xb8;
	[tilespmem:$0x1C800] =	vst v63  }
0x2f: {  	_ = 	snop  }
0x30: {  	[tilespmem:s16], [sflag:$0x1] =	stream.indirect.gather [hbm4b:s1+s21], $0x80, s26, s21, $0xb8;
	[tilespmem:$0x1C800] =	vst v63  }
0x31: {  	_ =	swait.ge [sflag:s12], $0x200  }
0x32: {  	[sflag:s12] =	ssyncset.done $0x0  }
0x33: {  	[sflag:s12] =	ssyncadd.s32 $0xFFFFFE00  }
0x34: {  	[tilespmem:s22], [sflag:$0x2] =	stream.indirect.gather [hbm4b:s1+s21], $0x80, s6, s21, $0xb8;
	[tilespmem:$0x1C800] =	vst v63  }
0x35: {  	s0 =	simm.s32 $0x9400  }
0x36: {  	[tilespmem:s0], [sflag:$0x2] =	stream.indirect.gather [hbm4b:s1+s21], $0x80, s23, s21, $0xb8;
	[tilespmem:$0x1C800] =	vst v63  }
0x37: {  	s14 =	simm.s32 $0x300;
	s16 =	simm.s32 $0xB000  }
0x38: {  	[tilespmem:s16], [sflag:$0x2] =	stream.indirect.gather [hbm4b:s1+s21], $0x80, s14, s21, $0xb8;
	[tilespmem:$0x1C800] =	vst v63  }
0x39: {  	s28 =	simm.s32 $0xCC00;
	s22 =	simm.s32 $0x380  }
0x3a: {  	[tilespmem:s28], [sflag:$0x2] =	stream.indirect.gather [hbm4b:s1+s21], $0x80, s22, s21, $0xb8;
	[tilespmem:$0x1C800] =	vst v63  }
0x3b: {  	_ =	swait.ge [sflag:s10], $0x1900  }
0x3c: {  	[sflag:s10] =	ssyncset.done $0x0  }
0x3d: {  	[sflag:s10] =	ssyncadd.s32 $0xFFFFE700  }
0x3e: {  	_ =	swait.ge [sflag:s10], $0x1900  }
0x3f: {  	[sflag:s10] =	ssyncset.done $0x0  }
0x40: {  	[sflag:s10] =	ssyncadd.s32 $0xFFFFE700  }
0x41: {  	_ =	swait.ge [sflag:s10], $0x1900  }
0x42: {  	[sflag:s10] =	ssyncset.done $0x0  }
0x43: {  	[sflag:s10] =	ssyncadd.s32 $0xFFFFE700  }
0x44: {  	_ =	swait.ge [sflag:s10], $0x1900  }
0x45: {  	[sflag:s10] =	ssyncset.done $0x0  }
0x46: {  	s0 =	rddreg [dreg:$0x9];
	[sflag:s10] =	ssyncadd.s32 $0xFFFFE700  }
0x47: {  	[tilespmem:s3], [sflag:$0x9] =	stream.linear.gather [hbm4b:s0+s3], $0x200, $0x38;
	[tilespmem:$0x1C800] =	vst v63  }
0x48: {  	s4 =	rddreg [dreg:$0xa]  }
0x49: {  	[hbm4b:s4+s3] =	stream.linear.scatter [tilespmem:s15], [sflag:$0x5], $0x1900, $0x38;
	[tilespmem:$0x1C800] =	vst v63  }
0x4a: {  	s11 =	simm.s32 $0x2400;
	s5 =	sadd.s32 $0x380, s4  }
0x4b: {  	[hbm4b:s5+s3] =	stream.linear.scatter [tilespmem:s11], [sflag:$0x5], $0x1900, $0x38;
	[tilespmem:$0x1C800] =	vst v63  }
0x4c: {  	s14 =	simm.s32 $0x4000;
	s7 =	sadd.s32 $0x700, s4  }
0x4d: {  	[hbm4b:s7+s3] =	stream.linear.scatter [tilespmem:s14], [sflag:$0x5], $0x1900, $0x38;
	[tilespmem:$0x1C800] =	vst v63  }
0x4e: {  	s28 =	simm.s32 $0x5C00;
	s0 =	sadd.s32 $0xA80, s4  }
0x4f: {  	[hbm4b:s0+s3] =	stream.linear.scatter [tilespmem:s28], [sflag:$0x5], $0x1900, $0x38;
	[tilespmem:$0x1C800] =	vst v63  }
0x50: {  	_ =	swait.ge [sflag:s30], $0x200  }
0x51: {  	[sflag:s30] =	ssyncset.done $0x0  }
0x52: {  	s2 =	simm.s32 $0xE800;
	[sflag:s30] =	ssyncadd.s32 $0xFFFFFE00  }
0x53: {  	[tilespmem:s2], [sflag:$0x3] =	stream.indirect.gather [hbm4b:s1+s21], $0x80, s29, s21, $0xb8;
	[tilespmem:$0x1C800] =	vst v63  }
0x54: {  	s4 =	simm.s32 $0x480;
	s7 =	simm.s32 $0x10400  }
0x55: {  	[tilespmem:s7], [sflag:$0x3] =	stream.indirect.gather [hbm4b:s1+s21], $0x80, s4, s21, $0xb8;
	[tilespmem:$0x1C800] =	vst v63  }
0x56: {  	s22 =	simm.s32 $0x500;
	s4 =	simm.s32 $0x12000  }
0x57: {  	[tilespmem:s4], [sflag:$0x3] =	stream.indirect.gather [hbm4b:s1+s21], $0x80, s22, s21, $0xb8;
	[tilespmem:$0x1C800] =	vst v63  }
0x58: {  	s2 =	simm.s32 $0x13C00;
	s22 =	simm.s32 $0x580  }
0x59: {  	[tilespmem:s2], [sflag:$0x3] =	stream.indirect.gather [hbm4b:s1+s21], $0x80, s22, s21, $0xb8;
	[tilespmem:$0x1C800] =	vst v63  }
0x5a: {  	_ =	swait.ge [sflag:s17], $0x1900  }
0x5b: {  	[sflag:s17] =	ssyncset.done $0x0  }
0x5c: {  	[sflag:s17] =	ssyncadd.s32 $0xFFFFE700  }
0x5d: {  	_ =	swait.ge [sflag:s17], $0x1900  }
0x5e: {  	[sflag:s17] =	ssyncset.done $0x0  }
0x5f: {  	[sflag:s17] =	ssyncadd.s32 $0xFFFFE700  }
0x60: {  	_ =	swait.ge [sflag:s17], $0x1900  }
0x61: {  	[sflag:s17] =	ssyncset.done $0x0  }
0x62: {  	[sflag:s17] =	ssyncadd.s32 $0xFFFFE700  }
0x63: {  	_ =	swait.ge [sflag:s17], $0x1900  }
0x64: {  	[sflag:s17] =	ssyncset.done $0x0  }
0x65: {  	s22 =	rddreg [dreg:$0xb];
	[sflag:s17] =	ssyncadd.s32 $0xFFFFE700  }
0x66: {  	[tilespmem:s6], [sflag:$0xA] =	stream.linear.gather [hbm4b:s22+s3], $0x200, $0x38;
	[tilespmem:$0x1C800] =	vst v63  }
0x67: {  	s16 =	simm.s32 $0x7800;
	s2 =	rddreg [dreg:$0xc]  }
0x68: {  	[hbm4b:s2+s3] =	stream.linear.scatter [tilespmem:s16], [sflag:$0x6], $0x1900, $0x38;
	[tilespmem:$0x1C800] =	vst v63  }
0x69: {  	s8 =	simm.s32 $0x9400;
	s16 =	sadd.s32 $0x380, s2  }
0x6a: {  	[hbm4b:s16+s3] =	stream.linear.scatter [tilespmem:s8], [sflag:$0x6], $0x1900, $0x38;
	[tilespmem:$0x1C800] =	vst v63  }
0x6b: {  	s23 =	simm.s32 $0xB000;
	s16 =	sadd.s32 $0x700, s2  }
0x6c: {  	[hbm4b:s16+s3] =	stream.linear.scatter [tilespmem:s23], [sflag:$0x6], $0x1900, $0x38;
	[tilespmem:$0x1C800] =	vst v63  }
0x6d: {  	s13 =	simm.s32 $0xCC00;
	s8 =	sadd.s32 $0xA80, s2  }
0x6e: {  	[hbm4b:s8+s3] =	stream.linear.scatter [tilespmem:s13], [sflag:$0x6], $0x1900, $0x38;
	[tilespmem:$0x1C800] =	vst v63  }
0x6f: {  	_ =	swait.ge [sflag:s18], $0x200  }
0x70: {  	[sflag:s18] =	ssyncset.done $0x0  }
0x71: {  	s15 =	simm.s32 $0x600;
	s16 =	simm.s32 $0x15800;
	[sflag:s18] =	ssyncadd.s32 $0xFFFFFE00  }
0x72: {  	[tilespmem:s16], [sflag:$0x4] =	stream.indirect.gather [hbm4b:s1+s21], $0x80, s15, s21, $0xb8;
	[tilespmem:$0x1C800] =	vst v63  }
0x73: {  	s23 =	simm.s32 $0x17400;
	s13 =	simm.s32 $0x680  }
0x74: {  	[tilespmem:s23], [sflag:$0x4] =	stream.indirect.gather [hbm4b:s1+s21], $0x80, s13, s21, $0xb8;
	[tilespmem:$0x1C800] =	vst v63  }
0x75: {  	s15 =	simm.s32 $0x700;
	s13 =	simm.s32 $0x19000  }
0x76: {  	[tilespmem:s13], [sflag:$0x4] =	stream.indirect.gather [hbm4b:s1+s21], $0x80, s15, s21, $0xb8;
	[tilespmem:$0x1C800] =	vst v63  }
0x77: {  	s22 =	simm.s32 $0x780;
	s15 =	simm.s32 $0x1AC00  }
0x78: {  	[tilespmem:s15], [sflag:$0x4] =	stream.indirect.gather [hbm4b:s1+s21], $0x80, s22, s21, $0xb8;
	[tilespmem:$0x1C800] =	vst v63  }
0x79: {  	_ =	swait.ge [sflag:s9], $0x1900  }
0x7a: {  	[sflag:s9] =	ssyncset.done $0x0  }
0x7b: {  	[sflag:s9] =	ssyncadd.s32 $0xFFFFE700  }
0x7c: {  	_ =	swait.ge [sflag:s9], $0x1900  }
0x7d: {  	[sflag:s9] =	ssyncset.done $0x0  }
0x7e: {  	[sflag:s9] =	ssyncadd.s32 $0xFFFFE700  }
0x7f: {  	_ =	swait.ge [sflag:s9], $0x1900  }
0x80: {  	[sflag:s9] =	ssyncset.done $0x0  }
0x81: {  	[sflag:s9] =	ssyncadd.s32 $0xFFFFE700  }
0x82: {  	_ =	swait.ge [sflag:s9], $0x1900  }
0x83: {  	[sflag:s9] =	ssyncset.done $0x0  }
0x84: {  	s22 =	rddreg [dreg:$0xd];
	[sflag:s9] =	ssyncadd.s32 $0xFFFFE700  }
0x85: {  	[tilespmem:s29], [sflag:$0xB] =	stream.linear.gather [hbm4b:s22+s3], $0x200, $0x38;
	[tilespmem:$0x1C800] =	vst v63  }
0x86: {  	s5 =	simm.s32 $0xE800;
	s2 =	rddreg [dreg:$0xe]  }
0x87: {  	[hbm4b:s2+s3] =	stream.linear.scatter [tilespmem:s5], [sflag:$0x7], $0x1900, $0x38;
	[tilespmem:$0x1C800] =	vst v63  }
0x88: {  	s7 =	simm.s32 $0x10400;
	s5 =	sadd.s32 $0x380, s2  }
0x89: {  	[hbm4b:s5+s3] =	stream.linear.scatter [tilespmem:s7], [sflag:$0x7], $0x1900, $0x38;
	[tilespmem:$0x1C800] =	vst v63  }
0x8a: {  	s5 =	sadd.s32 $0x700, s2  }
0x8b: {  	[hbm4b:s5+s3] =	stream.linear.scatter [tilespmem:s4], [sflag:$0x7], $0x1900, $0x38;
	[tilespmem:$0x1C800] =	vst v63  }
0x8c: {  	s0 =	simm.s32 $0x13C00;
	s7 =	sadd.s32 $0xA80, s2  }
0x8d: {  	[hbm4b:s7+s3] =	stream.linear.scatter [tilespmem:s0], [sflag:$0x7], $0x1900, $0x38;
	[tilespmem:$0x1C800] =	vst v63  }
0x8e: {  	s0 =	simm.s32 $0x5  }
0x8f: {  	_ =	swait.ge [sflag:s0], $0x6400  }
0x90: {  	[sflag:s0] =	ssyncset.done $0x0  }
0x91: {  	[sflag:s0] =	ssyncadd.s32 $0xFFFF9C00  }
0x92: {  	_ =	swait.ge [sflag:s20], $0x200  }
0x93: {  	[sflag:s20] =	ssyncset.done $0x0  }
0x94: {  	s4 =	simm.s32 $0x800;
	[sflag:s20] =	ssyncadd.s32 $0xFFFFFE00  }
0x95: {  	[tilespmem:s4], [sflag:$0x1] =	stream.indirect.gather [hbm4b:s1+s21], $0x80, s3, s21, $0xb8;
	[tilespmem:$0x1C800] =	vst v63  }
0x96: {  	_ = 	snop  }
0x97: {  	[tilespmem:s11], [sflag:$0x1] =	stream.indirect.gather [hbm4b:s1+s21], $0x80, s31, s21, $0xb8;
	[tilespmem:$0x1C800] =	vst v63  }
0x98: {  	_ = 	snop  }
0x99: {  	[tilespmem:s14], [sflag:$0x1] =	stream.indirect.gather [hbm4b:s1+s21], $0x80, s24, s21, $0xb8;
	[tilespmem:$0x1C800] =	vst v63  }
0x9a: {  	_ = 	snop  }
0x9b: {  	[tilespmem:s28], [sflag:$0x1] =	stream.indirect.gather [hbm4b:s1+s21], $0x80, s26, s21, $0xb8;
	[tilespmem:$0x1C800] =	vst v63  }
0x9c: {  	_ =	swait.ge [sflag:s25], $0x1900  }
0x9d: {  	[sflag:s25] =	ssyncset.done $0x0  }
0x9e: {  	[sflag:s25] =	ssyncadd.s32 $0xFFFFE700  }
0x9f: {  	_ =	swait.ge [sflag:s25], $0x1900  }
0xa0: {  	[sflag:s25] =	ssyncset.done $0x0  }
0xa1: {  	[sflag:s25] =	ssyncadd.s32 $0xFFFFE700  }
0xa2: {  	_ =	swait.ge [sflag:s25], $0x1900  }
0xa3: {  	[sflag:s25] =	ssyncset.done $0x0  }
0xa4: {  	[sflag:s25] =	ssyncadd.s32 $0xFFFFE700  }
0xa5: {  	_ =	swait.ge [sflag:s25], $0x1900  }
0xa6: {  	s5 =	rddreg [dreg:$0x4]  }
0xa7: {  	s8 =	simm.s32 $0x600;
	[sflag:s25] =	ssyncset.done $0x0;
	s2 =	rddreg [dreg:$0x11]  }
0xa8: {  	[sflag:s25] =	ssyncadd.s32 $0xFFFFE700;
	s26 =	sadd.s32 $0xFFFFFF40, s2;
	s24 =	sadd.s32 $0x0, s5  }
0xa9: {  	[tilespmem:s8], [sflag:$0xC] =	stream.linear.gather [hbm4b:s26+s3], $0x200, $0x38;
	[tilespmem:$0x1C800] =	vst v63  }
0xaa: {  	s22 =	sadd.s32 $0x2A00, s24  }
0xab: {  	[hbm4b:s22+s3] =	stream.linear.scatter [tilespmem:s16], [sflag:$0x8], $0x1900, $0x38;
	[tilespmem:$0x1C800] =	vst v63  }
0xac: {  	s0 =	sadd.s32 $0x2D80, s24  }
0xad: {  	[hbm4b:s0+s3] =	stream.linear.scatter [tilespmem:s23], [sflag:$0x8], $0x1900, $0x38;
	[tilespmem:$0x1C800] =	vst v63  }
0xae: {  	s4 =	sadd.s32 $0x3100, s24  }
0xaf: {  	[hbm4b:s4+s3] =	stream.linear.scatter [tilespmem:s13], [sflag:$0x8], $0x1900, $0x38;
	[tilespmem:$0x1C800] =	vst v63  }
0xb0: {  	s5 =	sadd.s32 $0x3480, s24;
	s8 =	simm.s32 $0x6  }
0xb1: {  	[hbm4b:s5+s3] =	stream.linear.scatter [tilespmem:s15], [sflag:$0x8], $0x1900, $0x38;
	[tilespmem:$0x1C800] =	vst v63  }
0xb2: {  	_ =	swait.ge [sflag:s8], $0x6400  }
0xb3: {  	[sflag:s8] =	ssyncset.done $0x0  }
0xb4: {  	[sflag:s8] =	ssyncadd.s32 $0xFFFF9C00  }
0xb5: {  	_ =	swait.ge [sflag:s12], $0x200  }
0xb6: {  	[sflag:s12] =	ssyncset.done $0x0  }
0xb7: {  	s0 =	simm.s32 $0x7800;
	[sflag:s12] =	ssyncadd.s32 $0xFFFFFE00  }
0xb8: {  	[tilespmem:s0], [sflag:$0x2] =	stream.indirect.gather [hbm4b:s1+s21], $0x80, s6, s21, $0xb8;
	[tilespmem:$0x1C800] =	vst v63  }
0xb9: {  	s8 =	simm.s32 $0x9400;
	s12 =	simm.s32 $0x280  }
0xba: {  	[tilespmem:s8], [sflag:$0x2] =	stream.indirect.gather [hbm4b:s1+s21], $0x80, s12, s21, $0xb8;
	[tilespmem:$0x1C800] =	vst v63  }
0xbb: {  	s22 =	simm.s32 $0x300;
	s5 =	simm.s32 $0xB000  }
0xbc: {  	[tilespmem:s5], [sflag:$0x2] =	stream.indirect.gather [hbm4b:s1+s21], $0x80, s22, s21, $0xb8;
	[tilespmem:$0x1C800] =	vst v63  }
0xbd: {  	s26 =	simm.s32 $0x380;
	s12 =	simm.s32 $0xCC00  }
0xbe: {  	[tilespmem:s12], [sflag:$0x2] =	stream.indirect.gather [hbm4b:s1+s21], $0x80, s26, s21, $0xb8;
	[tilespmem:$0x1C800] =	vst v63  }
0xbf: {  	_ =	swait.ge [sflag:s10], $0x1900  }
0xc0: {  	[sflag:s10] =	ssyncset.done $0x0  }
0xc1: {  	[sflag:s10] =	ssyncadd.s32 $0xFFFFE700  }
0xc2: {  	_ =	swait.ge [sflag:s10], $0x1900  }
0xc3: {  	[sflag:s10] =	ssyncset.done $0x0  }
0xc4: {  	[sflag:s10] =	ssyncadd.s32 $0xFFFFE700  }
0xc5: {  	_ =	swait.ge [sflag:s10], $0x1900  }
0xc6: {  	[sflag:s10] =	ssyncset.done $0x0  }
0xc7: {  	[sflag:s10] =	ssyncadd.s32 $0xFFFFE700  }
0xc8: {  	_ =	swait.ge [sflag:s10], $0x1900  }
0xc9: {  	p0 =	por $0x0, $0x0;
	[sflag:s10] =	ssyncset.done $0x0  }
0xca: {  	s22 =	simm.s32 @!p0 $0x0;
	s26 =	sadd.s32 @!p0 $0xFFFFFF80, s2;
	[sflag:s10] =	ssyncadd.s32 $0xFFFFE700  }
0xcb: {  	[tilespmem:s22], [sflag:$0x9] =	stream.linear.gather @!p0 [hbm4b:s26+s22], $0x200, $0x38;
	[tilespmem:$0x1C800] =	vst v63  }
0xcc: {  	s7 =	simm.s32 $0x800;
	s4 =	sadd.s32 $0x3800, s24  }
0xcd: {  	[hbm4b:s4+s3] =	stream.linear.scatter [tilespmem:s7], [sflag:$0x5], $0x1900, $0x38;
	[tilespmem:$0x1C800] =	vst v63  }
0xce: {  	s7 =	sadd.s32 $0x3B80, s24  }
0xcf: {  	[hbm4b:s7+s3] =	stream.linear.scatter [tilespmem:s11], [sflag:$0x5], $0x1900, $0x38;
	[tilespmem:$0x1C800] =	vst v63  }
0xd0: {  	s4 =	sadd.s32 $0x3F00, s24  }
0xd1: {  	[hbm4b:s4+s3] =	stream.linear.scatter [tilespmem:s14], [sflag:$0x5], $0x1900, $0x38;
	[tilespmem:$0x1C800] =	vst v63  }
0xd2: {  	s7 =	sadd.s32 $0x4280, s24;
	s11 =	simm.s32 $0x7  }
0xd3: {  	[hbm4b:s7+s3] =	stream.linear.scatter [tilespmem:s28], [sflag:$0x5], $0x1900, $0x38;
	[tilespmem:$0x1C800] =	vst v63  }
0xd4: {  	_ =	swait.ge [sflag:s11], $0x6400  }
0xd5: {  	[sflag:s11] =	ssyncset.done $0x0  }
0xd6: {  	[sflag:s11] =	ssyncadd.s32 $0xFFFF9C00  }
0xd7: {  	_ =	swait.ge [sflag:s30], $0x200  }
0xd8: {  	[sflag:s30] =	ssyncset.done $0x0  }
0xd9: {  	s7 =	simm.s32 $0xE800;
	[sflag:s30] =	ssyncadd.s32 $0xFFFFFE00  }
0xda: {  	[tilespmem:s7], [sflag:$0x3] =	stream.indirect.gather [hbm4b:s1+s21], $0x80, s29, s21, $0xb8;
	[tilespmem:$0x1C800] =	vst v63  }
0xdb: {  	s4 =	simm.s32 $0x10400;
	s14 =	simm.s32 $0x480  }
0xdc: {  	[tilespmem:s4], [sflag:$0x3] =	stream.indirect.gather [hbm4b:s1+s21], $0x80, s14, s21, $0xb8;
	[tilespmem:$0x1C800] =	vst v63  }
0xdd: {  	s6 =	simm.s32 $0x12000;
	s26 =	simm.s32 $0x500  }
0xde: {  	[tilespmem:s6], [sflag:$0x3] =	stream.indirect.gather [hbm4b:s1+s21], $0x80, s26, s21, $0xb8;
	[tilespmem:$0x1C800] =	vst v63  }
0xdf: {  	s28 =	simm.s32 $0x580;
	s29 =	simm.s32 $0x13C00  }
0xe0: {  	[tilespmem:s29], [sflag:$0x3] =	stream.indirect.gather [hbm4b:s1+s21], $0x80, s28, s21, $0xb8;
	[tilespmem:$0x1C800] =	vst v63  }
0xe1: {  	_ =	swait.ge [sflag:s17], $0x1900  }
0xe2: {  	[sflag:s17] =	ssyncset.done $0x0  }
0xe3: {  	[sflag:s17] =	ssyncadd.s32 $0xFFFFE700  }
0xe4: {  	_ =	swait.ge [sflag:s17], $0x1900  }
0xe5: {  	[sflag:s17] =	ssyncset.done $0x0  }
0xe6: {  	[sflag:s17] =	ssyncadd.s32 $0xFFFFE700  }
0xe7: {  	_ =	swait.ge [sflag:s17], $0x1900  }
0xe8: {  	[sflag:s17] =	ssyncset.done $0x0  }
0xe9: {  	[sflag:s17] =	ssyncadd.s32 $0xFFFFE700  }
0xea: {  	_ =	swait.ge [sflag:s17], $0x1900  }
0xeb: {  	[sflag:s17] =	ssyncset.done $0x0  }
0xec: {  	s26 =	sadd.s32 @!p0 $0xFFFFFFC0, s2;
	s29 =	simm.s32 @!p0 $0x200;
	[sflag:s17] =	ssyncadd.s32 $0xFFFFE700  }
0xed: {  	[tilespmem:s29], [sflag:$0xA] =	stream.linear.gather @!p0 [hbm4b:s26+s22], $0x200, $0x38;
	[tilespmem:$0x1C800] =	vst v63  }
0xee: {  	s30 =	sadd.s32 $0x4600, s24  }
0xef: {  	[hbm4b:s30+s3] =	stream.linear.scatter [tilespmem:s0], [sflag:$0x6], $0x1900, $0x38;
	[tilespmem:$0x1C800] =	vst v63  }
0xf0: {  	s0 =	sadd.s32 $0x4980, s24  }
0xf1: {  	[hbm4b:s0+s3] =	stream.linear.scatter [tilespmem:s8], [sflag:$0x6], $0x1900, $0x38;
	[tilespmem:$0x1C800] =	vst v63  }
0xf2: {  	s8 =	sadd.s32 $0x4D00, s24  }
0xf3: {  	[hbm4b:s8+s3] =	stream.linear.scatter [tilespmem:s5], [sflag:$0x6], $0x1900, $0x38;
	[tilespmem:$0x1C800] =	vst v63  }
0xf4: {  	s11 =	sadd.s32 $0x5080, s24  }
0xf5: {  	[hbm4b:s11+s3] =	stream.linear.scatter [tilespmem:s12], [sflag:$0x6], $0x1900, $0x38;
	[tilespmem:$0x1C800] =	vst v63  }
0xf6: {  	_ =	swait.ge [sflag:s19], $0x6400  }
0xf7: {  	[sflag:s19] =	ssyncset.done $0x0  }
0xf8: {  	[sflag:s19] =	ssyncadd.s32 $0xFFFF9C00  }
0xf9: {  	_ =	swait.ge [sflag:s18], $0x200  }
0xfa: {  	[sflag:s18] =	ssyncset.done $0x0  }
0xfb: {  	s14 =	simm.s32 $0x600;
	[sflag:s18] =	ssyncadd.s32 $0xFFFFFE00  }
0xfc: {  	[tilespmem:s16], [sflag:$0x4] =	stream.indirect.gather [hbm4b:s1+s21], $0x80, s14, s21, $0xb8;
	[tilespmem:$0x1C800] =	vst v63  }
0xfd: {  	s18 =	simm.s32 $0x680  }
0xfe: {  	[tilespmem:s23], [sflag:$0x4] =	stream.indirect.gather [hbm4b:s1+s21], $0x80, s18, s21, $0xb8;
	[tilespmem:$0x1C800] =	vst v63  }
0xff: {  	s23 =	simm.s32 $0x700  }
0x100: {  	[tilespmem:s13], [sflag:$0x4] =	stream.indirect.gather [hbm4b:s1+s21], $0x80, s23, s21, $0xb8;
	[tilespmem:$0x1C800] =	vst v63  }
0x101: {  	s26 =	simm.s32 $0x780  }
0x102: {  	[tilespmem:s15], [sflag:$0x4] =	stream.indirect.gather [hbm4b:s1+s21], $0x80, s26, s21, $0xb8;
	[tilespmem:$0x1C800] =	vst v63  }
0x103: {  	_ =	swait.ge [sflag:s9], $0x1900  }
0x104: {  	[sflag:s9] =	ssyncset.done $0x0  }
0x105: {  	[sflag:s9] =	ssyncadd.s32 $0xFFFFE700  }
0x106: {  	_ =	swait.ge [sflag:s9], $0x1900  }
0x107: {  	[sflag:s9] =	ssyncset.done $0x0  }
0x108: {  	[sflag:s9] =	ssyncadd.s32 $0xFFFFE700  }
0x109: {  	_ =	swait.ge [sflag:s9], $0x1900  }
0x10a: {  	[sflag:s9] =	ssyncset.done $0x0  }
0x10b: {  	[sflag:s9] =	ssyncadd.s32 $0xFFFFE700  }
0x10c: {  	_ =	swait.ge [sflag:s9], $0x1900  }
0x10d: {  	[sflag:s9] =	ssyncset.done $0x0  }
0x10e: {  	s26 =	simm.s32 @!p0 $0x400;
	[sflag:s9] =	ssyncadd.s32 $0xFFFFE700  }
0x10f: {  	[tilespmem:s26], [sflag:$0xB] =	stream.linear.gather @!p0 [hbm4b:s2+s22], $0x200, $0x38;
	[tilespmem:$0x1C800] =	vst v63  }
0x110: {  	s28 =	sadd.s32 $0x5400, s24  }
0x111: {  	[hbm4b:s28+s3] =	stream.linear.scatter [tilespmem:s7], [sflag:$0x7], $0x1900, $0x38;
	[tilespmem:$0x1C800] =	vst v63  }
0x112: {  	s29 =	sadd.s32 $0x5780, s24;
	s30 =	sadd.s32 $0x5B00, s24;
	s12 =	simm.s32 $0xA  }
0x113: {  	[hbm4b:s29+s3] =	stream.linear.scatter [tilespmem:s4], [sflag:$0x7], $0x1900, $0x38;
	[tilespmem:$0x1C800] =	vst v63  }
0x114: {  	s22 =	simm.s32 $0x3800;
	s26 =	sadd.s32 $0x5E80, s24;
	s24 =	smov.u32 s2  }
0x115: {  	[hbm4b:s30+s3] =	stream.linear.scatter [tilespmem:s6], [sflag:$0x7], $0x1900, $0x38;
	[tilespmem:$0x1C800] =	vst v63  }
.LBB2_2:
0x116: {  	s4 =	simm.s32 $0x13C00;
	s2 =	simm.s32 $0x5  }
0x117: {  	[hbm4b:s26+s3] =	stream.linear.scatter [tilespmem:s4], [sflag:$0x7], $0x1900, $0x38;
	[tilespmem:$0x1C800] =	vst v63  }
0x118: {  	_ =	swait.ge [sflag:s2], $0x6400  }
0x119: {  	[sflag:s2] =	ssyncset.done $0x0  }
0x11a: {  	[sflag:s2] =	ssyncadd.s32 $0xFFFF9C00  }
0x11b: {  	_ =	swait.ge [sflag:s20], $0x200  }
0x11c: {  	[sflag:s20] =	ssyncset.done $0x0  }
0x11d: {  	s8 =	simm.s32 $0x800;
	[sflag:s20] =	ssyncadd.s32 $0xFFFFFE00  }
0x11e: {  	[tilespmem:s8], [sflag:$0x1] =	stream.indirect.gather [hbm4b:s1+s21], $0x80, s3, s21, $0xb8;
	[tilespmem:$0x1C800] =	vst v63  }
0x11f: {  	s30 =	simm.s32 $0x2400  }
0x120: {  	[tilespmem:s30], [sflag:$0x1] =	stream.indirect.gather [hbm4b:s1+s21], $0x80, s31, s21, $0xb8;
	[tilespmem:$0x1C800] =	vst v63  }
0x121: {  	s18 =	simm.s32 $0x4000;
	s0 =	simm.s32 $0x100  }
0x122: {  	[tilespmem:s18], [sflag:$0x1] =	stream.indirect.gather [hbm4b:s1+s21], $0x80, s0, s21, $0xb8;
	[tilespmem:$0x1C800] =	vst v63  }
0x123: {  	s14 =	simm.s32 $0x5C00;
	s26 =	simm.s32 $0x180  }
0x124: {  	[tilespmem:s14], [sflag:$0x1] =	stream.indirect.gather [hbm4b:s1+s21], $0x80, s26, s21, $0xb8;
	[tilespmem:$0x1C800] =	vst v63  }
0x125: {  	_ =	swait.ge [sflag:s25], $0x1900  }
0x126: {  	[sflag:s25] =	ssyncset.done $0x0  }
0x127: {  	[sflag:s25] =	ssyncadd.s32 $0xFFFFE700  }
0x128: {  	_ =	swait.ge [sflag:s25], $0x1900  }
0x129: {  	[sflag:s25] =	ssyncset.done $0x0  }
0x12a: {  	[sflag:s25] =	ssyncadd.s32 $0xFFFFE700  }
0x12b: {  	_ =	swait.ge [sflag:s25], $0x1900  }
0x12c: {  	[sflag:s25] =	ssyncset.done $0x0  }
0x12d: {  	[sflag:s25] =	ssyncadd.s32 $0xFFFFE700  }
0x12e: {  	s24 =	sadd.s32 $0x100, s24;
	s29 =	smov.u32 s22;
	_ =	swait.ge [sflag:s25], $0x1900  }
0x12f: {  	s20 =	simm.s32 $0x600;
	[sflag:s25] =	ssyncset.done $0x0;
	s28 =	rddreg [dreg:$0x4]  }
0x130: {  	s31 =	sadd.s32 $0xFFFFFF40, s24;
	[sflag:s25] =	ssyncadd.s32 $0xFFFFE700;
	s26 =	sadd.s32 s29, s28  }
0x131: {  	[tilespmem:s20], [sflag:$0xC] =	stream.linear.gather [hbm4b:s31+s3], $0x200, $0x38;
	[tilespmem:$0x1C800] =	vst v63  }
0x132: {  	s15 =	simm.s32 $0x15800;
	s31 =	sadd.s32 $0x2A00, s26  }
0x133: {  	[hbm4b:s31+s3] =	stream.linear.scatter [tilespmem:s15], [sflag:$0x8], $0x1900, $0x38;
	[tilespmem:$0x1C800] =	vst v63  }
0x134: {  	s13 =	simm.s32 $0x17400;
	s0 =	sadd.s32 $0x2D80, s26  }
0x135: {  	[hbm4b:s0+s3] =	stream.linear.scatter [tilespmem:s13], [sflag:$0x8], $0x1900, $0x38;
	[tilespmem:$0x1C800] =	vst v63  }
0x136: {  	s16 =	simm.s32 $0x19000;
	s31 =	sadd.s32 $0x3100, s26  }
0x137: {  	[hbm4b:s31+s3] =	stream.linear.scatter [tilespmem:s16], [sflag:$0x8], $0x1900, $0x38;
	[tilespmem:$0x1C800] =	vst v63  }
0x138: {  	s23 =	simm.s32 $0x1AC00;
	s7 =	simm.s32 $0x6;
	s5 =	sadd.s32 $0x3480, s26  }
0x139: {  	[hbm4b:s5+s3] =	stream.linear.scatter [tilespmem:s23], [sflag:$0x8], $0x1900, $0x38;
	[tilespmem:$0x1C800] =	vst v63  }
0x13a: {  	_ =	swait.ge [sflag:s7], $0x6400  }
0x13b: {  	[sflag:s7] =	ssyncset.done $0x0  }
0x13c: {  	[sflag:s7] =	ssyncadd.s32 $0xFFFF9C00  }
0x13d: {  	_ =	swait.ge [sflag:s12], $0x200  }
0x13e: {  	[sflag:s12] =	ssyncset.done $0x0  }
0x13f: {  	s11 =	simm.s32 $0x200;
	s0 =	simm.s32 $0x7800;
	[sflag:s12] =	ssyncadd.s32 $0xFFFFFE00  }
0x140: {  	[tilespmem:s0], [sflag:$0x2] =	stream.indirect.gather [hbm4b:s1+s21], $0x80, s11, s21, $0xb8;
	[tilespmem:$0x1C800] =	vst v63  }
0x141: {  	s28 =	simm.s32 $0x280;
	s11 =	simm.s32 $0x9400  }
0x142: {  	[tilespmem:s11], [sflag:$0x2] =	stream.indirect.gather [hbm4b:s1+s21], $0x80, s28, s21, $0xb8;
	[tilespmem:$0x1C800] =	vst v63  }
0x143: {  	s5 =	simm.s32 $0x300;
	s28 =	simm.s32 $0xB000  }
0x144: {  	[tilespmem:s28], [sflag:$0x2] =	stream.indirect.gather [hbm4b:s1+s21], $0x80, s5, s21, $0xb8;
	[tilespmem:$0x1C800] =	vst v63  }
0x145: {  	s7 =	simm.s32 $0x380;
	s5 =	simm.s32 $0xCC00  }
0x146: {  	[tilespmem:s5], [sflag:$0x2] =	stream.indirect.gather [hbm4b:s1+s21], $0x80, s7, s21, $0xb8;
	[tilespmem:$0x1C800] =	vst v63  }
0x147: {  	_ =	swait.ge [sflag:s10], $0x1900  }
0x148: {  	[sflag:s10] =	ssyncset.done $0x0  }
0x149: {  	[sflag:s10] =	ssyncadd.s32 $0xFFFFE700  }
0x14a: {  	_ =	swait.ge [sflag:s10], $0x1900  }
0x14b: {  	[sflag:s10] =	ssyncset.done $0x0  }
0x14c: {  	[sflag:s10] =	ssyncadd.s32 $0xFFFFE700  }
0x14d: {  	_ =	swait.ge [sflag:s10], $0x1900  }
0x14e: {  	[sflag:s10] =	ssyncset.done $0x0  }
0x14f: {  	[sflag:s10] =	ssyncadd.s32 $0xFFFFE700  }
0x150: {  	_ =	swait.ge [sflag:s10], $0x1900  }
0x151: {  	p1 =	seq.s32 s29, $0x69000;
	[sflag:s10] =	ssyncset.done $0x0  }
0x152: {  	s2 =	sadd.s32 @!p1 $0xFFFFFF80, s24;
	s29 =	simm.s32 @!p1 $0x0;
	[sflag:s10] =	ssyncadd.s32 $0xFFFFE700  }
0x153: {  	[tilespmem:s29], [sflag:$0x9] =	stream.linear.gather @!p1 [hbm4b:s2+s29], $0x200, $0x38;
	[tilespmem:$0x1C800] =	vst v63  }
0x154: {  	s31 =	sadd.s32 $0x3800, s26  }
0x155: {  	[hbm4b:s31+s3] =	stream.linear.scatter [tilespmem:s8], [sflag:$0x5], $0x1900, $0x38;
	[tilespmem:$0x1C800] =	vst v63  }
0x156: {  	s7 =	sadd.s32 $0x3B80, s26  }
0x157: {  	[hbm4b:s7+s3] =	stream.linear.scatter [tilespmem:s30], [sflag:$0x5], $0x1900, $0x38;
	[tilespmem:$0x1C800] =	vst v63  }
0x158: {  	s31 =	sadd.s32 $0x3F00, s26  }
0x159: {  	[hbm4b:s31+s3] =	stream.linear.scatter [tilespmem:s18], [sflag:$0x5], $0x1900, $0x38;
	[tilespmem:$0x1C800] =	vst v63  }
0x15a: {  	s8 =	sadd.s32 $0x4280, s26  }
0x15b: {  	[hbm4b:s8+s3] =	stream.linear.scatter [tilespmem:s14], [sflag:$0x5], $0x1900, $0x38;
	[tilespmem:$0x1C800] =	vst v63  }
0x15c: {  	s14 =	simm.s32 $0x7  }
0x15d: {  	_ =	swait.ge [sflag:s14], $0x6400  }
0x15e: {  	[sflag:s14] =	ssyncset.done $0x0  }
0x15f: {  	s30 =	simm.s32 $0xB;
	[sflag:s14] =	ssyncadd.s32 $0xFFFF9C00  }
0x160: {  	_ =	swait.ge [sflag:s30], $0x200  }
0x161: {  	[sflag:s30] =	ssyncset.done $0x0  }
0x162: {  	s7 =	simm.s32 $0x400;
	s14 =	simm.s32 $0xE800;
	[sflag:s30] =	ssyncadd.s32 $0xFFFFFE00  }
0x163: {  	[tilespmem:s14], [sflag:$0x3] =	stream.indirect.gather [hbm4b:s1+s21], $0x80, s7, s21, $0xb8;
	[tilespmem:$0x1C800] =	vst v63  }
0x164: {  	s8 =	simm.s32 $0x480;
	s7 =	simm.s32 $0x10400  }
0x165: {  	[tilespmem:s7], [sflag:$0x3] =	stream.indirect.gather [hbm4b:s1+s21], $0x80, s8, s21, $0xb8;
	[tilespmem:$0x1C800] =	vst v63  }
0x166: {  	s8 =	simm.s32 $0x500  }
0x167: {  	[tilespmem:s6], [sflag:$0x3] =	stream.indirect.gather [hbm4b:s1+s21], $0x80, s8, s21, $0xb8;
	[tilespmem:$0x1C800] =	vst v63  }
0x168: {  	s6 =	simm.s32 $0x580  }
0x169: {  	[tilespmem:s4], [sflag:$0x3] =	stream.indirect.gather [hbm4b:s1+s21], $0x80, s6, s21, $0xb8;
	[tilespmem:$0x1C800] =	vst v63  }
0x16a: {  	_ =	swait.ge [sflag:s17], $0x1900  }
0x16b: {  	[sflag:s17] =	ssyncset.done $0x0  }
0x16c: {  	[sflag:s17] =	ssyncadd.s32 $0xFFFFE700  }
0x16d: {  	_ =	swait.ge [sflag:s17], $0x1900  }
0x16e: {  	[sflag:s17] =	ssyncset.done $0x0  }
0x16f: {  	[sflag:s17] =	ssyncadd.s32 $0xFFFFE700  }
0x170: {  	_ =	swait.ge [sflag:s17], $0x1900  }
0x171: {  	[sflag:s17] =	ssyncset.done $0x0  }
0x172: {  	[sflag:s17] =	ssyncadd.s32 $0xFFFFE700  }
0x173: {  	_ =	swait.ge [sflag:s17], $0x1900  }
0x174: {  	[sflag:s17] =	ssyncset.done $0x0  }
0x175: {  	s2 =	sadd.s32 @!p1 $0xFFFFFFC0, s24;
	s31 =	simm.s32 @!p1 $0x200;
	[sflag:s17] =	ssyncadd.s32 $0xFFFFE700  }
0x176: {  	[tilespmem:s31], [sflag:$0xA] =	stream.linear.gather @!p1 [hbm4b:s2+s29], $0x200, $0x38;
	[tilespmem:$0x1C800] =	vst v63  }
0x177: {  	s6 =	sadd.s32 $0x4600, s26  }
0x178: {  	[hbm4b:s6+s3] =	stream.linear.scatter [tilespmem:s0], [sflag:$0x6], $0x1900, $0x38;
	[tilespmem:$0x1C800] =	vst v63  }
0x179: {  	s2 =	sadd.s32 $0x4980, s26  }
0x17a: {  	[hbm4b:s2+s3] =	stream.linear.scatter [tilespmem:s11], [sflag:$0x6], $0x1900, $0x38;
	[tilespmem:$0x1C800] =	vst v63  }
0x17b: {  	s6 =	sadd.s32 $0x4D00, s26  }
0x17c: {  	[hbm4b:s6+s3] =	stream.linear.scatter [tilespmem:s28], [sflag:$0x6], $0x1900, $0x38;
	[tilespmem:$0x1C800] =	vst v63  }
0x17d: {  	s0 =	sadd.s32 $0x5080, s26  }
0x17e: {  	[hbm4b:s0+s3] =	stream.linear.scatter [tilespmem:s5], [sflag:$0x6], $0x1900, $0x38;
	[tilespmem:$0x1C800] =	vst v63  }
0x17f: {  	_ =	swait.ge [sflag:s19], $0x6400  }
0x180: {  	[sflag:s19] =	ssyncset.done $0x0  }
0x181: {  	s18 =	simm.s32 $0xC;
	[sflag:s19] =	ssyncadd.s32 $0xFFFF9C00  }
0x182: {  	_ =	swait.ge [sflag:s18], $0x200  }
0x183: {  	[sflag:s18] =	ssyncset.done $0x0  }
0x184: {  	[sflag:s18] =	ssyncadd.s32 $0xFFFFFE00  }
0x185: {  	[tilespmem:s15], [sflag:$0x4] =	stream.indirect.gather [hbm4b:s1+s21], $0x80, s20, s21, $0xb8;
	[tilespmem:$0x1C800] =	vst v63  }
0x186: {  	s2 =	simm.s32 $0x680  }
0x187: {  	[tilespmem:s13], [sflag:$0x4] =	stream.indirect.gather [hbm4b:s1+s21], $0x80, s2, s21, $0xb8;
	[tilespmem:$0x1C800] =	vst v63  }
0x188: {  	s5 =	simm.s32 $0x700  }
0x189: {  	[tilespmem:s16], [sflag:$0x4] =	stream.indirect.gather [hbm4b:s1+s21], $0x80, s5, s21, $0xb8;
	[tilespmem:$0x1C800] =	vst v63  }
0x18a: {  	s6 =	simm.s32 $0x780  }
0x18b: {  	[tilespmem:s23], [sflag:$0x4] =	stream.indirect.gather [hbm4b:s1+s21], $0x80, s6, s21, $0xb8;
	[tilespmem:$0x1C800] =	vst v63  }
0x18c: {  	_ =	swait.ge [sflag:s9], $0x1900  }
0x18d: {  	[sflag:s9] =	ssyncset.done $0x0  }
0x18e: {  	[sflag:s9] =	ssyncadd.s32 $0xFFFFE700  }
0x18f: {  	_ =	swait.ge [sflag:s9], $0x1900  }
0x190: {  	[sflag:s9] =	ssyncset.done $0x0  }
0x191: {  	[sflag:s9] =	ssyncadd.s32 $0xFFFFE700  }
0x192: {  	_ =	swait.ge [sflag:s9], $0x1900  }
0x193: {  	[sflag:s9] =	ssyncset.done $0x0  }
0x194: {  	[sflag:s9] =	ssyncadd.s32 $0xFFFFE700  }
0x195: {  	s22 =	sadd.s32 $0x3800, s22;
	_ =	swait.ge [sflag:s9], $0x1900  }
0x196: {  	p0 =	sne.s32 s22, $0x6C800;
	s8 =	simm.s32 $0x13C00;
	[sflag:s9] =	ssyncset.done $0x0  }
0x197: {  	s4 =	simm.s32 $0x12000;
	s2 =	simm.s32 @!p1 $0x400;
	[sflag:s9] =	ssyncadd.s32 $0xFFFFE700  }
0x198: {  	[tilespmem:s2], [sflag:$0xB] =	stream.linear.gather @!p1 [hbm4b:s24+s29], $0x200, $0x38;
	[tilespmem:$0x1C800] =	vst v63  }
0x199: {  	s31 =	simm.s32 $0x80;
	s11 =	simm.s32 $0x15800;
	s23 =	sadd.s32 $0x5400, s26  }
0x19a: {  	[hbm4b:s23+s3] =	stream.linear.scatter [tilespmem:s14], [sflag:$0x7], $0x1900, $0x38;
	[tilespmem:$0x1C800] =	vst v63  }
.Ltmp0:
0x19b: {  	s28 =	sadd.s32 $0x5780, s26;
	s20 =	simm.s32 $0x9;
	(pc) =	sbr.rel @p0 .LBB2_2-.Ltmp0, $4  }
0x19c: {  	s15 =	simm.s32 $0x17400;
	s13 =	simm.s32 $0x19000;
	s16 =	simm.s32 $0x1AC00  }
0x19d: {  	[hbm4b:s28+s3] =	stream.linear.scatter [tilespmem:s7], [sflag:$0x7], $0x1900, $0x38;
	[tilespmem:$0x1C800] =	vst v63  }
0x19e: {  	s6 =	simm.s32 $0x12000;
	s29 =	sadd.s32 $0x5B00, s26;
	s26 =	sadd.s32 $0x5E80, s26  }
0x19f: {  	[hbm4b:s29+s3] =	stream.linear.scatter [tilespmem:s4], [sflag:$0x7], $0x1900, $0x38;
	[tilespmem:$0x1C800] =	vst v63  }
0x1a0: {  	[hbm4b:s26+s3] =	stream.linear.scatter [tilespmem:s8], [sflag:$0x7], $0x1900, $0x38;
	[tilespmem:$0x1C800] =	vst v63  }
0x1a1: {  	_ =	swait.ge [sflag:s25], $0x1900  }
0x1a2: {  	[sflag:s25] =	ssyncset.done $0x0  }
0x1a3: {  	[sflag:s25] =	ssyncadd.s32 $0xFFFFE700  }
0x1a4: {  	_ =	swait.ge [sflag:s25], $0x1900  }
0x1a5: {  	[sflag:s25] =	ssyncset.done $0x0  }
0x1a6: {  	[sflag:s25] =	ssyncadd.s32 $0xFFFFE700  }
0x1a7: {  	_ =	swait.ge [sflag:s25], $0x1900  }
0x1a8: {  	[sflag:s25] =	ssyncset.done $0x0  }
0x1a9: {  	[sflag:s25] =	ssyncadd.s32 $0xFFFFE700  }
0x1aa: {  	_ =	swait.ge [sflag:s25], $0x1900  }
0x1ab: {  	[sflag:s25] =	ssyncset.done $0x0  }
0x1ac: {  	s6 =	rddreg [dreg:$0xf];
	[sflag:s25] =	ssyncadd.s32 $0xFFFFE700  }
0x1ad: {  	[hbm4b:s6+s3] =	stream.linear.scatter [tilespmem:s11], [sflag:$0x8], $0x1900, $0x38;
	[tilespmem:$0x1C800] =	vst v63  }
0x1ae: {  	s2 =	sadd.s32 $0x380, s6  }
0x1af: {  	[hbm4b:s2+s3] =	stream.linear.scatter [tilespmem:s15], [sflag:$0x8], $0x1900, $0x38;
	[tilespmem:$0x1C800] =	vst v63  }
0x1b0: {  	s22 =	sadd.s32 $0x700, s6  }
0x1b1: {  	[hbm4b:s22+s3] =	stream.linear.scatter [tilespmem:s13], [sflag:$0x8], $0x1900, $0x38;
	[tilespmem:$0x1C800] =	vst v63  }
0x1b2: {  	s24 =	simm.s32 $0x5;
	s23 =	sadd.s32 $0xA80, s6  }
0x1b3: {  	[hbm4b:s23+s3] =	stream.linear.scatter [tilespmem:s16], [sflag:$0x8], $0x1900, $0x38;
	[tilespmem:$0x1C800] =	vst v63  }
0x1b4: {  	_ =	swait.ge [sflag:s24], $0x6400  }
0x1b5: {  	[sflag:s24] =	ssyncset.done $0x0  }
0x1b6: {  	s0 =	simm.s32 $0x6;
	[sflag:s24] =	ssyncadd.s32 $0xFFFF9C00  }
0x1b7: {  	_ =	swait.ge [sflag:s0], $0x6400  }
0x1b8: {  	[sflag:s0] =	ssyncset.done $0x0  }
0x1b9: {  	s26 =	simm.s32 $0x7;
	[sflag:s0] =	ssyncadd.s32 $0xFFFF9C00  }
0x1ba: {  	_ =	swait.ge [sflag:s26], $0x6400  }
0x1bb: {  	[sflag:s26] =	ssyncset.done $0x0  }
0x1bc: {  	[sflag:s26] =	ssyncadd.s32 $0xFFFF9C00  }
0x1bd: {  	_ =	swait.ge [sflag:s19], $0x6400  }
0x1be: {  	s4 =	rddreg [dreg:$0x12]  }
0x1bf: {  	s28 =	rddreg [dreg:$0x10];
	s4 =	sadd.s32 $0x1, s4  }
0x1c0: {  	p0 =	sne.s32 s4, s28  }
.Ltmp1:
0x1c1: {  	s29 =	simm.s32 $0x400;
	s8 =	simm.s32 $0x600;
	(pc) =	sbr.rel @p0 .LBB2_1-.Ltmp1, $4  }
0x1c2: {  	s12 =	simm.s32 $0xA;
	s6 =	simm.s32 $0x200;
	s11 =	simm.s32 $0x2400  }
0x1c3: {  	s15 =	simm.s32 $0x800;
	s13 =	simm.s32 $0x4000;
	s22 =	simm.s32 $0x7800  }
0x1c4: {  	s16 =	simm.s32 $0x5C00;
	s23 =	simm.s32 $0x280;
	[sflag:s19] =	ssyncset.done $0x0  }
0x1c5: {  	s24 =	simm.s32 $0x100;
	s26 =	simm.s32 $0x180;
	[sflag:s19] =	ssyncadd.s32 $0xFFFF9C00  }
0x1c6: {  	_ =	sfence.sel $0x180000  }
0x1c7: {  	[bflag:$0x0] =	sbarrier.arrive $0xFFFF  }
0x1c8: {  	_ =	strace $0x90000047  }
0x1c9: {  	s0 =	stileid.u32;
	[bflag:$0x2] =	sbarrier.arrive $0xFFFF  }
0x1ca: {  	p0 =	sne.s32 s0, $0x0;
	s0 =	rddreg [dreg:$0x3]  }
0x1cb: {  	s0 =	sadd.s32 @!p0 $0x100000, s0  }
0x1cc: {  	[sflag:s0] =	ssyncadd.tile.s32 @!p0 $0x1;
	_ =	shalt  }
.Lfunc_end2:
_tile_overlayer_lowered:
.L_overlay_start_2:
0x1cd: {  	(tag) =	ssettag $0x2  }
0x1ce: {  	s0 =	rddreg [dreg:$0x0];
	s2 =	stileid.u32  }
0x1cf: {  	s1 =	rddreg [dreg:$0x1];
	p0 =	sne.s32 s2, $0x0  }
0x1d0: {  	s3 =	rddreg [dreg:$0x2];
	[bflag:$0x3] =	sbarrier.arrive $0xFFFF;
	s2 =	simm.s32 @!p0 $0x1C0D  }
0x1d1: {  	[timem:s3], [sflag:s2] =	dma.local @!p0 [hbm:s0], s1  }
0x1d2: {  	s0 =	simm.s32 @!p0 $0xD  }
0x1d3: {  	_ =	swait.ge @!p0 [sflag:s0], s1  }
0x1d4: {  	s1 =	ssub.s32 @!p0 $0x0, s1;
	[sflag:s0] =	ssyncset.done @!p0 $0x0  }
0x1d5: {  	[sflag:s0] =	ssyncadd.s32 @!p0 s1  }
0x1d6: {  	[bflag:$0x3] =	sbarrier.arrive $0xFFFF  }
0x1d7: {  	_ =	shalt  }

</sc_bundles>
